<compile_context>
chip_gen: v7x
topology: tpu7x:2x2x1
jax: 0.10.2.dev20260603
libtpu: 0.0.44.dev20260713+nightly
codegen_flags: <defaults>
</compile_context>

<pallas_src>
import functools

import jax
import jax.numpy as jnp
from jax import lax
from jax.experimental import pallas as pl
from jax.experimental.pallas import tpu as pltpu
from jax.experimental.pallas import tpu_sc as plsc

V, H, W = 8, 512, 512
N = H * W
NT = V * N
CH = 16384
NC_H = N // CH
C = 8192


def _proj_body(T_ref, K_ref, h_ref, cls_ref, conf_ref, maskf_ref, dep_ref,
               lin_ref, dm_ref, tab_ref):
    v = pl.program_id(0)
    c = pl.program_id(1)

    hT = h_ref[0]
    T = T_ref[0]
    wh = jax.lax.dot_general(T, hT, (((1,), (0,)), ((), ())),
                             preferred_element_type=jnp.float32)
    pc = wh[0:3] / wh[3:4]
    img = jax.lax.dot_general(K_ref[...], pc, (((1,), (0,)), ((), ())),
                              preferred_element_type=jnp.float32)
    uv = img[0:2] / img[2:3]
    ij = uv.astype(jnp.int32)
    ix = ij[0:1]
    iy = ij[1:2]
    valid = (ix >= 0) & (ix < W) & (iy >= 0) & (iy < H)
    ixc = jnp.clip(ix, 0, W - 1)
    iyc = jnp.clip(iy, 0, H - 1)

    keep = valid & (cls_ref[...][None] > 0.0) & (conf_ref[...][None] > 0.5)
    spread = jax.lax.broadcasted_iota(jnp.int32, (1, CH), 1) & (N - 1)
    lin_ref[...] = jnp.where(keep, iyc * W + ixc, spread)[0]
    dm_ref[...] = jnp.where(keep, pc[2:3], -jnp.inf)[0]

    @pl.when((v == 0) & (c == 0))
    def _():
        tab_ref[...] = jnp.where(maskf_ref[...] > 0.0, dep_ref[...], jnp.inf)


def _project(Ts, K, hmat, cls4, conf4, maskf, depths):
    full = lambda: pl.BlockSpec((H, W), lambda v, c: (0, 0))
    pix = lambda: pl.BlockSpec((CH,), lambda v, c: (v * NC_H + c,))
    return pl.pallas_call(
        _proj_body,
        grid=(V, NC_H),
        in_specs=[
            pl.BlockSpec((1, 4, 4), lambda v, c: (v, 0, 0)),
            pl.BlockSpec((3, 3), lambda v, c: (0, 0)),
            pl.BlockSpec((1, 4, CH), lambda v, c: (v, 0, c)),
            pix(), pix(),
            full(), full(),
        ],
        out_specs=[pix(), pix(), full()],
        out_shape=[
            jax.ShapeDtypeStruct((NT,), jnp.int32),
            jax.ShapeDtypeStruct((NT,), jnp.float32),
            jax.ShapeDtypeStruct((H, W), jnp.float32),
        ],
    )(Ts, K, hmat, cls4, conf4, maskf, depths)


def _gather_compare(lin, dm, table):
    info = plsc.get_sparse_core_info()
    nc, ns = info.num_cores, info.num_subcores
    nw = nc * ns
    per_w = NT // nw
    nchunk = per_w // C
    mesh = plsc.VectorSubcoreMesh(core_axis_name="c", subcore_axis_name="s")

    @functools.partial(
        pl.kernel,
        mesh=mesh,
        out_type=jax.ShapeDtypeStruct((NT,), jnp.int32),
        scratch_types=[
            pltpu.VMEM_SHARED((N,), jnp.float32),
            pltpu.VMEM((C,), jnp.int32),
            pltpu.VMEM((C,), jnp.int32),
            pltpu.VMEM((2, C), jnp.float32),
            pltpu.VMEM((C,), jnp.float32),
            pltpu.VMEM((2, C), jnp.int32),
            pltpu.SemaphoreType.DMA,
            pltpu.SemaphoreType.DMA,
            pltpu.SemaphoreType.DMA,
        ],
    )
    def k(lin_hbm, dm_hbm, tab_hbm, out_hbm, tab_s, idx0, idx1, d_v, g_v,
          o_v, sin, sg, so):
        sid = lax.axis_index("s")
        wid = sid * nc + lax.axis_index("c")
        base = wid * per_w

        @pl.when(sid == 0)
        def _():
            pltpu.sync_copy(tab_hbm, tab_s)

        plsc.subcore_barrier()

        idxs = (idx0, idx1)

        def start_in(j):
            off = base + j * C
            pltpu.async_copy(lin_hbm.at[pl.ds(off, C)], idxs[j % 2], sin)
            pltpu.async_copy(dm_hbm.at[pl.ds(off, C)], d_v.at[j % 2], sin)

        start_in(0)
        for j in range(nchunk):
            slot = j % 2
            if j + 1 < nchunk:
                start_in(j + 1)
            pltpu.make_async_copy(lin_hbm.at[pl.ds(base, C)],
                                  idxs[slot], sin).wait()
            pltpu.make_async_copy(dm_hbm.at[pl.ds(base, C)],
                                  d_v.at[slot], sin).wait()
            pltpu.async_copy(tab_s.at[idxs[slot]], g_v, sg).wait()

            if j >= 2:
                pltpu.make_async_copy(o_v.at[slot],
                                      out_hbm.at[pl.ds(base, C)], so).wait()

            def cmp16(i, _, slot=slot):
                sl = pl.ds(i * 16, 16)
                cmp = d_v[slot, sl] > g_v[sl]
                o_v[slot, sl] = lax.select(cmp, jnp.ones((16,), jnp.int32),
                                           jnp.zeros((16,), jnp.int32))
                return 0

            lax.fori_loop(0, C // 16, cmp16, 0, unroll=8)
            pltpu.async_copy(o_v.at[slot], out_hbm.at[pl.ds(base + j * C, C)],
                             so)
        for _ in range(min(nchunk, 2)):
            pltpu.make_async_copy(o_v.at[0], out_hbm.at[pl.ds(base, C)],
                                  so).wait()

    return k(lin, dm, table)


def kernel(pointmaps, classifier, conf_pointmaps, input_mask, input_c2w,
           input_K, input_depths, new_c2ws):
    input_w2c = jnp.linalg.inv(input_c2w)
    Ts = jax.vmap(lambda c2w: input_w2c @ c2w)(new_c2ws)

    hmat = jnp.stack([pointmaps[..., 0].reshape(V, N),
                      pointmaps[..., 1].reshape(V, N),
                      pointmaps[..., 2].reshape(V, N),
                      jnp.ones((V, N), jnp.float32)], axis=1)
    cls4 = classifier.reshape(NT)
    conf4 = conf_pointmaps.reshape(NT)
    maskf = input_mask.astype(jnp.float32)

    lin, dm, table = _project(Ts, input_K, hmat, cls4, conf4, maskf,
                              input_depths)
    out = _gather_compare(lin, dm, table.reshape(-1))
    return out.astype(bool).reshape(1, V, H, W)

# --- scband reference (transcript-rebuilt; emitter-appended) ---
"""Pipeline reference for scband-post-process-wrapper-6854767804633 (READ-ONLY COPY).

The authoritative reference and input builder live on the scoring server;
editing this copy changes nothing except your own understanding.
"""

import jax, jax.numpy as jnp
import numpy as np


def setup_inputs(seed: int = 0) -> dict:
    key = jax.random.key(seed)
    ks = jax.random.split(key, 8)
    V, H, W = 8, 512, 512
    pointmaps = jax.random.normal(ks[0], (V, H, W, 3), dtype=jnp.float32) * 2.0
    classifier = jax.random.normal(ks[1], (1, V, H, W), dtype=jnp.float32)
    conf_pointmaps = jax.random.uniform(ks[2], (1, V, H, W), dtype=jnp.float32)
    input_mask = jax.random.randint(ks[3], (H, W), 0, 2) > 0
    input_c2w = jnp.eye(4, dtype=jnp.float32) + 0.01 * jax.random.normal(ks[4], (4, 4), dtype=jnp.float32)
    fx = 500.0
    input_K = jnp.array([[fx, 0.0, W / 2.0], [0.0, fx, H / 2.0], [0.0, 0.0, 1.0]], dtype=jnp.float32)
    input_depths = jax.random.uniform(ks[5], (H, W), dtype=jnp.float32) * 3.0
    new_c2ws = jnp.tile(jnp.eye(4, dtype=jnp.float32)[None], (V, 1, 1)) + 0.01 * jax.random.normal(ks[6], (V, 4, 4), dtype=jnp.float32)
    return {"pointmaps": pointmaps, "classifier": classifier, "conf_pointmaps": conf_pointmaps,
            "input_mask": input_mask, "input_c2w": input_c2w, "input_K": input_K,
            "input_depths": input_depths, "new_c2ws": new_c2ws}


def reference(pointmaps, classifier, conf_pointmaps, input_mask, input_c2w, input_K, input_depths, new_c2ws):
    pred_mask_threshold = 0.5
    set_conf = 0.5
    V, H, W, _ = pointmaps.shape
    input_w2c = jnp.linalg.inv(input_c2w)

    def transform(pmap, c2w):
        T = input_w2c @ c2w
        h = jnp.concatenate([pmap, jnp.ones(pmap.shape[:-1] + (1,), dtype=pmap.dtype)], axis=-1)
        wh = h @ T.T
        return wh[..., :3] / wh[..., 3:4]

    pts_cam = jax.vmap(transform)(pointmaps, new_c2ws)  # [V, H, W, 3]
    img = pts_cam @ input_K.T
    img_coords = (img[..., :2] / img[..., 2:3]).astype(jnp.int32)
    xs = img_coords[..., 0].reshape(V, -1)
    ys = img_coords[..., 1].reshape(V, -1)
    valid = (xs >= 0) & (xs < W) & (ys >= 0) & (ys < H)
    xs_c = jnp.clip(xs, 0, W - 1)
    ys_c = jnp.clip(ys, 0, H - 1)
    flat_input_mask = input_mask[ys_c, xs_c]
    input_mask_mask = flat_input_mask & valid
    depth_points = pts_cam[..., -1].reshape(V, -1)
    depths_g = input_depths[ys_c, xs_c]
    depth_mask = (depth_points > depths_g) & input_mask_mask
    ii, jj = jnp.meshgrid(jnp.arange(H), jnp.arange(W), indexing='ij')
    i_idx = jnp.broadcast_to(ii.reshape(-1)[None, :], (V, H * W))
    j_idx = jnp.broadcast_to(jj.reshape(-1)[None, :], (V, H * W))
    v_idx = jnp.broadcast_to(jnp.arange(V)[:, None], (V, H * W))
    combined = jnp.zeros((V, H, W), dtype=jnp.float32).at[v_idx, i_idx, j_idx].set(depth_mask.astype(jnp.float32))
    project_masks = combined[None].astype(bool)
    pred_masks = jax.nn.sigmoid(classifier) > pred_mask_threshold
    conf_masks = conf_pointmaps > set_conf
    combined_mask = project_masks & pred_masks & conf_masks
    return combined_mask

if __name__ == "__main__":
    import jax
    _d = setup_inputs()
    print(jax.jit(kernel)(*tuple(_d.values())))

</pallas_src>

<mosaic_0001>
#map = affine_map<(d0, d1) -> (0)>
module attributes {stable_mosaic.version = 14 : i64} {
  func.func @k(%arg0: i32, %arg1: i32, %arg2: memref<2097152xi32, #tpu.memory_space<hbm>>, %arg3: memref<2097152xf32, #tpu.memory_space<hbm>>, %arg4: memref<262144xf32, #tpu.memory_space<hbm>>, %arg5: memref<2097152xi32, #tpu.memory_space<hbm>>, %arg6: memref<262144xf32, #tpu.memory_space<vmem_shared>>, %arg7: memref<8192xi32, #tpu.memory_space<vmem>>, %arg8: memref<8192xi32, #tpu.memory_space<vmem>>, %arg9: memref<2x8192xf32, #tpu.memory_space<vmem>>, %arg10: memref<8192xf32, #tpu.memory_space<vmem>>, %arg11: memref<2x8192xi32, #tpu.memory_space<vmem>>, %arg12: memref<!tpu.dma_semaphore, #tpu.memory_space<semaphore_mem>>, %arg13: memref<!tpu.dma_semaphore, #tpu.memory_space<semaphore_mem>>, %arg14: memref<!tpu.dma_semaphore, #tpu.memory_space<semaphore_mem>>) attributes {dimension_semantics = [#tpu.dimension_semantics<core_parallel>, #tpu.dimension_semantics<subcore_parallel>], iteration_bounds = array<i64: 2, 16>, scalar_prefetch = 0 : i64, scratch_operands = 9 : i64, tpu.core_type = #tpu.core_type<sc_vector_subcore>, window_params = [{transform_indices = #map}, {transform_indices = #map}, {transform_indices = #map}, {transform_indices = #map}]} {
    %mul3A = arith.constant 2 : i32
    %mul3A_0 = arith.muli %arg1, %mul3A : i32
    %add3A = arith.addi %mul3A_0, %arg0 : i32
    %mul3A_1 = arith.constant 65536 : i32
    %mul3A_2 = arith.muli %add3A, %mul3A_1 : i32
    %eq3A = arith.constant 0 : i32
    %eq3A_3 = arith.cmpi eq, %arg1, %eq3A : i32
    %convert_element_type3A = arith.extui %eq3A_3 : i1 to i32
    %cond3A = arith.constant 0 : i32
    %cond3A_4 = arith.cmpi ne, %convert_element_type3A, %cond3A : i32
    scf.if %cond3A_4 {
      "tpu.region"() ({
        %run_scoped3A = tpu.sem_alloc : memref<!tpu.dma_semaphore, #tpu.memory_space<semaphore_mem>>
        tpu.enqueue_dma source(%arg4 : memref<262144xf32, #tpu.memory_space<hbm>>) target(%arg6 : memref<262144xf32, #tpu.memory_space<vmem_shared>>) target_semaphore(%run_scoped3A : memref<!tpu.dma_semaphore, #tpu.memory_space<semaphore_mem>>)
        tpu.wait_dma2 semaphore(%run_scoped3A : memref<!tpu.dma_semaphore, #tpu.memory_space<semaphore_mem>>) src(%arg4 : memref<262144xf32, #tpu.memory_space<hbm>>) dst(%arg6 : memref<262144xf32, #tpu.memory_space<vmem_shared>>)
        tpu.yield
      }) : () -> ()
    } else {
    }
    %barrier3A = arith.constant 0 : index
    tpu.barrier barrier_id(%barrier3A)
    %add3A_5 = arith.constant 0 : i32
    %add3A_6 = arith.addi %mul3A_2, %add3A_5 : i32
    %dma_start3A = tpu.memref_slice %arg2[%add3A_6] : memref<2097152xi32, #tpu.memory_space<hbm>> -> memref<8192xi32, #tpu.memory_space<hbm>>
    %dma_start3A_7 = tpu.memref_slice %arg2[%add3A_6] : memref<2097152xi32, #tpu.memory_space<hbm>> -> memref<8192xi32, #tpu.memory_space<hbm>>
    tpu.enqueue_dma source(%dma_start3A_7 : memref<8192xi32, #tpu.memory_space<hbm>>) target(%arg7 : memref<8192xi32, #tpu.memory_space<vmem>>) target_semaphore(%arg12 : memref<!tpu.dma_semaphore, #tpu.memory_space<semaphore_mem>>)
    %dma_start3A_8 = arith.constant 0 : i32
    %dma_start3A_9 = arith.constant 0 : i32
    %dma_start3A_10 = tpu.memref_slice %arg9[%dma_start3A_8, %dma_start3A_9] : memref<2x8192xf32, #tpu.memory_space<vmem>> -> memref<1x8192xf32, #tpu.memory_space<vmem>>
    %dma_start3A_11 = tpu.memref_squeeze %dma_start3A_10 : memref<1x8192xf32, #tpu.memory_space<vmem>> -> memref<8192xf32, #tpu.memory_space<vmem>>
    %dma_start3A_12 = tpu.memref_slice %arg3[%add3A_6] : memref<2097152xf32, #tpu.memory_space<hbm>> -> memref<8192xf32, #tpu.memory_space<hbm>>
    %dma_start3A_13 = arith.constant 0 : i32
    %dma_start3A_14 = tpu.memref_slice %arg9[%dma_start3A_8, %dma_start3A_13] : memref<2x8192xf32, #tpu.memory_space<vmem>> -> memref<1x8192xf32, #tpu.memory_space<vmem>>
    %dma_start3A_15 = tpu.memref_squeeze %dma_start3A_14 : memref<1x8192xf32, #tpu.memory_space<vmem>> -> memref<8192xf32, #tpu.memory_space<vmem>>
    %dma_start3A_16 = tpu.memref_slice %arg3[%add3A_6] : memref<2097152xf32, #tpu.memory_space<hbm>> -> memref<8192xf32, #tpu.memory_space<hbm>>
    tpu.enqueue_dma source(%dma_start3A_16 : memref<8192xf32, #tpu.memory_space<hbm>>) target(%dma_start3A_15 : memref<8192xf32, #tpu.memory_space<vmem>>) target_semaphore(%arg12 : memref<!tpu.dma_semaphore, #tpu.memory_space<semaphore_mem>>)
    %add3A_17 = arith.constant 8192 : i32
    %add3A_18 = arith.addi %mul3A_2, %add3A_17 : i32
    %dma_start3A_19 = tpu.memref_slice %arg2[%add3A_18] : memref<2097152xi32, #tpu.memory_space<hbm>> -> memref<8192xi32, #tpu.memory_space<hbm>>
    %dma_start3A_20 = tpu.memref_slice %arg2[%add3A_18] : memref<2097152xi32, #tpu.memory_space<hbm>> -> memref<8192xi32, #tpu.memory_space<hbm>>
    tpu.enqueue_dma source(%dma_start3A_20 : memref<8192xi32, #tpu.memory_space<hbm>>) target(%arg8 : memref<8192xi32, #tpu.memory_space<vmem>>) target_semaphore(%arg12 : memref<!tpu.dma_semaphore, #tpu.memory_space<semaphore_mem>>)
    %dma_start3A_21 = arith.constant 1 : i32
    %dma_start3A_22 = arith.constant 0 : i32
    %dma_start3A_23 = tpu.memref_slice %arg9[%dma_start3A_21, %dma_start3A_22] : memref<2x8192xf32, #tpu.memory_space<vmem>> -> memref<1x8192xf32, #tpu.memory_space<vmem>>
    %dma_start3A_24 = tpu.memref_squeeze %dma_start3A_23 : memref<1x8192xf32, #tpu.memory_space<vmem>> -> memref<8192xf32, #tpu.memory_space<vmem>>
    %dma_start3A_25 = tpu.memref_slice %arg3[%add3A_18] : memref<2097152xf32, #tpu.memory_space<hbm>> -> memref<8192xf32, #tpu.memory_space<hbm>>
    %dma_start3A_26 = arith.constant 0 : i32
    %dma_start3A_27 = tpu.memref_slice %arg9[%dma_start3A_21, %dma_start3A_26] : memref<2x8192xf32, #tpu.memory_space<vmem>> -> memref<1x8192xf32, #tpu.memory_space<vmem>>
    %dma_start3A_28 = tpu.memref_squeeze %dma_start3A_27 : memref<1x8192xf32, #tpu.memory_space<vmem>> -> memref<8192xf32, #tpu.memory_space<vmem>>
    %dma_start3A_29 = tpu.memref_slice %arg3[%add3A_18] : memref<2097152xf32, #tpu.memory_space<hbm>> -> memref<8192xf32, #tpu.memory_space<hbm>>
    tpu.enqueue_dma source(%dma_start3A_29 : memref<8192xf32, #tpu.memory_space<hbm>>) target(%dma_start3A_28 : memref<8192xf32, #tpu.memory_space<vmem>>) target_semaphore(%arg12 : memref<!tpu.dma_semaphore, #tpu.memory_space<semaphore_mem>>)
    %dma_wait3A = tpu.memref_slice %arg2[%mul3A_2] : memref<2097152xi32, #tpu.memory_space<hbm>> -> memref<8192xi32, #tpu.memory_space<hbm>>
    %dma_wait3A_30 = tpu.memref_slice %arg2[%mul3A_2] : memref<2097152xi32, #tpu.memory_space<hbm>> -> memref<8192xi32, #tpu.memory_space<hbm>>
    tpu.wait_dma2 semaphore(%arg12 : memref<!tpu.dma_semaphore, #tpu.memory_space<semaphore_mem>>) src(%dma_wait3A_30 : memref<8192xi32, #tpu.memory_space<hbm>>) dst(%arg7 : memref<8192xi32, #tpu.memory_space<vmem>>)
    %dma_wait3A_31 = arith.constant 0 : i32
    %dma_wait3A_32 = arith.constant 0 : i32
    %dma_wait3A_33 = tpu.memref_slice %arg9[%dma_wait3A_31, %dma_wait3A_32] : memref<2x8192xf32, #tpu.memory_space<vmem>> -> memref<1x8192xf32, #tpu.memory_space<vmem>>
    %dma_wait3A_34 = tpu.memref_squeeze %dma_wait3A_33 : memref<1x8192xf32, #tpu.memory_space<vmem>> -> memref<8192xf32, #tpu.memory_space<vmem>>
    %dma_wait3A_35 = tpu.memref_slice %arg3[%mul3A_2] : memref<2097152xf32, #tpu.memory_space<hbm>> -> memref<8192xf32, #tpu.memory_space<hbm>>
    %dma_wait3A_36 = arith.constant 0 : i32
    %dma_wait3A_37 = tpu.memref_slice %arg9[%dma_wait3A_31, %dma_wait3A_36] : memref<2x8192xf32, #tpu.memory_space<vmem>> -> memref<1x8192xf32, #tpu.memory_space<vmem>>
    %dma_wait3A_38 = tpu.memref_squeeze %dma_wait3A_37 : memref<1x8192xf32, #tpu.memory_space<vmem>> -> memref<8192xf32, #tpu.memory_space<vmem>>
    %dma_wait3A_39 = tpu.memref_slice %arg3[%mul3A_2] : memref<2097152xf32, #tpu.memory_space<hbm>> -> memref<8192xf32, #tpu.memory_space<hbm>>
    tpu.wait_dma2 semaphore(%arg12 : memref<!tpu.dma_semaphore, #tpu.memory_space<semaphore_mem>>) src(%dma_wait3A_39 : memref<8192xf32, #tpu.memory_space<hbm>>) dst(%dma_wait3A_38 : memref<8192xf32, #tpu.memory_space<vmem>>)
    %dma_start3A_40 = arith.constant 0 : i32
    %dma_start3A_41 = tpu.memref_slice %arg6[%dma_start3A_40] : memref<262144xf32, #tpu.memory_space<vmem_shared>> -> memref<262144xf32, #tpu.memory_space<vmem_shared>>
    tpu.enqueue_indirect_dma source(%dma_start3A_41 : memref<262144xf32, #tpu.memory_space<vmem_shared>>) target(%arg10 : memref<8192xf32, #tpu.memory_space<vmem>>) offsets(%arg7 : memref<8192xi32, #tpu.memory_space<vmem>>) semaphore(%arg13 : memref<!tpu.dma_semaphore, #tpu.memory_space<semaphore_mem>>)
    %dma_wait3A_42 = arith.constant 0 : i32
    %dma_wait3A_43 = tpu.memref_slice %arg6[%dma_wait3A_42] : memref<262144xf32, #tpu.memory_space<vmem_shared>> -> memref<262144xf32, #tpu.memory_space<vmem_shared>>
    tpu.wait_indirect_dma semaphore(%arg13 : memref<!tpu.dma_semaphore, #tpu.memory_space<semaphore_mem>>) src(%dma_wait3A_43 : memref<262144xf32, #tpu.memory_space<vmem_shared>>) dst(%arg10 : memref<8192xf32, #tpu.memory_space<vmem>>)
    %scan3A = arith.constant 0 : i32
    %scan3A_44 = arith.constant 0 : i32
    %scan3A_45 = arith.constant 512 : i32
    %scan3A_46 = arith.addi %scan3A_44, %scan3A_45 : i32
    %scan3A_47 = arith.constant 8 : i32
    %scan3A_48 = scf.for %scan3A_442 = %scan3A_44 to %scan3A_46 step %scan3A_47 iter_args(%scan3A_443 = %scan3A) -> (i32)  : i32 {
      %mul3A_444 = arith.constant 16 : i32
      %mul3A_445 = arith.muli %scan3A_442, %mul3A_444 : i32
      %get3A = arith.constant 0 : i32
      %get3A_446 = arith.index_cast %get3A : i32 to index
      %get3A_447 = arith.index_cast %mul3A_445 : i32 to index
      %get3A_448 = tpu.vector_load %arg9[%get3A_446, %get3A_447] {strides = array<i32>} : memref<2x8192xf32, #tpu.memory_space<vmem>>, vector<1x16xf32>,
      %get3A_449 = vector.shape_cast %get3A_448 : vector<1x16xf32> to vector<16xf32>
      %get3A_450 = arith.index_cast %mul3A_445 : i32 to index
      %get3A_451 = tpu.vector_load %arg10[%get3A_450] {strides = array<i32>} : memref<8192xf32, #tpu.memory_space<vmem>>, vector<16xf32>,
      %get3A_452 = vector.shape_cast %get3A_451 : vector<16xf32> to vector<16xf32>
      %gt3A = arith.cmpf ogt, %get3A_449, %get3A_452 : vector<16xf32>
      %broadcast_in_dim3A = arith.constant 1 : i32
      %broadcast_in_dim3A_453 = vector.broadcast %broadcast_in_dim3A : i32 to vector<16xi32>
      %broadcast_in_dim3A_454 = arith.constant 0 : i32
      %broadcast_in_dim3A_455 = vector.broadcast %broadcast_in_dim3A_454 : i32 to vector<16xi32>
      %select_n3A = arith.select %gt3A, %broadcast_in_dim3A_453, %broadcast_in_dim3A_455 : vector<16xi1>, vector<16xi32>
      %swap3A = arith.constant 0 : i32
      %swap3A_456 = arith.index_cast %swap3A : i32 to index
      %swap3A_457 = arith.index_cast %mul3A_445 : i32 to index
      %swap3A_458 = tpu.vector_load %arg11[%swap3A_456, %swap3A_457] {strides = array<i32>} : memref<2x8192xi32, #tpu.memory_space<vmem>>, vector<1x16xi32>,
      %swap3A_459 = vector.shape_cast %swap3A_458 : vector<1x16xi32> to vector<16xi32>
      %swap3A_460 = vector.shape_cast %select_n3A : vector<16xi32> to vector<1x16xi32>
      tpu.vector_store %arg11[%swap3A_456, %swap3A_457], %swap3A_460 {strides = array<i32>} : memref<2x8192xi32, #tpu.memory_space<vmem>>, vector<1x16xi32>,
      %scan3A_461 = arith.constant 0 : i32
      %scan3A_462 = arith.constant 1 : i32
      %scan3A_463 = arith.addi %scan3A_442, %scan3A_462 : i32
      %mul3A_464 = arith.constant 16 : i32
      %mul3A_465 = arith.muli %scan3A_463, %mul3A_464 : i32
      %get3A_466 = arith.constant 0 : i32
      %get3A_467 = arith.index_cast %get3A_466 : i32 to index
      %get3A_468 = arith.index_cast %mul3A_465 : i32 to index
      %get3A_469 = tpu.vector_load %arg9[%get3A_467, %get3A_468] {strides = array<i32>} : memref<2x8192xf32, #tpu.memory_space<vmem>>, vector<1x16xf32>,
      %get3A_470 = vector.shape_cast %get3A_469 : vector<1x16xf32> to vector<16xf32>
      %get3A_471 = arith.index_cast %mul3A_465 : i32 to index
      %get3A_472 = tpu.vector_load %arg10[%get3A_471] {strides = array<i32>} : memref<8192xf32, #tpu.memory_space<vmem>>, vector<16xf32>,
      %get3A_473 = vector.shape_cast %get3A_472 : vector<16xf32> to vector<16xf32>
      %gt3A_474 = arith.cmpf ogt, %get3A_470, %get3A_473 : vector<16xf32>
      %broadcast_in_dim3A_475 = arith.constant 1 : i32
      %broadcast_in_dim3A_476 = vector.broadcast %broadcast_in_dim3A_475 : i32 to vector<16xi32>
      %broadcast_in_dim3A_477 = arith.constant 0 : i32
      %broadcast_in_dim3A_478 = vector.broadcast %broadcast_in_dim3A_477 : i32 to vector<16xi32>
      %select_n3A_479 = arith.select %gt3A_474, %broadcast_in_dim3A_476, %broadcast_in_dim3A_478 : vector<16xi1>, vector<16xi32>
      %swap3A_480 = arith.constant 0 : i32
      %swap3A_481 = arith.index_cast %swap3A_480 : i32 to index
      %swap3A_482 = arith.index_cast %mul3A_465 : i32 to index
      %swap3A_483 = tpu.vector_load %arg11[%swap3A_481, %swap3A_482] {strides = array<i32>} : memref<2x8192xi32, #tpu.memory_space<vmem>>, vector<1x16xi32>,
      %swap3A_484 = vector.shape_cast %swap3A_483 : vector<1x16xi32> to vector<16xi32>
      %swap3A_485 = vector.shape_cast %select_n3A_479 : vector<16xi32> to vector<1x16xi32>
      tpu.vector_store %arg11[%swap3A_481, %swap3A_482], %swap3A_485 {strides = array<i32>} : memref<2x8192xi32, #tpu.memory_space<vmem>>, vector<1x16xi32>,
      %scan3A_486 = arith.constant 0 : i32
      %scan3A_487 = arith.constant 2 : i32
      %scan3A_488 = arith.addi %scan3A_442, %scan3A_487 : i32
      %mul3A_489 = arith.constant 16 : i32
      %mul3A_490 = arith.muli %scan3A_488, %mul3A_489 : i32
      %get3A_491 = arith.constant 0 : i32
      %get3A_492 = arith.index_cast %get3A_491 : i32 to index
      %get3A_493 = arith.index_cast %mul3A_490 : i32 to index
      %get3A_494 = tpu.vector_load %arg9[%get3A_492, %get3A_493] {strides = array<i32>} : memref<2x8192xf32, #tpu.memory_space<vmem>>, vector<1x16xf32>,
      %get3A_495 = vector.shape_cast %get3A_494 : vector<1x16xf32> to vector<16xf32>
      %get3A_496 = arith.index_cast %mul3A_490 : i32 to index
      %get3A_497 = tpu.vector_load %arg10[%get3A_496] {strides = array<i32>} : memref<8192xf32, #tpu.memory_space<vmem>>, vector<16xf32>,
      %get3A_498 = vector.shape_cast %get3A_497 : vector<16xf32> to vector<16xf32>
      %gt3A_499 = arith.cmpf ogt, %get3A_495, %get3A_498 : vector<16xf32>
      %broadcast_in_dim3A_500 = arith.constant 1 : i32
      %broadcast_in_dim3A_501 = vector.broadcast %broadcast_in_dim3A_500 : i32 to vector<16xi32>
      %broadcast_in_dim3A_502 = arith.constant 0 : i32
      %broadcast_in_dim3A_503 = vector.broadcast %broadcast_in_dim3A_502 : i32 to vector<16xi32>
      %select_n3A_504 = arith.select %gt3A_499, %broadcast_in_dim3A_501, %broadcast_in_dim3A_503 : vector<16xi1>, vector<16xi32>
      %swap3A_505 = arith.constant 0 : i32
      %swap3A_506 = arith.index_cast %swap3A_505 : i32 to index
      %swap3A_507 = arith.index_cast %mul3A_490 : i32 to index
      %swap3A_508 = tpu.vector_load %arg11[%swap3A_506, %swap3A_507] {strides = array<i32>} : memref<2x8192xi32, #tpu.memory_space<vmem>>, vector<1x16xi32>,
      %swap3A_509 = vector.shape_cast %swap3A_508 : vector<1x16xi32> to vector<16xi32>
      %swap3A_510 = vector.shape_cast %select_n3A_504 : vector<16xi32> to vector<1x16xi32>
      tpu.vector_store %arg11[%swap3A_506, %swap3A_507], %swap3A_510 {strides = array<i32>} : memref<2x8192xi32, #tpu.memory_space<vmem>>, vector<1x16xi32>,
      %scan3A_511 = arith.constant 0 : i32
      %scan3A_512 = arith.constant 3 : i32
      %scan3A_513 = arith.addi %scan3A_442, %scan3A_512 : i32
      %mul3A_514 = arith.constant 16 : i32
      %mul3A_515 = arith.muli %scan3A_513, %mul3A_514 : i32
      %get3A_516 = arith.constant 0 : i32
      %get3A_517 = arith.index_cast %get3A_516 : i32 to index
      %get3A_518 = arith.index_cast %mul3A_515 : i32 to index
      %get3A_519 = tpu.vector_load %arg9[%get3A_517, %get3A_518] {strides = array<i32>} : memref<2x8192xf32, #tpu.memory_space<vmem>>, vector<1x16xf32>,
      %get3A_520 = vector.shape_cast %get3A_519 : vector<1x16xf32> to vector<16xf32>
      %get3A_521 = arith.index_cast %mul3A_515 : i32 to index
      %get3A_522 = tpu.vector_load %arg10[%get3A_521] {strides = array<i32>} : memref<8192xf32, #tpu.memory_space<vmem>>, vector<16xf32>,
      %get3A_523 = vector.shape_cast %get3A_522 : vector<16xf32> to vector<16xf32>
      %gt3A_524 = arith.cmpf ogt, %get3A_520, %get3A_523 : vector<16xf32>
      %broadcast_in_dim3A_525 = arith.constant 1 : i32
      %broadcast_in_dim3A_526 = vector.broadcast %broadcast_in_dim3A_525 : i32 to vector<16xi32>
      %broadcast_in_dim3A_527 = arith.constant 0 : i32
      %broadcast_in_dim3A_528 = vector.broadcast %broadcast_in_dim3A_527 : i32 to vector<16xi32>
      %select_n3A_529 = arith.select %gt3A_524, %broadcast_in_dim3A_526, %broadcast_in_dim3A_528 : vector<16xi1>, vector<16xi32>
      %swap3A_530 = arith.constant 0 : i32
      %swap3A_531 = arith.index_cast %swap3A_530 : i32 to index
      %swap3A_532 = arith.index_cast %mul3A_515 : i32 to index
      %swap3A_533 = tpu.vector_load %arg11[%swap3A_531, %swap3A_532] {strides = array<i32>} : memref<2x8192xi32, #tpu.memory_space<vmem>>, vector<1x16xi32>,
      %swap3A_534 = vector.shape_cast %swap3A_533 : vector<1x16xi32> to vector<16xi32>
      %swap3A_535 = vector.shape_cast %select_n3A_529 : vector<16xi32> to vector<1x16xi32>
      tpu.vector_store %arg11[%swap3A_531, %swap3A_532], %swap3A_535 {strides = array<i32>} : memref<2x8192xi32, #tpu.memory_space<vmem>>, vector<1x16xi32>,
      %scan3A_536 = arith.constant 0 : i32
      %scan3A_537 = arith.constant 4 : i32
      %scan3A_538 = arith.addi %scan3A_442, %scan3A_537 : i32
      %mul3A_539 = arith.constant 16 : i32
      %mul3A_540 = arith.muli %scan3A_538, %mul3A_539 : i32
      %get3A_541 = arith.constant 0 : i32
      %get3A_542 = arith.index_cast %get3A_541 : i32 to index
      %get3A_543 = arith.index_cast %mul3A_540 : i32 to index
      %get3A_544 = tpu.vector_load %arg9[%get3A_542, %get3A_543] {strides = array<i32>} : memref<2x8192xf32, #tpu.memory_space<vmem>>, vector<1x16xf32>,
      %get3A_545 = vector.shape_cast %get3A_544 : vector<1x16xf32> to vector<16xf32>
      %get3A_546 = arith.index_cast %mul3A_540 : i32 to index
      %get3A_547 = tpu.vector_load %arg10[%get3A_546] {strides = array<i32>} : memref<8192xf32, #tpu.memory_space<vmem>>, vector<16xf32>,
      %get3A_548 = vector.shape_cast %get3A_547 : vector<16xf32> to vector<16xf32>
      %gt3A_549 = arith.cmpf ogt, %get3A_545, %get3A_548 : vector<16xf32>
      %broadcast_in_dim3A_550 = arith.constant 1 : i32
      %broadcast_in_dim3A_551 = vector.broadcast %broadcast_in_dim3A_550 : i32 to vector<16xi32>
      %broadcast_in_dim3A_552 = arith.constant 0 : i32
      %broadcast_in_dim3A_553 = vector.broadcast %broadcast_in_dim3A_552 : i32 to vector<16xi32>
      %select_n3A_554 = arith.select %gt3A_549, %broadcast_in_dim3A_551, %broadcast_in_dim3A_553 : vector<16xi1>, vector<16xi32>
      %swap3A_555 = arith.constant 0 : i32
      %swap3A_556 = arith.index_cast %swap3A_555 : i32 to index
      %swap3A_557 = arith.index_cast %mul3A_540 : i32 to index
      %swap3A_558 = tpu.vector_load %arg11[%swap3A_556, %swap3A_557] {strides = array<i32>} : memref<2x8192xi32, #tpu.memory_space<vmem>>, vector<1x16xi32>,
      %swap3A_559 = vector.shape_cast %swap3A_558 : vector<1x16xi32> to vector<16xi32>
      %swap3A_560 = vector.shape_cast %select_n3A_554 : vector<16xi32> to vector<1x16xi32>
      tpu.vector_store %arg11[%swap3A_556, %swap3A_557], %swap3A_560 {strides = array<i32>} : memref<2x8192xi32, #tpu.memory_space<vmem>>, vector<1x16xi32>,
      %scan3A_561 = arith.constant 0 : i32
      %scan3A_562 = arith.constant 5 : i32
      %scan3A_563 = arith.addi %scan3A_442, %scan3A_562 : i32
      %mul3A_564 = arith.constant 16 : i32
      %mul3A_565 = arith.muli %scan3A_563, %mul3A_564 : i32
      %get3A_566 = arith.constant 0 : i32
      %get3A_567 = arith.index_cast %get3A_566 : i32 to index
      %get3A_568 = arith.index_cast %mul3A_565 : i32 to index
      %get3A_569 = tpu.vector_load %arg9[%get3A_567, %get3A_568] {strides = array<i32>} : memref<2x8192xf32, #tpu.memory_space<vmem>>, vector<1x16xf32>,
      %get3A_570 = vector.shape_cast %get3A_569 : vector<1x16xf32> to vector<16xf32>
      %get3A_571 = arith.index_cast %mul3A_565 : i32 to index
      %get3A_572 = tpu.vector_load %arg10[%get3A_571] {strides = array<i32>} : memref<8192xf32, #tpu.memory_space<vmem>>, vector<16xf32>,
      %get3A_573 = vector.shape_cast %get3A_572 : vector<16xf32> to vector<16xf32>
      %gt3A_574 = arith.cmpf ogt, %get3A_570, %get3A_573 : vector<16xf32>
      %broadcast_in_dim3A_575 = arith.constant 1 : i32
      %broadcast_in_dim3A_576 = vector.broadcast %broadcast_in_dim3A_575 : i32 to vector<16xi32>
      %broadcast_in_dim3A_577 = arith.constant 0 : i32
      %broadcast_in_dim3A_578 = vector.broadcast %broadcast_in_dim3A_577 : i32 to vector<16xi32>
      %select_n3A_579 = arith.select %gt3A_574, %broadcast_in_dim3A_576, %broadcast_in_dim3A_578 : vector<16xi1>, vector<16xi32>
      %swap3A_580 = arith.constant 0 : i32
      %swap3A_581 = arith.index_cast %swap3A_580 : i32 to index
      %swap3A_582 = arith.index_cast %mul3A_565 : i32 to index
      %swap3A_583 = tpu.vector_load %arg11[%swap3A_581, %swap3A_582] {strides = array<i32>} : memref<2x8192xi32, #tpu.memory_space<vmem>>, vector<1x16xi32>,
      %swap3A_584 = vector.shape_cast %swap3A_583 : vector<1x16xi32> to vector<16xi32>
      %swap3A_585 = vector.shape_cast %select_n3A_579 : vector<16xi32> to vector<1x16xi32>
      tpu.vector_store %arg11[%swap3A_581, %swap3A_582], %swap3A_585 {strides = array<i32>} : memref<2x8192xi32, #tpu.memory_space<vmem>>, vector<1x16xi32>,
      %scan3A_586 = arith.constant 0 : i32
      %scan3A_587 = arith.constant 6 : i32
      %scan3A_588 = arith.addi %scan3A_442, %scan3A_587 : i32
      %mul3A_589 = arith.constant 16 : i32
      %mul3A_590 = arith.muli %scan3A_588, %mul3A_589 : i32
      %get3A_591 = arith.constant 0 : i32
      %get3A_592 = arith.index_cast %get3A_591 : i32 to index
      %get3A_593 = arith.index_cast %mul3A_590 : i32 to index
      %get3A_594 = tpu.vector_load %arg9[%get3A_592, %get3A_593] {strides = array<i32>} : memref<2x8192xf32, #tpu.memory_space<vmem>>, vector<1x16xf32>,
      %get3A_595 = vector.shape_cast %get3A_594 : vector<1x16xf32> to vector<16xf32>
      %get3A_596 = arith.index_cast %mul3A_590 : i32 to index
      %get3A_597 = tpu.vector_load %arg10[%get3A_596] {strides = array<i32>} : memref<8192xf32, #tpu.memory_space<vmem>>, vector<16xf32>,
      %get3A_598 = vector.shape_cast %get3A_597 : vector<16xf32> to vector<16xf32>
      %gt3A_599 = arith.cmpf ogt, %get3A_595, %get3A_598 : vector<16xf32>
      %broadcast_in_dim3A_600 = arith.constant 1 : i32
      %broadcast_in_dim3A_601 = vector.broadcast %broadcast_in_dim3A_600 : i32 to vector<16xi32>
      %broadcast_in_dim3A_602 = arith.constant 0 : i32
      %broadcast_in_dim3A_603 = vector.broadcast %broadcast_in_dim3A_602 : i32 to vector<16xi32>
      %select_n3A_604 = arith.select %gt3A_599, %broadcast_in_dim3A_601, %broadcast_in_dim3A_603 : vector<16xi1>, vector<16xi32>
      %swap3A_605 = arith.constant 0 : i32
      %swap3A_606 = arith.index_cast %swap3A_605 : i32 to index
      %swap3A_607 = arith.index_cast %mul3A_590 : i32 to index
      %swap3A_608 = tpu.vector_load %arg11[%swap3A_606, %swap3A_607] {strides = array<i32>} : memref<2x8192xi32, #tpu.memory_space<vmem>>, vector<1x16xi32>,
      %swap3A_609 = vector.shape_cast %swap3A_608 : vector<1x16xi32> to vector<16xi32>
      %swap3A_610 = vector.shape_cast %select_n3A_604 : vector<16xi32> to vector<1x16xi32>
      tpu.vector_store %arg11[%swap3A_606, %swap3A_607], %swap3A_610 {strides = array<i32>} : memref<2x8192xi32, #tpu.memory_space<vmem>>, vector<1x16xi32>,
      %scan3A_611 = arith.constant 0 : i32
      %scan3A_612 = arith.constant 7 : i32
      %scan3A_613 = arith.addi %scan3A_442, %scan3A_612 : i32
      %mul3A_614 = arith.constant 16 : i32
      %mul3A_615 = arith.muli %scan3A_613, %mul3A_614 : i32
      %get3A_616 = arith.constant 0 : i32
      %get3A_617 = arith.index_cast %get3A_616 : i32 to index
      %get3A_618 = arith.index_cast %mul3A_615 : i32 to index
      %get3A_619 = tpu.vector_load %arg9[%get3A_617, %get3A_618] {strides = array<i32>} : memref<2x8192xf32, #tpu.memory_space<vmem>>, vector<1x16xf32>,
      %get3A_620 = vector.shape_cast %get3A_619 : vector<1x16xf32> to vector<16xf32>
      %get3A_621 = arith.index_cast %mul3A_615 : i32 to index
      %get3A_622 = tpu.vector_load %arg10[%get3A_621] {strides = array<i32>} : memref<8192xf32, #tpu.memory_space<vmem>>, vector<16xf32>,
      %get3A_623 = vector.shape_cast %get3A_622 : vector<16xf32> to vector<16xf32>
      %gt3A_624 = arith.cmpf ogt, %get3A_620, %get3A_623 : vector<16xf32>
      %broadcast_in_dim3A_625 = arith.constant 1 : i32
      %broadcast_in_dim3A_626 = vector.broadcast %broadcast_in_dim3A_625 : i32 to vector<16xi32>
      %broadcast_in_dim3A_627 = arith.constant 0 : i32
      %broadcast_in_dim3A_628 = vector.broadcast %broadcast_in_dim3A_627 : i32 to vector<16xi32>
      %select_n3A_629 = arith.select %gt3A_624, %broadcast_in_dim3A_626, %broadcast_in_dim3A_628 : vector<16xi1>, vector<16xi32>
      %swap3A_630 = arith.constant 0 : i32
      %swap3A_631 = arith.index_cast %swap3A_630 : i32 to index
      %swap3A_632 = arith.index_cast %mul3A_615 : i32 to index
      %swap3A_633 = tpu.vector_load %arg11[%swap3A_631, %swap3A_632] {strides = array<i32>} : memref<2x8192xi32, #tpu.memory_space<vmem>>, vector<1x16xi32>,
      %swap3A_634 = vector.shape_cast %swap3A_633 : vector<1x16xi32> to vector<16xi32>
      %swap3A_635 = vector.shape_cast %select_n3A_629 : vector<16xi32> to vector<1x16xi32>
      tpu.vector_store %arg11[%swap3A_631, %swap3A_632], %swap3A_635 {strides = array<i32>} : memref<2x8192xi32, #tpu.memory_space<vmem>>, vector<1x16xi32>,
      %scan3A_636 = arith.constant 0 : i32
      scf.yield %scan3A_636 : i32
    }
    %scan3A_49 = arith.constant 512 : i32
    %add3A_50 = arith.constant 0 : i32
    %add3A_51 = arith.addi %mul3A_2, %add3A_50 : i32
    %dma_start3A_52 = arith.constant 0 : i32
    %dma_start3A_53 = arith.constant 0 : i32
    %dma_start3A_54 = tpu.memref_slice %arg11[%dma_start3A_52, %dma_start3A_53] : memref<2x8192xi32, #tpu.memory_space<vmem>> -> memref<1x8192xi32, #tpu.memory_space<vmem>>
    %dma_start3A_55 = tpu.memref_squeeze %dma_start3A_54 : memref<1x8192xi32, #tpu.memory_space<vmem>> -> memref<8192xi32, #tpu.memory_space<vmem>>
    %dma_start3A_56 = tpu.memref_slice %arg5[%add3A_51] : memref<2097152xi32, #tpu.memory_space<hbm>> -> memref<8192xi32, #tpu.memory_space<hbm>>
    %dma_start3A_57 = tpu.memref_slice %arg5[%add3A_51] : memref<2097152xi32, #tpu.memory_space<hbm>> -> memref<8192xi32, #tpu.memory_space<hbm>>
    %dma_start3A_58 = arith.constant 0 : i32
    %dma_start3A_59 = tpu.memref_slice %arg11[%dma_start3A_52, %dma_start3A_58] : memref<2x8192xi32, #tpu.memory_space<vmem>> -> memref<1x8192xi32, #tpu.memory_space<vmem>>
    %dma_start3A_60 = tpu.memref_squeeze %dma_start3A_59 : memref<1x8192xi32, #tpu.memory_space<vmem>> -> memref<8192xi32, #tpu.memory_space<vmem>>
    tpu.enqueue_dma source(%dma_start3A_60 : memref<8192xi32, #tpu.memory_space<vmem>>) target(%dma_start3A_57 : memref<8192xi32, #tpu.memory_space<hbm>>) target_semaphore(%arg14 : memref<!tpu.dma_semaphore, #tpu.memory_space<semaphore_mem>>)
    %add3A_61 = arith.constant 16384 : i32
    %add3A_62 = arith.addi %mul3A_2, %add3A_61 : i32
    %dma_start3A_63 = tpu.memref_slice %arg2[%add3A_62] : memref<2097152xi32, #tpu.memory_space<hbm>> -> memref<8192xi32, #tpu.memory_space<hbm>>
    %dma_start3A_64 = tpu.memref_slice %arg2[%add3A_62] : memref<2097152xi32, #tpu.memory_space<hbm>> -> memref<8192xi32, #tpu.memory_space<hbm>>
    tpu.enqueue_dma source(%dma_start3A_64 : memref<8192xi32, #tpu.memory_space<hbm>>) target(%arg7 : memref<8192xi32, #tpu.memory_space<vmem>>) target_semaphore(%arg12 : memref<!tpu.dma_semaphore, #tpu.memory_space<semaphore_mem>>)
    %dma_start3A_65 = arith.constant 0 : i32
    %dma_start3A_66 = arith.constant 0 : i32
    %dma_start3A_67 = tpu.memref_slice %arg9[%dma_start3A_65, %dma_start3A_66] : memref<2x8192xf32, #tpu.memory_space<vmem>> -> memref<1x8192xf32, #tpu.memory_space<vmem>>
    %dma_start3A_68 = tpu.memref_squeeze %dma_start3A_67 : memref<1x8192xf32, #tpu.memory_space<vmem>> -> memref<8192xf32, #tpu.memory_space<vmem>>
    %dma_start3A_69 = tpu.memref_slice %arg3[%add3A_62] : memref<2097152xf32, #tpu.memory_space<hbm>> -> memref<8192xf32, #tpu.memory_space<hbm>>
    %dma_start3A_70 = arith.constant 0 : i32
    %dma_start3A_71 = tpu.memref_slice %arg9[%dma_start3A_65, %dma_start3A_70] : memref<2x8192xf32, #tpu.memory_space<vmem>> -> memref<1x8192xf32, #tpu.memory_space<vmem>>
    %dma_start3A_72 = tpu.memref_squeeze %dma_start3A_71 : memref<1x8192xf32, #tpu.memory_space<vmem>> -> memref<8192xf32, #tpu.memory_space<vmem>>
    %dma_start3A_73 = tpu.memref_slice %arg3[%add3A_62] : memref<2097152xf32, #tpu.memory_space<hbm>> -> memref<8192xf32, #tpu.memory_space<hbm>>
    tpu.enqueue_dma source(%dma_start3A_73 : memref<8192xf32, #tpu.memory_space<hbm>>) target(%dma_start3A_72 : memref<8192xf32, #tpu.memory_space<vmem>>) target_semaphore(%arg12 : memref<!tpu.dma_semaphore, #tpu.memory_space<semaphore_mem>>)
    %dma_wait3A_74 = tpu.memref_slice %arg2[%mul3A_2] : memref<2097152xi32, #tpu.memory_space<hbm>> -> memref<8192xi32, #tpu.memory_space<hbm>>
    %dma_wait3A_75 = tpu.memref_slice %arg2[%mul3A_2] : memref<2097152xi32, #tpu.memory_space<hbm>> -> memref<8192xi32, #tpu.memory_space<hbm>>
    tpu.wait_dma2 semaphore(%arg12 : memref<!tpu.dma_semaphore, #tpu.memory_space<semaphore_mem>>) src(%dma_wait3A_75 : memref<8192xi32, #tpu.memory_space<hbm>>) dst(%arg8 : memref<8192xi32, #tpu.memory_space<vmem>>)
    %dma_wait3A_76 = arith.constant 1 : i32
    %dma_wait3A_77 = arith.constant 0 : i32
    %dma_wait3A_78 = tpu.memref_slice %arg9[%dma_wait3A_76, %dma_wait3A_77] : memref<2x8192xf32, #tpu.memory_space<vmem>> -> memref<1x8192xf32, #tpu.memory_space<vmem>>
    %dma_wait3A_79 = tpu.memref_squeeze %dma_wait3A_78 : memref<1x8192xf32, #tpu.memory_space<vmem>> -> memref<8192xf32, #tpu.memory_space<vmem>>
    %dma_wait3A_80 = tpu.memref_slice %arg3[%mul3A_2] : memref<2097152xf32, #tpu.memory_space<hbm>> -> memref<8192xf32, #tpu.memory_space<hbm>>
    %dma_wait3A_81 = arith.constant 0 : i32
    %dma_wait3A_82 = tpu.memref_slice %arg9[%dma_wait3A_76, %dma_wait3A_81] : memref<2x8192xf32, #tpu.memory_space<vmem>> -> memref<1x8192xf32, #tpu.memory_space<vmem>>
    %dma_wait3A_83 = tpu.memref_squeeze %dma_wait3A_82 : memref<1x8192xf32, #tpu.memory_space<vmem>> -> memref<8192xf32, #tpu.memory_space<vmem>>
    %dma_wait3A_84 = tpu.memref_slice %arg3[%mul3A_2] : memref<2097152xf32, #tpu.memory_space<hbm>> -> memref<8192xf32, #tpu.memory_space<hbm>>
    tpu.wait_dma2 semaphore(%arg12 : memref<!tpu.dma_semaphore, #tpu.memory_space<semaphore_mem>>) src(%dma_wait3A_84 : memref<8192xf32, #tpu.memory_space<hbm>>) dst(%dma_wait3A_83 : memref<8192xf32, #tpu.memory_space<vmem>>)
    %dma_start3A_85 = arith.constant 0 : i32
    %dma_start3A_86 = tpu.memref_slice %arg6[%dma_start3A_85] : memref<262144xf32, #tpu.memory_space<vmem_shared>> -> memref<262144xf32, #tpu.memory_space<vmem_shared>>
    tpu.enqueue_indirect_dma source(%dma_start3A_86 : memref<262144xf32, #tpu.memory_space<vmem_shared>>) target(%arg10 : memref<8192xf32, #tpu.memory_space<vmem>>) offsets(%arg8 : memref<8192xi32, #tpu.memory_space<vmem>>) semaphore(%arg13 : memref<!tpu.dma_semaphore, #tpu.memory_space<semaphore_mem>>)
    %dma_wait3A_87 = arith.constant 0 : i32
    %dma_wait3A_88 = tpu.memref_slice %arg6[%dma_wait3A_87] : memref<262144xf32, #tpu.memory_space<vmem_shared>> -> memref<262144xf32, #tpu.memory_space<vmem_shared>>
    tpu.wait_indirect_dma semaphore(%arg13 : memref<!tpu.dma_semaphore, #tpu.memory_space<semaphore_mem>>) src(%dma_wait3A_88 : memref<262144xf32, #tpu.memory_space<vmem_shared>>) dst(%arg10 : memref<8192xf32, #tpu.memory_space<vmem>>)
    %scan3A_89 = arith.constant 0 : i32
    %scan3A_90 = arith.constant 0 : i32
    %scan3A_91 = arith.constant 512 : i32
    %scan3A_92 = arith.addi %scan3A_90, %scan3A_91 : i32
    %scan3A_93 = arith.constant 8 : i32
    %scan3A_94 = scf.for %scan3A_442 = %scan3A_90 to %scan3A_92 step %scan3A_93 iter_args(%scan3A_443 = %scan3A_89) -> (i32)  : i32 {
      %mul3A_444 = arith.constant 16 : i32
      %mul3A_445 = arith.muli %scan3A_442, %mul3A_444 : i32
      %get3A = arith.constant 1 : i32
      %get3A_446 = arith.index_cast %get3A : i32 to index
      %get3A_447 = arith.index_cast %mul3A_445 : i32 to index
      %get3A_448 = tpu.vector_load %arg9[%get3A_446, %get3A_447] {strides = array<i32>} : memref<2x8192xf32, #tpu.memory_space<vmem>>, vector<1x16xf32>,
      %get3A_449 = vector.shape_cast %get3A_448 : vector<1x16xf32> to vector<16xf32>
      %get3A_450 = arith.index_cast %mul3A_445 : i32 to index
      %get3A_451 = tpu.vector_load %arg10[%get3A_450] {strides = array<i32>} : memref<8192xf32, #tpu.memory_space<vmem>>, vector<16xf32>,
      %get3A_452 = vector.shape_cast %get3A_451 : vector<16xf32> to vector<16xf32>
      %gt3A = arith.cmpf ogt, %get3A_449, %get3A_452 : vector<16xf32>
      %broadcast_in_dim3A = arith.constant 1 : i32
      %broadcast_in_dim3A_453 = vector.broadcast %broadcast_in_dim3A : i32 to vector<16xi32>
      %broadcast_in_dim3A_454 = arith.constant 0 : i32
      %broadcast_in_dim3A_455 = vector.broadcast %broadcast_in_dim3A_454 : i32 to vector<16xi32>
      %select_n3A = arith.select %gt3A, %broadcast_in_dim3A_453, %broadcast_in_dim3A_455 : vector<16xi1>, vector<16xi32>
      %swap3A = arith.constant 1 : i32
      %swap3A_456 = arith.index_cast %swap3A : i32 to index
      %swap3A_457 = arith.index_cast %mul3A_445 : i32 to index
      %swap3A_458 = tpu.vector_load %arg11[%swap3A_456, %swap3A_457] {strides = array<i32>} : memref<2x8192xi32, #tpu.memory_space<vmem>>, vector<1x16xi32>,
      %swap3A_459 = vector.shape_cast %swap3A_458 : vector<1x16xi32> to vector<16xi32>
      %swap3A_460 = vector.shape_cast %select_n3A : vector<16xi32> to vector<1x16xi32>
      tpu.vector_store %arg11[%swap3A_456, %swap3A_457], %swap3A_460 {strides = array<i32>} : memref<2x8192xi32, #tpu.memory_space<vmem>>, vector<1x16xi32>,
      %scan3A_461 = arith.constant 0 : i32
      %scan3A_462 = arith.constant 1 : i32
      %scan3A_463 = arith.addi %scan3A_442, %scan3A_462 : i32
      %mul3A_464 = arith.constant 16 : i32
      %mul3A_465 = arith.muli %scan3A_463, %mul3A_464 : i32
      %get3A_466 = arith.constant 1 : i32
      %get3A_467 = arith.index_cast %get3A_466 : i32 to index
      %get3A_468 = arith.index_cast %mul3A_465 : i32 to index
      %get3A_469 = tpu.vector_load %arg9[%get3A_467, %get3A_468] {strides = array<i32>} : memref<2x8192xf32, #tpu.memory_space<vmem>>, vector<1x16xf32>,
      %get3A_470 = vector.shape_cast %get3A_469 : vector<1x16xf32> to vector<16xf32>
      %get3A_471 = arith.index_cast %mul3A_465 : i32 to index
      %get3A_472 = tpu.vector_load %arg10[%get3A_471] {strides = array<i32>} : memref<8192xf32, #tpu.memory_space<vmem>>, vector<16xf32>,
      %get3A_473 = vector.shape_cast %get3A_472 : vector<16xf32> to vector<16xf32>
      %gt3A_474 = arith.cmpf ogt, %get3A_470, %get3A_473 : vector<16xf32>
      %broadcast_in_dim3A_475 = arith.constant 1 : i32
      %broadcast_in_dim3A_476 = vector.broadcast %broadcast_in_dim3A_475 : i32 to vector<16xi32>
      %broadcast_in_dim3A_477 = arith.constant 0 : i32
      %broadcast_in_dim3A_478 = vector.broadcast %broadcast_in_dim3A_477 : i32 to vector<16xi32>
      %select_n3A_479 = arith.select %gt3A_474, %broadcast_in_dim3A_476, %broadcast_in_dim3A_478 : vector<16xi1>, vector<16xi32>
      %swap3A_480 = arith.constant 1 : i32
      %swap3A_481 = arith.index_cast %swap3A_480 : i32 to index
      %swap3A_482 = arith.index_cast %mul3A_465 : i32 to index
      %swap3A_483 = tpu.vector_load %arg11[%swap3A_481, %swap3A_482] {strides = array<i32>} : memref<2x8192xi32, #tpu.memory_space<vmem>>, vector<1x16xi32>,
      %swap3A_484 = vector.shape_cast %swap3A_483 : vector<1x16xi32> to vector<16xi32>
      %swap3A_485 = vector.shape_cast %select_n3A_479 : vector<16xi32> to vector<1x16xi32>
      tpu.vector_store %arg11[%swap3A_481, %swap3A_482], %swap3A_485 {strides = array<i32>} : memref<2x8192xi32, #tpu.memory_space<vmem>>, vector<1x16xi32>,
      %scan3A_486 = arith.constant 0 : i32
      %scan3A_487 = arith.constant 2 : i32
      %scan3A_488 = arith.addi %scan3A_442, %scan3A_487 : i32
      %mul3A_489 = arith.constant 16 : i32
      %mul3A_490 = arith.muli %scan3A_488, %mul3A_489 : i32
      %get3A_491 = arith.constant 1 : i32
      %get3A_492 = arith.index_cast %get3A_491 : i32 to index
      %get3A_493 = arith.index_cast %mul3A_490 : i32 to index
      %get3A_494 = tpu.vector_load %arg9[%get3A_492, %get3A_493] {strides = array<i32>} : memref<2x8192xf32, #tpu.memory_space<vmem>>, vector<1x16xf32>,
      %get3A_495 = vector.shape_cast %get3A_494 : vector<1x16xf32> to vector<16xf32>
      %get3A_496 = arith.index_cast %mul3A_490 : i32 to index
      %get3A_497 = tpu.vector_load %arg10[%get3A_496] {strides = array<i32>} : memref<8192xf32, #tpu.memory_space<vmem>>, vector<16xf32>,
      %get3A_498 = vector.shape_cast %get3A_497 : vector<16xf32> to vector<16xf32>
      %gt3A_499 = arith.cmpf ogt, %get3A_495, %get3A_498 : vector<16xf32>
      %broadcast_in_dim3A_500 = arith.constant 1 : i32
      %broadcast_in_dim3A_501 = vector.broadcast %broadcast_in_dim3A_500 : i32 to vector<16xi32>
      %broadcast_in_dim3A_502 = arith.constant 0 : i32
      %broadcast_in_dim3A_503 = vector.broadcast %broadcast_in_dim3A_502 : i32 to vector<16xi32>
      %select_n3A_504 = arith.select %gt3A_499, %broadcast_in_dim3A_501, %broadcast_in_dim3A_503 : vector<16xi1>, vector<16xi32>
      %swap3A_505 = arith.constant 1 : i32
      %swap3A_506 = arith.index_cast %swap3A_505 : i32 to index
      %swap3A_507 = arith.index_cast %mul3A_490 : i32 to index
      %swap3A_508 = tpu.vector_load %arg11[%swap3A_506, %swap3A_507] {strides = array<i32>} : memref<2x8192xi32, #tpu.memory_space<vmem>>, vector<1x16xi32>,
      %swap3A_509 = vector.shape_cast %swap3A_508 : vector<1x16xi32> to vector<16xi32>
      %swap3A_510 = vector.shape_cast %select_n3A_504 : vector<16xi32> to vector<1x16xi32>
      tpu.vector_store %arg11[%swap3A_506, %swap3A_507], %swap3A_510 {strides = array<i32>} : memref<2x8192xi32, #tpu.memory_space<vmem>>, vector<1x16xi32>,
      %scan3A_511 = arith.constant 0 : i32
      %scan3A_512 = arith.constant 3 : i32
      %scan3A_513 = arith.addi %scan3A_442, %scan3A_512 : i32
      %mul3A_514 = arith.constant 16 : i32
      %mul3A_515 = arith.muli %scan3A_513, %mul3A_514 : i32
      %get3A_516 = arith.constant 1 : i32
      %get3A_517 = arith.index_cast %get3A_516 : i32 to index
      %get3A_518 = arith.index_cast %mul3A_515 : i32 to index
      %get3A_519 = tpu.vector_load %arg9[%get3A_517, %get3A_518] {strides = array<i32>} : memref<2x8192xf32, #tpu.memory_space<vmem>>, vector<1x16xf32>,
      %get3A_520 = vector.shape_cast %get3A_519 : vector<1x16xf32> to vector<16xf32>
      %get3A_521 = arith.index_cast %mul3A_515 : i32 to index
      %get3A_522 = tpu.vector_load %arg10[%get3A_521] {strides = array<i32>} : memref<8192xf32, #tpu.memory_space<vmem>>, vector<16xf32>,
      %get3A_523 = vector.shape_cast %get3A_522 : vector<16xf32> to vector<16xf32>
      %gt3A_524 = arith.cmpf ogt, %get3A_520, %get3A_523 : vector<16xf32>
      %broadcast_in_dim3A_525 = arith.constant 1 : i32
      %broadcast_in_dim3A_526 = vector.broadcast %broadcast_in_dim3A_525 : i32 to vector<16xi32>
      %broadcast_in_dim3A_527 = arith.constant 0 : i32
      %broadcast_in_dim3A_528 = vector.broadcast %broadcast_in_dim3A_527 : i32 to vector<16xi32>
      %select_n3A_529 = arith.select %gt3A_524, %broadcast_in_dim3A_526, %broadcast_in_dim3A_528 : vector<16xi1>, vector<16xi32>
      %swap3A_530 = arith.constant 1 : i32
      %swap3A_531 = arith.index_cast %swap3A_530 : i32 to index
      %swap3A_532 = arith.index_cast %mul3A_515 : i32 to index
      %swap3A_533 = tpu.vector_load %arg11[%swap3A_531, %swap3A_532] {strides = array<i32>} : memref<2x8192xi32, #tpu.memory_space<vmem>>, vector<1x16xi32>,
      %swap3A_534 = vector.shape_cast %swap3A_533 : vector<1x16xi32> to vector<16xi32>
      %swap3A_535 = vector.shape_cast %select_n3A_529 : vector<16xi32> to vector<1x16xi32>
      tpu.vector_store %arg11[%swap3A_531, %swap3A_532], %swap3A_535 {strides = array<i32>} : memref<2x8192xi32, #tpu.memory_space<vmem>>, vector<1x16xi32>,
      %scan3A_536 = arith.constant 0 : i32
      %scan3A_537 = arith.constant 4 : i32
      %scan3A_538 = arith.addi %scan3A_442, %scan3A_537 : i32
      %mul3A_539 = arith.constant 16 : i32
      %mul3A_540 = arith.muli %scan3A_538, %mul3A_539 : i32
      %get3A_541 = arith.constant 1 : i32
      %get3A_542 = arith.index_cast %get3A_541 : i32 to index
      %get3A_543 = arith.index_cast %mul3A_540 : i32 to index
      %get3A_544 = tpu.vector_load %arg9[%get3A_542, %get3A_543] {strides = array<i32>} : memref<2x8192xf32, #tpu.memory_space<vmem>>, vector<1x16xf32>,
      %get3A_545 = vector.shape_cast %get3A_544 : vector<1x16xf32> to vector<16xf32>
      %get3A_546 = arith.index_cast %mul3A_540 : i32 to index
      %get3A_547 = tpu.vector_load %arg10[%get3A_546] {strides = array<i32>} : memref<8192xf32, #tpu.memory_space<vmem>>, vector<16xf32>,
      %get3A_548 = vector.shape_cast %get3A_547 : vector<16xf32> to vector<16xf32>
      %gt3A_549 = arith.cmpf ogt, %get3A_545, %get3A_548 : vector<16xf32>
      %broadcast_in_dim3A_550 = arith.constant 1 : i32
      %broadcast_in_dim3A_551 = vector.broadcast %broadcast_in_dim3A_550 : i32 to vector<16xi32>
      %broadcast_in_dim3A_552 = arith.constant 0 : i32
      %broadcast_in_dim3A_553 = vector.broadcast %broadcast_in_dim3A_552 : i32 to vector<16xi32>
      %select_n3A_554 = arith.select %gt3A_549, %broadcast_in_dim3A_551, %broadcast_in_dim3A_553 : vector<16xi1>, vector<16xi32>
      %swap3A_555 = arith.constant 1 : i32
      %swap3A_556 = arith.index_cast %swap3A_555 : i32 to index
      %swap3A_557 = arith.index_cast %mul3A_540 : i32 to index
      %swap3A_558 = tpu.vector_load %arg11[%swap3A_556, %swap3A_557] {strides = array<i32>} : memref<2x8192xi32, #tpu.memory_space<vmem>>, vector<1x16xi32>,
      %swap3A_559 = vector.shape_cast %swap3A_558 : vector<1x16xi32> to vector<16xi32>
      %swap3A_560 = vector.shape_cast %select_n3A_554 : vector<16xi32> to vector<1x16xi32>
      tpu.vector_store %arg11[%swap3A_556, %swap3A_557], %swap3A_560 {strides = array<i32>} : memref<2x8192xi32, #tpu.memory_space<vmem>>, vector<1x16xi32>,
      %scan3A_561 = arith.constant 0 : i32
      %scan3A_562 = arith.constant 5 : i32
      %scan3A_563 = arith.addi %scan3A_442, %scan3A_562 : i32
      %mul3A_564 = arith.constant 16 : i32
      %mul3A_565 = arith.muli %scan3A_563, %mul3A_564 : i32
      %get3A_566 = arith.constant 1 : i32
      %get3A_567 = arith.index_cast %get3A_566 : i32 to index
      %get3A_568 = arith.index_cast %mul3A_565 : i32 to index
      %get3A_569 = tpu.vector_load %arg9[%get3A_567, %get3A_568] {strides = array<i32>} : memref<2x8192xf32, #tpu.memory_space<vmem>>, vector<1x16xf32>,
      %get3A_570 = vector.shape_cast %get3A_569 : vector<1x16xf32> to vector<16xf32>
      %get3A_571 = arith.index_cast %mul3A_565 : i32 to index
      %get3A_572 = tpu.vector_load %arg10[%get3A_571] {strides = array<i32>} : memref<8192xf32, #tpu.memory_space<vmem>>, vector<16xf32>,
      %get3A_573 = vector.shape_cast %get3A_572 : vector<16xf32> to vector<16xf32>
      %gt3A_574 = arith.cmpf ogt, %get3A_570, %get3A_573 : vector<16xf32>
      %broadcast_in_dim3A_575 = arith.constant 1 : i32
      %broadcast_in_dim3A_576 = vector.broadcast %broadcast_in_dim3A_575 : i32 to vector<16xi32>
      %broadcast_in_dim3A_577 = arith.constant 0 : i32
      %broadcast_in_dim3A_578 = vector.broadcast %broadcast_in_dim3A_577 : i32 to vector<16xi32>
      %select_n3A_579 = arith.select %gt3A_574, %broadcast_in_dim3A_576, %broadcast_in_dim3A_578 : vector<16xi1>, vector<16xi32>
      %swap3A_580 = arith.constant 1 : i32
      %swap3A_581 = arith.index_cast %swap3A_580 : i32 to index
      %swap3A_582 = arith.index_cast %mul3A_565 : i32 to index
      %swap3A_583 = tpu.vector_load %arg11[%swap3A_581, %swap3A_582] {strides = array<i32>} : memref<2x8192xi32, #tpu.memory_space<vmem>>, vector<1x16xi32>,
      %swap3A_584 = vector.shape_cast %swap3A_583 : vector<1x16xi32> to vector<16xi32>
      %swap3A_585 = vector.shape_cast %select_n3A_579 : vector<16xi32> to vector<1x16xi32>
      tpu.vector_store %arg11[%swap3A_581, %swap3A_582], %swap3A_585 {strides = array<i32>} : memref<2x8192xi32, #tpu.memory_space<vmem>>, vector<1x16xi32>,
      %scan3A_586 = arith.constant 0 : i32
      %scan3A_587 = arith.constant 6 : i32
      %scan3A_588 = arith.addi %scan3A_442, %scan3A_587 : i32
      %mul3A_589 = arith.constant 16 : i32
      %mul3A_590 = arith.muli %scan3A_588, %mul3A_589 : i32
      %get3A_591 = arith.constant 1 : i32
      %get3A_592 = arith.index_cast %get3A_591 : i32 to index
      %get3A_593 = arith.index_cast %mul3A_590 : i32 to index
      %get3A_594 = tpu.vector_load %arg9[%get3A_592, %get3A_593] {strides = array<i32>} : memref<2x8192xf32, #tpu.memory_space<vmem>>, vector<1x16xf32>,
      %get3A_595 = vector.shape_cast %get3A_594 : vector<1x16xf32> to vector<16xf32>
      %get3A_596 = arith.index_cast %mul3A_590 : i32 to index
      %get3A_597 = tpu.vector_load %arg10[%get3A_596] {strides = array<i32>} : memref<8192xf32, #tpu.memory_space<vmem>>, vector<16xf32>,
      %get3A_598 = vector.shape_cast %get3A_597 : vector<16xf32> to vector<16xf32>
      %gt3A_599 = arith.cmpf ogt, %get3A_595, %get3A_598 : vector<16xf32>
      %broadcast_in_dim3A_600 = arith.constant 1 : i32
      %broadcast_in_dim3A_601 = vector.broadcast %broadcast_in_dim3A_600 : i32 to vector<16xi32>
      %broadcast_in_dim3A_602 = arith.constant 0 : i32
      %broadcast_in_dim3A_603 = vector.broadcast %broadcast_in_dim3A_602 : i32 to vector<16xi32>
      %select_n3A_604 = arith.select %gt3A_599, %broadcast_in_dim3A_601, %broadcast_in_dim3A_603 : vector<16xi1>, vector<16xi32>
      %swap3A_605 = arith.constant 1 : i32
      %swap3A_606 = arith.index_cast %swap3A_605 : i32 to index
      %swap3A_607 = arith.index_cast %mul3A_590 : i32 to index
      %swap3A_608 = tpu.vector_load %arg11[%swap3A_606, %swap3A_607] {strides = array<i32>} : memref<2x8192xi32, #tpu.memory_space<vmem>>, vector<1x16xi32>,
      %swap3A_609 = vector.shape_cast %swap3A_608 : vector<1x16xi32> to vector<16xi32>
      %swap3A_610 = vector.shape_cast %select_n3A_604 : vector<16xi32> to vector<1x16xi32>
      tpu.vector_store %arg11[%swap3A_606, %swap3A_607], %swap3A_610 {strides = array<i32>} : memref<2x8192xi32, #tpu.memory_space<vmem>>, vector<1x16xi32>,
      %scan3A_611 = arith.constant 0 : i32
      %scan3A_612 = arith.constant 7 : i32
      %scan3A_613 = arith.addi %scan3A_442, %scan3A_612 : i32
      %mul3A_614 = arith.constant 16 : i32
      %mul3A_615 = arith.muli %scan3A_613, %mul3A_614 : i32
      %get3A_616 = arith.constant 1 : i32
      %get3A_617 = arith.index_cast %get3A_616 : i32 to index
      %get3A_618 = arith.index_cast %mul3A_615 : i32 to index
      %get3A_619 = tpu.vector_load %arg9[%get3A_617, %get3A_618] {strides = array<i32>} : memref<2x8192xf32, #tpu.memory_space<vmem>>, vector<1x16xf32>,
      %get3A_620 = vector.shape_cast %get3A_619 : vector<1x16xf32> to vector<16xf32>
      %get3A_621 = arith.index_cast %mul3A_615 : i32 to index
      %get3A_622 = tpu.vector_load %arg10[%get3A_621] {strides = array<i32>} : memref<8192xf32, #tpu.memory_space<vmem>>, vector<16xf32>,
      %get3A_623 = vector.shape_cast %get3A_622 : vector<16xf32> to vector<16xf32>
      %gt3A_624 = arith.cmpf ogt, %get3A_620, %get3A_623 : vector<16xf32>
      %broadcast_in_dim3A_625 = arith.constant 1 : i32
      %broadcast_in_dim3A_626 = vector.broadcast %broadcast_in_dim3A_625 : i32 to vector<16xi32>
      %broadcast_in_dim3A_627 = arith.constant 0 : i32
      %broadcast_in_dim3A_628 = vector.broadcast %broadcast_in_dim3A_627 : i32 to vector<16xi32>
      %select_n3A_629 = arith.select %gt3A_624, %broadcast_in_dim3A_626, %broadcast_in_dim3A_628 : vector<16xi1>, vector<16xi32>
      %swap3A_630 = arith.constant 1 : i32
      %swap3A_631 = arith.index_cast %swap3A_630 : i32 to index
      %swap3A_632 = arith.index_cast %mul3A_615 : i32 to index
      %swap3A_633 = tpu.vector_load %arg11[%swap3A_631, %swap3A_632] {strides = array<i32>} : memref<2x8192xi32, #tpu.memory_space<vmem>>, vector<1x16xi32>,
      %swap3A_634 = vector.shape_cast %swap3A_633 : vector<1x16xi32> to vector<16xi32>
      %swap3A_635 = vector.shape_cast %select_n3A_629 : vector<16xi32> to vector<1x16xi32>
      tpu.vector_store %arg11[%swap3A_631, %swap3A_632], %swap3A_635 {strides = array<i32>} : memref<2x8192xi32, #tpu.memory_space<vmem>>, vector<1x16xi32>,
      %scan3A_636 = arith.constant 0 : i32
      scf.yield %scan3A_636 : i32
    }
    %scan3A_95 = arith.constant 512 : i32
    %add3A_96 = arith.constant 8192 : i32
    %add3A_97 = arith.addi %mul3A_2, %add3A_96 : i32
    %dma_start3A_98 = arith.constant 1 : i32
    %dma_start3A_99 = arith.constant 0 : i32
    %dma_start3A_100 = tpu.memref_slice %arg11[%dma_start3A_98, %dma_start3A_99] : memref<2x8192xi32, #tpu.memory_space<vmem>> -> memref<1x8192xi32, #tpu.memory_space<vmem>>
    %dma_start3A_101 = tpu.memref_squeeze %dma_start3A_100 : memref<1x8192xi32, #tpu.memory_space<vmem>> -> memref<8192xi32, #tpu.memory_space<vmem>>
    %dma_start3A_102 = tpu.memref_slice %arg5[%add3A_97] : memref<2097152xi32, #tpu.memory_space<hbm>> -> memref<8192xi32, #tpu.memory_space<hbm>>
    %dma_start3A_103 = tpu.memref_slice %arg5[%add3A_97] : memref<2097152xi32, #tpu.memory_space<hbm>> -> memref<8192xi32, #tpu.memory_space<hbm>>
    %dma_start3A_104 = arith.constant 0 : i32
    %dma_start3A_105 = tpu.memref_slice %arg11[%dma_start3A_98, %dma_start3A_104] : memref<2x8192xi32, #tpu.memory_space<vmem>> -> memref<1x8192xi32, #tpu.memory_space<vmem>>
    %dma_start3A_106 = tpu.memref_squeeze %dma_start3A_105 : memref<1x8192xi32, #tpu.memory_space<vmem>> -> memref<8192xi32, #tpu.memory_space<vmem>>
    tpu.enqueue_dma source(%dma_start3A_106 : memref<8192xi32, #tpu.memory_space<vmem>>) target(%dma_start3A_103 : memref<8192xi32, #tpu.memory_space<hbm>>) target_semaphore(%arg14 : memref<!tpu.dma_semaphore, #tpu.memory_space<semaphore_mem>>)
    %add3A_107 = arith.constant 24576 : i32
    %add3A_108 = arith.addi %mul3A_2, %add3A_107 : i32
    %dma_start3A_109 = tpu.memref_slice %arg2[%add3A_108] : memref<2097152xi32, #tpu.memory_space<hbm>> -> memref<8192xi32, #tpu.memory_space<hbm>>
    %dma_start3A_110 = tpu.memref_slice %arg2[%add3A_108] : memref<2097152xi32, #tpu.memory_space<hbm>> -> memref<8192xi32, #tpu.memory_space<hbm>>
    tpu.enqueue_dma source(%dma_start3A_110 : memref<8192xi32, #tpu.memory_space<hbm>>) target(%arg8 : memref<8192xi32, #tpu.memory_space<vmem>>) target_semaphore(%arg12 : memref<!tpu.dma_semaphore, #tpu.memory_space<semaphore_mem>>)
    %dma_start3A_111 = arith.constant 1 : i32
    %dma_start3A_112 = arith.constant 0 : i32
    %dma_start3A_113 = tpu.memref_slice %arg9[%dma_start3A_111, %dma_start3A_112] : memref<2x8192xf32, #tpu.memory_space<vmem>> -> memref<1x8192xf32, #tpu.memory_space<vmem>>
    %dma_start3A_114 = tpu.memref_squeeze %dma_start3A_113 : memref<1x8192xf32, #tpu.memory_space<vmem>> -> memref<8192xf32, #tpu.memory_space<vmem>>
    %dma_start3A_115 = tpu.memref_slice %arg3[%add3A_108] : memref<2097152xf32, #tpu.memory_space<hbm>> -> memref<8192xf32, #tpu.memory_space<hbm>>
    %dma_start3A_116 = arith.constant 0 : i32
    %dma_start3A_117 = tpu.memref_slice %arg9[%dma_start3A_111, %dma_start3A_116] : memref<2x8192xf32, #tpu.memory_space<vmem>> -> memref<1x8192xf32, #tpu.memory_space<vmem>>
    %dma_start3A_118 = tpu.memref_squeeze %dma_start3A_117 : memref<1x8192xf32, #tpu.memory_space<vmem>> -> memref<8192xf32, #tpu.memory_space<vmem>>
    %dma_start3A_119 = tpu.memref_slice %arg3[%add3A_108] : memref<2097152xf32, #tpu.memory_space<hbm>> -> memref<8192xf32, #tpu.memory_space<hbm>>
    tpu.enqueue_dma source(%dma_start3A_119 : memref<8192xf32, #tpu.memory_space<hbm>>) target(%dma_start3A_118 : memref<8192xf32, #tpu.memory_space<vmem>>) target_semaphore(%arg12 : memref<!tpu.dma_semaphore, #tpu.memory_space<semaphore_mem>>)
    %dma_wait3A_120 = tpu.memref_slice %arg2[%mul3A_2] : memref<2097152xi32, #tpu.memory_space<hbm>> -> memref<8192xi32, #tpu.memory_space<hbm>>
    %dma_wait3A_121 = tpu.memref_slice %arg2[%mul3A_2] : memref<2097152xi32, #tpu.memory_space<hbm>> -> memref<8192xi32, #tpu.memory_space<hbm>>
    tpu.wait_dma2 semaphore(%arg12 : memref<!tpu.dma_semaphore, #tpu.memory_space<semaphore_mem>>) src(%dma_wait3A_121 : memref<8192xi32, #tpu.memory_space<hbm>>) dst(%arg7 : memref<8192xi32, #tpu.memory_space<vmem>>)
    %dma_wait3A_122 = arith.constant 0 : i32
    %dma_wait3A_123 = arith.constant 0 : i32
    %dma_wait3A_124 = tpu.memref_slice %arg9[%dma_wait3A_122, %dma_wait3A_123] : memref<2x8192xf32, #tpu.memory_space<vmem>> -> memref<1x8192xf32, #tpu.memory_space<vmem>>
    %dma_wait3A_125 = tpu.memref_squeeze %dma_wait3A_124 : memref<1x8192xf32, #tpu.memory_space<vmem>> -> memref<8192xf32, #tpu.memory_space<vmem>>
    %dma_wait3A_126 = tpu.memref_slice %arg3[%mul3A_2] : memref<2097152xf32, #tpu.memory_space<hbm>> -> memref<8192xf32, #tpu.memory_space<hbm>>
    %dma_wait3A_127 = arith.constant 0 : i32
    %dma_wait3A_128 = tpu.memref_slice %arg9[%dma_wait3A_122, %dma_wait3A_127] : memref<2x8192xf32, #tpu.memory_space<vmem>> -> memref<1x8192xf32, #tpu.memory_space<vmem>>
    %dma_wait3A_129 = tpu.memref_squeeze %dma_wait3A_128 : memref<1x8192xf32, #tpu.memory_space<vmem>> -> memref<8192xf32, #tpu.memory_space<vmem>>
    %dma_wait3A_130 = tpu.memref_slice %arg3[%mul3A_2] : memref<2097152xf32, #tpu.memory_space<hbm>> -> memref<8192xf32, #tpu.memory_space<hbm>>
    tpu.wait_dma2 semaphore(%arg12 : memref<!tpu.dma_semaphore, #tpu.memory_space<semaphore_mem>>) src(%dma_wait3A_130 : memref<8192xf32, #tpu.memory_space<hbm>>) dst(%dma_wait3A_129 : memref<8192xf32, #tpu.memory_space<vmem>>)
    %dma_start3A_131 = arith.constant 0 : i32
    %dma_start3A_132 = tpu.memref_slice %arg6[%dma_start3A_131] : memref<262144xf32, #tpu.memory_space<vmem_shared>> -> memref<262144xf32, #tpu.memory_space<vmem_shared>>
    tpu.enqueue_indirect_dma source(%dma_start3A_132 : memref<262144xf32, #tpu.memory_space<vmem_shared>>) target(%arg10 : memref<8192xf32, #tpu.memory_space<vmem>>) offsets(%arg7 : memref<8192xi32, #tpu.memory_space<vmem>>) semaphore(%arg13 : memref<!tpu.dma_semaphore, #tpu.memory_space<semaphore_mem>>)
    %dma_wait3A_133 = arith.constant 0 : i32
    %dma_wait3A_134 = tpu.memref_slice %arg6[%dma_wait3A_133] : memref<262144xf32, #tpu.memory_space<vmem_shared>> -> memref<262144xf32, #tpu.memory_space<vmem_shared>>
    tpu.wait_indirect_dma semaphore(%arg13 : memref<!tpu.dma_semaphore, #tpu.memory_space<semaphore_mem>>) src(%dma_wait3A_134 : memref<262144xf32, #tpu.memory_space<vmem_shared>>) dst(%arg10 : memref<8192xf32, #tpu.memory_space<vmem>>)
    %dma_wait3A_135 = arith.constant 0 : i32
    %dma_wait3A_136 = arith.constant 0 : i32
    %dma_wait3A_137 = tpu.memref_slice %arg11[%dma_wait3A_135, %dma_wait3A_136] : memref<2x8192xi32, #tpu.memory_space<vmem>> -> memref<1x8192xi32, #tpu.memory_space<vmem>>
    %dma_wait3A_138 = tpu.memref_squeeze %dma_wait3A_137 : memref<1x8192xi32, #tpu.memory_space<vmem>> -> memref<8192xi32, #tpu.memory_space<vmem>>
    %dma_wait3A_139 = tpu.memref_slice %arg5[%mul3A_2] : memref<2097152xi32, #tpu.memory_space<hbm>> -> memref<8192xi32, #tpu.memory_space<hbm>>
    %dma_wait3A_140 = tpu.memref_slice %arg5[%mul3A_2] : memref<2097152xi32, #tpu.memory_space<hbm>> -> memref<8192xi32, #tpu.memory_space<hbm>>
    %dma_wait3A_141 = arith.constant 0 : i32
    %dma_wait3A_142 = tpu.memref_slice %arg11[%dma_wait3A_135, %dma_wait3A_141] : memref<2x8192xi32, #tpu.memory_space<vmem>> -> memref<1x8192xi32, #tpu.memory_space<vmem>>
    %dma_wait3A_143 = tpu.memref_squeeze %dma_wait3A_142 : memref<1x8192xi32, #tpu.memory_space<vmem>> -> memref<8192xi32, #tpu.memory_space<vmem>>
    tpu.wait_dma2 semaphore(%arg14 : memref<!tpu.dma_semaphore, #tpu.memory_space<semaphore_mem>>) src(%dma_wait3A_143 : memref<8192xi32, #tpu.memory_space<vmem>>) dst(%dma_wait3A_140 : memref<8192xi32, #tpu.memory_space<hbm>>)
    %scan3A_144 = arith.constant 0 : i32
    %scan3A_145 = arith.constant 0 : i32
    %scan3A_146 = arith.constant 512 : i32
    %scan3A_147 = arith.addi %scan3A_145, %scan3A_146 : i32
    %scan3A_148 = arith.constant 8 : i32
    %scan3A_149 = scf.for %scan3A_442 = %scan3A_145 to %scan3A_147 step %scan3A_148 iter_args(%scan3A_443 = %scan3A_144) -> (i32)  : i32 {
      %mul3A_444 = arith.constant 16 : i32
      %mul3A_445 = arith.muli %scan3A_442, %mul3A_444 : i32
      %get3A = arith.constant 0 : i32
      %get3A_446 = arith.index_cast %get3A : i32 to index
      %get3A_447 = arith.index_cast %mul3A_445 : i32 to index
      %get3A_448 = tpu.vector_load %arg9[%get3A_446, %get3A_447] {strides = array<i32>} : memref<2x8192xf32, #tpu.memory_space<vmem>>, vector<1x16xf32>,
      %get3A_449 = vector.shape_cast %get3A_448 : vector<1x16xf32> to vector<16xf32>
      %get3A_450 = arith.index_cast %mul3A_445 : i32 to index
      %get3A_451 = tpu.vector_load %arg10[%get3A_450] {strides = array<i32>} : memref<8192xf32, #tpu.memory_space<vmem>>, vector<16xf32>,
      %get3A_452 = vector.shape_cast %get3A_451 : vector<16xf32> to vector<16xf32>
      %gt3A = arith.cmpf ogt, %get3A_449, %get3A_452 : vector<16xf32>
      %broadcast_in_dim3A = arith.constant 1 : i32
      %broadcast_in_dim3A_453 = vector.broadcast %broadcast_in_dim3A : i32 to vector<16xi32>
      %broadcast_in_dim3A_454 = arith.constant 0 : i32
      %broadcast_in_dim3A_455 = vector.broadcast %broadcast_in_dim3A_454 : i32 to vector<16xi32>
      %select_n3A = arith.select %gt3A, %broadcast_in_dim3A_453, %broadcast_in_dim3A_455 : vector<16xi1>, vector<16xi32>
      %swap3A = arith.constant 0 : i32
      %swap3A_456 = arith.index_cast %swap3A : i32 to index
      %swap3A_457 = arith.index_cast %mul3A_445 : i32 to index
      %swap3A_458 = tpu.vector_load %arg11[%swap3A_456, %swap3A_457] {strides = array<i32>} : memref<2x8192xi32, #tpu.memory_space<vmem>>, vector<1x16xi32>,
      %swap3A_459 = vector.shape_cast %swap3A_458 : vector<1x16xi32> to vector<16xi32>
      %swap3A_460 = vector.shape_cast %select_n3A : vector<16xi32> to vector<1x16xi32>
      tpu.vector_store %arg11[%swap3A_456, %swap3A_457], %swap3A_460 {strides = array<i32>} : memref<2x8192xi32, #tpu.memory_space<vmem>>, vector<1x16xi32>,
      %scan3A_461 = arith.constant 0 : i32
      %scan3A_462 = arith.constant 1 : i32
      %scan3A_463 = arith.addi %scan3A_442, %scan3A_462 : i32
      %mul3A_464 = arith.constant 16 : i32
      %mul3A_465 = arith.muli %scan3A_463, %mul3A_464 : i32
      %get3A_466 = arith.constant 0 : i32
      %get3A_467 = arith.index_cast %get3A_466 : i32 to index
      %get3A_468 = arith.index_cast %mul3A_465 : i32 to index
      %get3A_469 = tpu.vector_load %arg9[%get3A_467, %get3A_468] {strides = array<i32>} : memref<2x8192xf32, #tpu.memory_space<vmem>>, vector<1x16xf32>,
      %get3A_470 = vector.shape_cast %get3A_469 : vector<1x16xf32> to vector<16xf32>
      %get3A_471 = arith.index_cast %mul3A_465 : i32 to index
      %get3A_472 = tpu.vector_load %arg10[%get3A_471] {strides = array<i32>} : memref<8192xf32, #tpu.memory_space<vmem>>, vector<16xf32>,
      %get3A_473 = vector.shape_cast %get3A_472 : vector<16xf32> to vector<16xf32>
      %gt3A_474 = arith.cmpf ogt, %get3A_470, %get3A_473 : vector<16xf32>
      %broadcast_in_dim3A_475 = arith.constant 1 : i32
      %broadcast_in_dim3A_476 = vector.broadcast %broadcast_in_dim3A_475 : i32 to vector<16xi32>
      %broadcast_in_dim3A_477 = arith.constant 0 : i32
      %broadcast_in_dim3A_478 = vector.broadcast %broadcast_in_dim3A_477 : i32 to vector<16xi32>
      %select_n3A_479 = arith.select %gt3A_474, %broadcast_in_dim3A_476, %broadcast_in_dim3A_478 : vector<16xi1>, vector<16xi32>
      %swap3A_480 = arith.constant 0 : i32
      %swap3A_481 = arith.index_cast %swap3A_480 : i32 to index
      %swap3A_482 = arith.index_cast %mul3A_465 : i32 to index
      %swap3A_483 = tpu.vector_load %arg11[%swap3A_481, %swap3A_482] {strides = array<i32>} : memref<2x8192xi32, #tpu.memory_space<vmem>>, vector<1x16xi32>,
      %swap3A_484 = vector.shape_cast %swap3A_483 : vector<1x16xi32> to vector<16xi32>
      %swap3A_485 = vector.shape_cast %select_n3A_479 : vector<16xi32> to vector<1x16xi32>
      tpu.vector_store %arg11[%swap3A_481, %swap3A_482], %swap3A_485 {strides = array<i32>} : memref<2x8192xi32, #tpu.memory_space<vmem>>, vector<1x16xi32>,
      %scan3A_486 = arith.constant 0 : i32
      %scan3A_487 = arith.constant 2 : i32
      %scan3A_488 = arith.addi %scan3A_442, %scan3A_487 : i32
      %mul3A_489 = arith.constant 16 : i32
      %mul3A_490 = arith.muli %scan3A_488, %mul3A_489 : i32
      %get3A_491 = arith.constant 0 : i32
      %get3A_492 = arith.index_cast %get3A_491 : i32 to index
      %get3A_493 = arith.index_cast %mul3A_490 : i32 to index
      %get3A_494 = tpu.vector_load %arg9[%get3A_492, %get3A_493] {strides = array<i32>} : memref<2x8192xf32, #tpu.memory_space<vmem>>, vector<1x16xf32>,
      %get3A_495 = vector.shape_cast %get3A_494 : vector<1x16xf32> to vector<16xf32>
      %get3A_496 = arith.index_cast %mul3A_490 : i32 to index
      %get3A_497 = tpu.vector_load %arg10[%get3A_496] {strides = array<i32>} : memref<8192xf32, #tpu.memory_space<vmem>>, vector<16xf32>,
      %get3A_498 = vector.shape_cast %get3A_497 : vector<16xf32> to vector<16xf32>
      %gt3A_499 = arith.cmpf ogt, %get3A_495, %get3A_498 : vector<16xf32>
      %broadcast_in_dim3A_500 = arith.constant 1 : i32
      %broadcast_in_dim3A_501 = vector.broadcast %broadcast_in_dim3A_500 : i32 to vector<16xi32>
      %broadcast_in_dim3A_502 = arith.constant 0 : i32
      %broadcast_in_dim3A_503 = vector.broadcast %broadcast_in_dim3A_502 : i32 to vector<16xi32>
      %select_n3A_504 = arith.select %gt3A_499, %broadcast_in_dim3A_501, %broadcast_in_dim3A_503 : vector<16xi1>, vector<16xi32>
      %swap3A_505 = arith.constant 0 : i32
      %swap3A_506 = arith.index_cast %swap3A_505 : i32 to index
      %swap3A_507 = arith.index_cast %mul3A_490 : i32 to index
      %swap3A_508 = tpu.vector_load %arg11[%swap3A_506, %swap3A_507] {strides = array<i32>} : memref<2x8192xi32, #tpu.memory_space<vmem>>, vector<1x16xi32>,
      %swap3A_509 = vector.shape_cast %swap3A_508 : vector<1x16xi32> to vector<16xi32>
      %swap3A_510 = vector.shape_cast %select_n3A_504 : vector<16xi32> to vector<1x16xi32>
      tpu.vector_store %arg11[%swap3A_506, %swap3A_507], %swap3A_510 {strides = array<i32>} : memref<2x8192xi32, #tpu.memory_space<vmem>>, vector<1x16xi32>,
      %scan3A_511 = arith.constant 0 : i32
      %scan3A_512 = arith.constant 3 : i32
      %scan3A_513 = arith.addi %scan3A_442, %scan3A_512 : i32
      %mul3A_514 = arith.constant 16 : i32
      %mul3A_515 = arith.muli %scan3A_513, %mul3A_514 : i32
      %get3A_516 = arith.constant 0 : i32
      %get3A_517 = arith.index_cast %get3A_516 : i32 to index
      %get3A_518 = arith.index_cast %mul3A_515 : i32 to index
      %get3A_519 = tpu.vector_load %arg9[%get3A_517, %get3A_518] {strides = array<i32>} : memref<2x8192xf32, #tpu.memory_space<vmem>>, vector<1x16xf32>,
      %get3A_520 = vector.shape_cast %get3A_519 : vector<1x16xf32> to vector<16xf32>
      %get3A_521 = arith.index_cast %mul3A_515 : i32 to index
      %get3A_522 = tpu.vector_load %arg10[%get3A_521] {strides = array<i32>} : memref<8192xf32, #tpu.memory_space<vmem>>, vector<16xf32>,
      %get3A_523 = vector.shape_cast %get3A_522 : vector<16xf32> to vector<16xf32>
      %gt3A_524 = arith.cmpf ogt, %get3A_520, %get3A_523 : vector<16xf32>
      %broadcast_in_dim3A_525 = arith.constant 1 : i32
      %broadcast_in_dim3A_526 = vector.broadcast %broadcast_in_dim3A_525 : i32 to vector<16xi32>
      %broadcast_in_dim3A_527 = arith.constant 0 : i32
      %broadcast_in_dim3A_528 = vector.broadcast %broadcast_in_dim3A_527 : i32 to vector<16xi32>
      %select_n3A_529 = arith.select %gt3A_524, %broadcast_in_dim3A_526, %broadcast_in_dim3A_528 : vector<16xi1>, vector<16xi32>
      %swap3A_530 = arith.constant 0 : i32
      %swap3A_531 = arith.index_cast %swap3A_530 : i32 to index
      %swap3A_532 = arith.index_cast %mul3A_515 : i32 to index
      %swap3A_533 = tpu.vector_load %arg11[%swap3A_531, %swap3A_532] {strides = array<i32>} : memref<2x8192xi32, #tpu.memory_space<vmem>>, vector<1x16xi32>,
      %swap3A_534 = vector.shape_cast %swap3A_533 : vector<1x16xi32> to vector<16xi32>
      %swap3A_535 = vector.shape_cast %select_n3A_529 : vector<16xi32> to vector<1x16xi32>
      tpu.vector_store %arg11[%swap3A_531, %swap3A_532], %swap3A_535 {strides = array<i32>} : memref<2x8192xi32, #tpu.memory_space<vmem>>, vector<1x16xi32>,
      %scan3A_536 = arith.constant 0 : i32
      %scan3A_537 = arith.constant 4 : i32
      %scan3A_538 = arith.addi %scan3A_442, %scan3A_537 : i32
      %mul3A_539 = arith.constant 16 : i32
      %mul3A_540 = arith.muli %scan3A_538, %mul3A_539 : i32
      %get3A_541 = arith.constant 0 : i32
      %get3A_542 = arith.index_cast %get3A_541 : i32 to index
      %get3A_543 = arith.index_cast %mul3A_540 : i32 to index
      %get3A_544 = tpu.vector_load %arg9[%get3A_542, %get3A_543] {strides = array<i32>} : memref<2x8192xf32, #tpu.memory_space<vmem>>, vector<1x16xf32>,
      %get3A_545 = vector.shape_cast %get3A_544 : vector<1x16xf32> to vector<16xf32>
      %get3A_546 = arith.index_cast %mul3A_540 : i32 to index
      %get3A_547 = tpu.vector_load %arg10[%get3A_546] {strides = array<i32>} : memref<8192xf32, #tpu.memory_space<vmem>>, vector<16xf32>,
      %get3A_548 = vector.shape_cast %get3A_547 : vector<16xf32> to vector<16xf32>
      %gt3A_549 = arith.cmpf ogt, %get3A_545, %get3A_548 : vector<16xf32>
      %broadcast_in_dim3A_550 = arith.constant 1 : i32
      %broadcast_in_dim3A_551 = vector.broadcast %broadcast_in_dim3A_550 : i32 to vector<16xi32>
      %broadcast_in_dim3A_552 = arith.constant 0 : i32
      %broadcast_in_dim3A_553 = vector.broadcast %broadcast_in_dim3A_552 : i32 to vector<16xi32>
      %select_n3A_554 = arith.select %gt3A_549, %broadcast_in_dim3A_551, %broadcast_in_dim3A_553 : vector<16xi1>, vector<16xi32>
      %swap3A_555 = arith.constant 0 : i32
      %swap3A_556 = arith.index_cast %swap3A_555 : i32 to index
      %swap3A_557 = arith.index_cast %mul3A_540 : i32 to index
      %swap3A_558 = tpu.vector_load %arg11[%swap3A_556, %swap3A_557] {strides = array<i32>} : memref<2x8192xi32, #tpu.memory_space<vmem>>, vector<1x16xi32>,
      %swap3A_559 = vector.shape_cast %swap3A_558 : vector<1x16xi32> to vector<16xi32>
      %swap3A_560 = vector.shape_cast %select_n3A_554 : vector<16xi32> to vector<1x16xi32>
      tpu.vector_store %arg11[%swap3A_556, %swap3A_557], %swap3A_560 {strides = array<i32>} : memref<2x8192xi32, #tpu.memory_space<vmem>>, vector<1x16xi32>,
      %scan3A_561 = arith.constant 0 : i32
      %scan3A_562 = arith.constant 5 : i32
      %scan3A_563 = arith.addi %scan3A_442, %scan3A_562 : i32
      %mul3A_564 = arith.constant 16 : i32
      %mul3A_565 = arith.muli %scan3A_563, %mul3A_564 : i32
      %get3A_566 = arith.constant 0 : i32
      %get3A_567 = arith.index_cast %get3A_566 : i32 to index
      %get3A_568 = arith.index_cast %mul3A_565 : i32 to index
      %get3A_569 = tpu.vector_load %arg9[%get3A_567, %get3A_568] {strides = array<i32>} : memref<2x8192xf32, #tpu.memory_space<vmem>>, vector<1x16xf32>,
      %get3A_570 = vector.shape_cast %get3A_569 : vector<1x16xf32> to vector<16xf32>
      %get3A_571 = arith.index_cast %mul3A_565 : i32 to index
      %get3A_572 = tpu.vector_load %arg10[%get3A_571] {strides = array<i32>} : memref<8192xf32, #tpu.memory_space<vmem>>, vector<16xf32>,
      %get3A_573 = vector.shape_cast %get3A_572 : vector<16xf32> to vector<16xf32>
      %gt3A_574 = arith.cmpf ogt, %get3A_570, %get3A_573 : vector<16xf32>
      %broadcast_in_dim3A_575 = arith.constant 1 : i32
      %broadcast_in_dim3A_576 = vector.broadcast %broadcast_in_dim3A_575 : i32 to vector<16xi32>
      %broadcast_in_dim3A_577 = arith.constant 0 : i32
      %broadcast_in_dim3A_578 = vector.broadcast %broadcast_in_dim3A_577 : i32 to vector<16xi32>
      %select_n3A_579 = arith.select %gt3A_574, %broadcast_in_dim3A_576, %broadcast_in_dim3A_578 : vector<16xi1>, vector<16xi32>
      %swap3A_580 = arith.constant 0 : i32
      %swap3A_581 = arith.index_cast %swap3A_580 : i32 to index
      %swap3A_582 = arith.index_cast %mul3A_565 : i32 to index
      %swap3A_583 = tpu.vector_load %arg11[%swap3A_581, %swap3A_582] {strides = array<i32>} : memref<2x8192xi32, #tpu.memory_space<vmem>>, vector<1x16xi32>,
      %swap3A_584 = vector.shape_cast %swap3A_583 : vector<1x16xi32> to vector<16xi32>
      %swap3A_585 = vector.shape_cast %select_n3A_579 : vector<16xi32> to vector<1x16xi32>
      tpu.vector_store %arg11[%swap3A_581, %swap3A_582], %swap3A_585 {strides = array<i32>} : memref<2x8192xi32, #tpu.memory_space<vmem>>, vector<1x16xi32>,
      %scan3A_586 = arith.constant 0 : i32
      %scan3A_587 = arith.constant 6 : i32
      %scan3A_588 = arith.addi %scan3A_442, %scan3A_587 : i32
      %mul3A_589 = arith.constant 16 : i32
      %mul3A_590 = arith.muli %scan3A_588, %mul3A_589 : i32
      %get3A_591 = arith.constant 0 : i32
      %get3A_592 = arith.index_cast %get3A_591 : i32 to index
      %get3A_593 = arith.index_cast %mul3A_590 : i32 to index
      %get3A_594 = tpu.vector_load %arg9[%get3A_592, %get3A_593] {strides = array<i32>} : memref<2x8192xf32, #tpu.memory_space<vmem>>, vector<1x16xf32>,
      %get3A_595 = vector.shape_cast %get3A_594 : vector<1x16xf32> to vector<16xf32>
      %get3A_596 = arith.index_cast %mul3A_590 : i32 to index
      %get3A_597 = tpu.vector_load %arg10[%get3A_596] {strides = array<i32>} : memref<8192xf32, #tpu.memory_space<vmem>>, vector<16xf32>,
      %get3A_598 = vector.shape_cast %get3A_597 : vector<16xf32> to vector<16xf32>
      %gt3A_599 = arith.cmpf ogt, %get3A_595, %get3A_598 : vector<16xf32>
      %broadcast_in_dim3A_600 = arith.constant 1 : i32
      %broadcast_in_dim3A_601 = vector.broadcast %broadcast_in_dim3A_600 : i32 to vector<16xi32>
      %broadcast_in_dim3A_602 = arith.constant 0 : i32
      %broadcast_in_dim3A_603 = vector.broadcast %broadcast_in_dim3A_602 : i32 to vector<16xi32>
      %select_n3A_604 = arith.select %gt3A_599, %broadcast_in_dim3A_601, %broadcast_in_dim3A_603 : vector<16xi1>, vector<16xi32>
      %swap3A_605 = arith.constant 0 : i32
      %swap3A_606 = arith.index_cast %swap3A_605 : i32 to index
      %swap3A_607 = arith.index_cast %mul3A_590 : i32 to index
      %swap3A_608 = tpu.vector_load %arg11[%swap3A_606, %swap3A_607] {strides = array<i32>} : memref<2x8192xi32, #tpu.memory_space<vmem>>, vector<1x16xi32>,
      %swap3A_609 = vector.shape_cast %swap3A_608 : vector<1x16xi32> to vector<16xi32>
      %swap3A_610 = vector.shape_cast %select_n3A_604 : vector<16xi32> to vector<1x16xi32>
      tpu.vector_store %arg11[%swap3A_606, %swap3A_607], %swap3A_610 {strides = array<i32>} : memref<2x8192xi32, #tpu.memory_space<vmem>>, vector<1x16xi32>,
      %scan3A_611 = arith.constant 0 : i32
      %scan3A_612 = arith.constant 7 : i32
      %scan3A_613 = arith.addi %scan3A_442, %scan3A_612 : i32
      %mul3A_614 = arith.constant 16 : i32
      %mul3A_615 = arith.muli %scan3A_613, %mul3A_614 : i32
      %get3A_616 = arith.constant 0 : i32
      %get3A_617 = arith.index_cast %get3A_616 : i32 to index
      %get3A_618 = arith.index_cast %mul3A_615 : i32 to index
      %get3A_619 = tpu.vector_load %arg9[%get3A_617, %get3A_618] {strides = array<i32>} : memref<2x8192xf32, #tpu.memory_space<vmem>>, vector<1x16xf32>,
      %get3A_620 = vector.shape_cast %get3A_619 : vector<1x16xf32> to vector<16xf32>
      %get3A_621 = arith.index_cast %mul3A_615 : i32 to index
      %get3A_622 = tpu.vector_load %arg10[%get3A_621] {strides = array<i32>} : memref<8192xf32, #tpu.memory_space<vmem>>, vector<16xf32>,
      %get3A_623 = vector.shape_cast %get3A_622 : vector<16xf32> to vector<16xf32>
      %gt3A_624 = arith.cmpf ogt, %get3A_620, %get3A_623 : vector<16xf32>
      %broadcast_in_dim3A_625 = arith.constant 1 : i32
      %broadcast_in_dim3A_626 = vector.broadcast %broadcast_in_dim3A_625 : i32 to vector<16xi32>
      %broadcast_in_dim3A_627 = arith.constant 0 : i32
      %broadcast_in_dim3A_628 = vector.broadcast %broadcast_in_dim3A_627 : i32 to vector<16xi32>
      %select_n3A_629 = arith.select %gt3A_624, %broadcast_in_dim3A_626, %broadcast_in_dim3A_628 : vector<16xi1>, vector<16xi32>
      %swap3A_630 = arith.constant 0 : i32
      %swap3A_631 = arith.index_cast %swap3A_630 : i32 to index
      %swap3A_632 = arith.index_cast %mul3A_615 : i32 to index
      %swap3A_633 = tpu.vector_load %arg11[%swap3A_631, %swap3A_632] {strides = array<i32>} : memref<2x8192xi32, #tpu.memory_space<vmem>>, vector<1x16xi32>,
      %swap3A_634 = vector.shape_cast %swap3A_633 : vector<1x16xi32> to vector<16xi32>
      %swap3A_635 = vector.shape_cast %select_n3A_629 : vector<16xi32> to vector<1x16xi32>
      tpu.vector_store %arg11[%swap3A_631, %swap3A_632], %swap3A_635 {strides = array<i32>} : memref<2x8192xi32, #tpu.memory_space<vmem>>, vector<1x16xi32>,
      %scan3A_636 = arith.constant 0 : i32
      scf.yield %scan3A_636 : i32
    }
    %scan3A_150 = arith.constant 512 : i32
    %add3A_151 = arith.constant 16384 : i32
    %add3A_152 = arith.addi %mul3A_2, %add3A_151 : i32
    %dma_start3A_153 = arith.constant 0 : i32
    %dma_start3A_154 = arith.constant 0 : i32
    %dma_start3A_155 = tpu.memref_slice %arg11[%dma_start3A_153, %dma_start3A_154] : memref<2x8192xi32, #tpu.memory_space<vmem>> -> memref<1x8192xi32, #tpu.memory_space<vmem>>
    %dma_start3A_156 = tpu.memref_squeeze %dma_start3A_155 : memref<1x8192xi32, #tpu.memory_space<vmem>> -> memref<8192xi32, #tpu.memory_space<vmem>>
    %dma_start3A_157 = tpu.memref_slice %arg5[%add3A_152] : memref<2097152xi32, #tpu.memory_space<hbm>> -> memref<8192xi32, #tpu.memory_space<hbm>>
    %dma_start3A_158 = tpu.memref_slice %arg5[%add3A_152] : memref<2097152xi32, #tpu.memory_space<hbm>> -> memref<8192xi32, #tpu.memory_space<hbm>>
    %dma_start3A_159 = arith.constant 0 : i32
    %dma_start3A_160 = tpu.memref_slice %arg11[%dma_start3A_153, %dma_start3A_159] : memref<2x8192xi32, #tpu.memory_space<vmem>> -> memref<1x8192xi32, #tpu.memory_space<vmem>>
    %dma_start3A_161 = tpu.memref_squeeze %dma_start3A_160 : memref<1x8192xi32, #tpu.memory_space<vmem>> -> memref<8192xi32, #tpu.memory_space<vmem>>
    tpu.enqueue_dma source(%dma_start3A_161 : memref<8192xi32, #tpu.memory_space<vmem>>) target(%dma_start3A_158 : memref<8192xi32, #tpu.memory_space<hbm>>) target_semaphore(%arg14 : memref<!tpu.dma_semaphore, #tpu.memory_space<semaphore_mem>>)
    %add3A_162 = arith.constant 32768 : i32
    %add3A_163 = arith.addi %mul3A_2, %add3A_162 : i32
    %dma_start3A_164 = tpu.memref_slice %arg2[%add3A_163] : memref<2097152xi32, #tpu.memory_space<hbm>> -> memref<8192xi32, #tpu.memory_space<hbm>>
    %dma_start3A_165 = tpu.memref_slice %arg2[%add3A_163] : memref<2097152xi32, #tpu.memory_space<hbm>> -> memref<8192xi32, #tpu.memory_space<hbm>>
    tpu.enqueue_dma source(%dma_start3A_165 : memref<8192xi32, #tpu.memory_space<hbm>>) target(%arg7 : memref<8192xi32, #tpu.memory_space<vmem>>) target_semaphore(%arg12 : memref<!tpu.dma_semaphore, #tpu.memory_space<semaphore_mem>>)
    %dma_start3A_166 = arith.constant 0 : i32
    %dma_start3A_167 = arith.constant 0 : i32
    %dma_start3A_168 = tpu.memref_slice %arg9[%dma_start3A_166, %dma_start3A_167] : memref<2x8192xf32, #tpu.memory_space<vmem>> -> memref<1x8192xf32, #tpu.memory_space<vmem>>
    %dma_start3A_169 = tpu.memref_squeeze %dma_start3A_168 : memref<1x8192xf32, #tpu.memory_space<vmem>> -> memref<8192xf32, #tpu.memory_space<vmem>>
    %dma_start3A_170 = tpu.memref_slice %arg3[%add3A_163] : memref<2097152xf32, #tpu.memory_space<hbm>> -> memref<8192xf32, #tpu.memory_space<hbm>>
    %dma_start3A_171 = arith.constant 0 : i32
    %dma_start3A_172 = tpu.memref_slice %arg9[%dma_start3A_166, %dma_start3A_171] : memref<2x8192xf32, #tpu.memory_space<vmem>> -> memref<1x8192xf32, #tpu.memory_space<vmem>>
    %dma_start3A_173 = tpu.memref_squeeze %dma_start3A_172 : memref<1x8192xf32, #tpu.memory_space<vmem>> -> memref<8192xf32, #tpu.memory_space<vmem>>
    %dma_start3A_174 = tpu.memref_slice %arg3[%add3A_163] : memref<2097152xf32, #tpu.memory_space<hbm>> -> memref<8192xf32, #tpu.memory_space<hbm>>
    tpu.enqueue_dma source(%dma_start3A_174 : memref<8192xf32, #tpu.memory_space<hbm>>) target(%dma_start3A_173 : memref<8192xf32, #tpu.memory_space<vmem>>) target_semaphore(%arg12 : memref<!tpu.dma_semaphore, #tpu.memory_space<semaphore_mem>>)
    %dma_wait3A_175 = tpu.memref_slice %arg2[%mul3A_2] : memref<2097152xi32, #tpu.memory_space<hbm>> -> memref<8192xi32, #tpu.memory_space<hbm>>
    %dma_wait3A_176 = tpu.memref_slice %arg2[%mul3A_2] : memref<2097152xi32, #tpu.memory_space<hbm>> -> memref<8192xi32, #tpu.memory_space<hbm>>
    tpu.wait_dma2 semaphore(%arg12 : memref<!tpu.dma_semaphore, #tpu.memory_space<semaphore_mem>>) src(%dma_wait3A_176 : memref<8192xi32, #tpu.memory_space<hbm>>) dst(%arg8 : memref<8192xi32, #tpu.memory_space<vmem>>)
    %dma_wait3A_177 = arith.constant 1 : i32
    %dma_wait3A_178 = arith.constant 0 : i32
    %dma_wait3A_179 = tpu.memref_slice %arg9[%dma_wait3A_177, %dma_wait3A_178] : memref<2x8192xf32, #tpu.memory_space<vmem>> -> memref<1x8192xf32, #tpu.memory_space<vmem>>
    %dma_wait3A_180 = tpu.memref_squeeze %dma_wait3A_179 : memref<1x8192xf32, #tpu.memory_space<vmem>> -> memref<8192xf32, #tpu.memory_space<vmem>>
    %dma_wait3A_181 = tpu.memref_slice %arg3[%mul3A_2] : memref<2097152xf32, #tpu.memory_space<hbm>> -> memref<8192xf32, #tpu.memory_space<hbm>>
    %dma_wait3A_182 = arith.constant 0 : i32
    %dma_wait3A_183 = tpu.memref_slice %arg9[%dma_wait3A_177, %dma_wait3A_182] : memref<2x8192xf32, #tpu.memory_space<vmem>> -> memref<1x8192xf32, #tpu.memory_space<vmem>>
    %dma_wait3A_184 = tpu.memref_squeeze %dma_wait3A_183 : memref<1x8192xf32, #tpu.memory_space<vmem>> -> memref<8192xf32, #tpu.memory_space<vmem>>
    %dma_wait3A_185 = tpu.memref_slice %arg3[%mul3A_2] : memref<2097152xf32, #tpu.memory_space<hbm>> -> memref<8192xf32, #tpu.memory_space<hbm>>
    tpu.wait_dma2 semaphore(%arg12 : memref<!tpu.dma_semaphore, #tpu.memory_space<semaphore_mem>>) src(%dma_wait3A_185 : memref<8192xf32, #tpu.memory_space<hbm>>) dst(%dma_wait3A_184 : memref<8192xf32, #tpu.memory_space<vmem>>)
    %dma_start3A_186 = arith.constant 0 : i32
    %dma_start3A_187 = tpu.memref_slice %arg6[%dma_start3A_186] : memref<262144xf32, #tpu.memory_space<vmem_shared>> -> memref<262144xf32, #tpu.memory_space<vmem_shared>>
    tpu.enqueue_indirect_dma source(%dma_start3A_187 : memref<262144xf32, #tpu.memory_space<vmem_shared>>) target(%arg10 : memref<8192xf32, #tpu.memory_space<vmem>>) offsets(%arg8 : memref<8192xi32, #tpu.memory_space<vmem>>) semaphore(%arg13 : memref<!tpu.dma_semaphore, #tpu.memory_space<semaphore_mem>>)
    %dma_wait3A_188 = arith.constant 0 : i32
    %dma_wait3A_189 = tpu.memref_slice %arg6[%dma_wait3A_188] : memref<262144xf32, #tpu.memory_space<vmem_shared>> -> memref<262144xf32, #tpu.memory_space<vmem_shared>>
    tpu.wait_indirect_dma semaphore(%arg13 : memref<!tpu.dma_semaphore, #tpu.memory_space<semaphore_mem>>) src(%dma_wait3A_189 : memref<262144xf32, #tpu.memory_space<vmem_shared>>) dst(%arg10 : memref<8192xf32, #tpu.memory_space<vmem>>)
    %dma_wait3A_190 = arith.constant 1 : i32
    %dma_wait3A_191 = arith.constant 0 : i32
    %dma_wait3A_192 = tpu.memref_slice %arg11[%dma_wait3A_190, %dma_wait3A_191] : memref<2x8192xi32, #tpu.memory_space<vmem>> -> memref<1x8192xi32, #tpu.memory_space<vmem>>
    %dma_wait3A_193 = tpu.memref_squeeze %dma_wait3A_192 : memref<1x8192xi32, #tpu.memory_space<vmem>> -> memref<8192xi32, #tpu.memory_space<vmem>>
    %dma_wait3A_194 = tpu.memref_slice %arg5[%mul3A_2] : memref<2097152xi32, #tpu.memory_space<hbm>> -> memref<8192xi32, #tpu.memory_space<hbm>>
    %dma_wait3A_195 = tpu.memref_slice %arg5[%mul3A_2] : memref<2097152xi32, #tpu.memory_space<hbm>> -> memref<8192xi32, #tpu.memory_space<hbm>>
    %dma_wait3A_196 = arith.constant 0 : i32
    %dma_wait3A_197 = tpu.memref_slice %arg11[%dma_wait3A_190, %dma_wait3A_196] : memref<2x8192xi32, #tpu.memory_space<vmem>> -> memref<1x8192xi32, #tpu.memory_space<vmem>>
    %dma_wait3A_198 = tpu.memref_squeeze %dma_wait3A_197 : memref<1x8192xi32, #tpu.memory_space<vmem>> -> memref<8192xi32, #tpu.memory_space<vmem>>
    tpu.wait_dma2 semaphore(%arg14 : memref<!tpu.dma_semaphore, #tpu.memory_space<semaphore_mem>>) src(%dma_wait3A_198 : memref<8192xi32, #tpu.memory_space<vmem>>) dst(%dma_wait3A_195 : memref<8192xi32, #tpu.memory_space<hbm>>)
    %scan3A_199 = arith.constant 0 : i32
    %scan3A_200 = arith.constant 0 : i32
    %scan3A_201 = arith.constant 512 : i32
    %scan3A_202 = arith.addi %scan3A_200, %scan3A_201 : i32
    %scan3A_203 = arith.constant 8 : i32
    %scan3A_204 = scf.for %scan3A_442 = %scan3A_200 to %scan3A_202 step %scan3A_203 iter_args(%scan3A_443 = %scan3A_199) -> (i32)  : i32 {
      %mul3A_444 = arith.constant 16 : i32
      %mul3A_445 = arith.muli %scan3A_442, %mul3A_444 : i32
      %get3A = arith.constant 1 : i32
      %get3A_446 = arith.index_cast %get3A : i32 to index
      %get3A_447 = arith.index_cast %mul3A_445 : i32 to index
      %get3A_448 = tpu.vector_load %arg9[%get3A_446, %get3A_447] {strides = array<i32>} : memref<2x8192xf32, #tpu.memory_space<vmem>>, vector<1x16xf32>,
      %get3A_449 = vector.shape_cast %get3A_448 : vector<1x16xf32> to vector<16xf32>
      %get3A_450 = arith.index_cast %mul3A_445 : i32 to index
      %get3A_451 = tpu.vector_load %arg10[%get3A_450] {strides = array<i32>} : memref<8192xf32, #tpu.memory_space<vmem>>, vector<16xf32>,
      %get3A_452 = vector.shape_cast %get3A_451 : vector<16xf32> to vector<16xf32>
      %gt3A = arith.cmpf ogt, %get3A_449, %get3A_452 : vector<16xf32>
      %broadcast_in_dim3A = arith.constant 1 : i32
      %broadcast_in_dim3A_453 = vector.broadcast %broadcast_in_dim3A : i32 to vector<16xi32>
      %broadcast_in_dim3A_454 = arith.constant 0 : i32
      %broadcast_in_dim3A_455 = vector.broadcast %broadcast_in_dim3A_454 : i32 to vector<16xi32>
      %select_n3A = arith.select %gt3A, %broadcast_in_dim3A_453, %broadcast_in_dim3A_455 : vector<16xi1>, vector<16xi32>
      %swap3A = arith.constant 1 : i32
      %swap3A_456 = arith.index_cast %swap3A : i32 to index
      %swap3A_457 = arith.index_cast %mul3A_445 : i32 to index
      %swap3A_458 = tpu.vector_load %arg11[%swap3A_456, %swap3A_457] {strides = array<i32>} : memref<2x8192xi32, #tpu.memory_space<vmem>>, vector<1x16xi32>,
      %swap3A_459 = vector.shape_cast %swap3A_458 : vector<1x16xi32> to vector<16xi32>
      %swap3A_460 = vector.shape_cast %select_n3A : vector<16xi32> to vector<1x16xi32>
      tpu.vector_store %arg11[%swap3A_456, %swap3A_457], %swap3A_460 {strides = array<i32>} : memref<2x8192xi32, #tpu.memory_space<vmem>>, vector<1x16xi32>,
      %scan3A_461 = arith.constant 0 : i32
      %scan3A_462 = arith.constant 1 : i32
      %scan3A_463 = arith.addi %scan3A_442, %scan3A_462 : i32
      %mul3A_464 = arith.constant 16 : i32
      %mul3A_465 = arith.muli %scan3A_463, %mul3A_464 : i32
      %get3A_466 = arith.constant 1 : i32
      %get3A_467 = arith.index_cast %get3A_466 : i32 to index
      %get3A_468 = arith.index_cast %mul3A_465 : i32 to index
      %get3A_469 = tpu.vector_load %arg9[%get3A_467, %get3A_468] {strides = array<i32>} : memref<2x8192xf32, #tpu.memory_space<vmem>>, vector<1x16xf32>,
      %get3A_470 = vector.shape_cast %get3A_469 : vector<1x16xf32> to vector<16xf32>
      %get3A_471 = arith.index_cast %mul3A_465 : i32 to index
      %get3A_472 = tpu.vector_load %arg10[%get3A_471] {strides = array<i32>} : memref<8192xf32, #tpu.memory_space<vmem>>, vector<16xf32>,
      %get3A_473 = vector.shape_cast %get3A_472 : vector<16xf32> to vector<16xf32>
      %gt3A_474 = arith.cmpf ogt, %get3A_470, %get3A_473 : vector<16xf32>
      %broadcast_in_dim3A_475 = arith.constant 1 : i32
      %broadcast_in_dim3A_476 = vector.broadcast %broadcast_in_dim3A_475 : i32 to vector<16xi32>
      %broadcast_in_dim3A_477 = arith.constant 0 : i32
      %broadcast_in_dim3A_478 = vector.broadcast %broadcast_in_dim3A_477 : i32 to vector<16xi32>
      %select_n3A_479 = arith.select %gt3A_474, %broadcast_in_dim3A_476, %broadcast_in_dim3A_478 : vector<16xi1>, vector<16xi32>
      %swap3A_480 = arith.constant 1 : i32
      %swap3A_481 = arith.index_cast %swap3A_480 : i32 to index
      %swap3A_482 = arith.index_cast %mul3A_465 : i32 to index
      %swap3A_483 = tpu.vector_load %arg11[%swap3A_481, %swap3A_482] {strides = array<i32>} : memref<2x8192xi32, #tpu.memory_space<vmem>>, vector<1x16xi32>,
      %swap3A_484 = vector.shape_cast %swap3A_483 : vector<1x16xi32> to vector<16xi32>
      %swap3A_485 = vector.shape_cast %select_n3A_479 : vector<16xi32> to vector<1x16xi32>
      tpu.vector_store %arg11[%swap3A_481, %swap3A_482], %swap3A_485 {strides = array<i32>} : memref<2x8192xi32, #tpu.memory_space<vmem>>, vector<1x16xi32>,
      %scan3A_486 = arith.constant 0 : i32
      %scan3A_487 = arith.constant 2 : i32
      %scan3A_488 = arith.addi %scan3A_442, %scan3A_487 : i32
      %mul3A_489 = arith.constant 16 : i32
      %mul3A_490 = arith.muli %scan3A_488, %mul3A_489 : i32
      %get3A_491 = arith.constant 1 : i32
      %get3A_492 = arith.index_cast %get3A_491 : i32 to index
      %get3A_493 = arith.index_cast %mul3A_490 : i32 to index
      %get3A_494 = tpu.vector_load %arg9[%get3A_492, %get3A_493] {strides = array<i32>} : memref<2x8192xf32, #tpu.memory_space<vmem>>, vector<1x16xf32>,
      %get3A_495 = vector.shape_cast %get3A_494 : vector<1x16xf32> to vector<16xf32>
      %get3A_496 = arith.index_cast %mul3A_490 : i32 to index
      %get3A_497 = tpu.vector_load %arg10[%get3A_496] {strides = array<i32>} : memref<8192xf32, #tpu.memory_space<vmem>>, vector<16xf32>,
      %get3A_498 = vector.shape_cast %get3A_497 : vector<16xf32> to vector<16xf32>
      %gt3A_499 = arith.cmpf ogt, %get3A_495, %get3A_498 : vector<16xf32>
      %broadcast_in_dim3A_500 = arith.constant 1 : i32
      %broadcast_in_dim3A_501 = vector.broadcast %broadcast_in_dim3A_500 : i32 to vector<16xi32>
      %broadcast_in_dim3A_502 = arith.constant 0 : i32
      %broadcast_in_dim3A_503 = vector.broadcast %broadcast_in_dim3A_502 : i32 to vector<16xi32>
      %select_n3A_504 = arith.select %gt3A_499, %broadcast_in_dim3A_501, %broadcast_in_dim3A_503 : vector<16xi1>, vector<16xi32>
      %swap3A_505 = arith.constant 1 : i32
      %swap3A_506 = arith.index_cast %swap3A_505 : i32 to index
      %swap3A_507 = arith.index_cast %mul3A_490 : i32 to index
      %swap3A_508 = tpu.vector_load %arg11[%swap3A_506, %swap3A_507] {strides = array<i32>} : memref<2x8192xi32, #tpu.memory_space<vmem>>, vector<1x16xi32>,
      %swap3A_509 = vector.shape_cast %swap3A_508 : vector<1x16xi32> to vector<16xi32>
      %swap3A_510 = vector.shape_cast %select_n3A_504 : vector<16xi32> to vector<1x16xi32>
      tpu.vector_store %arg11[%swap3A_506, %swap3A_507], %swap3A_510 {strides = array<i32>} : memref<2x8192xi32, #tpu.memory_space<vmem>>, vector<1x16xi32>,
      %scan3A_511 = arith.constant 0 : i32
      %scan3A_512 = arith.constant 3 : i32
      %scan3A_513 = arith.addi %scan3A_442, %scan3A_512 : i32
      %mul3A_514 = arith.constant 16 : i32
      %mul3A_515 = arith.muli %scan3A_513, %mul3A_514 : i32
      %get3A_516 = arith.constant 1 : i32
      %get3A_517 = arith.index_cast %get3A_516 : i32 to index
      %get3A_518 = arith.index_cast %mul3A_515 : i32 to index
      %get3A_519 = tpu.vector_load %arg9[%get3A_517, %get3A_518] {strides = array<i32>} : memref<2x8192xf32, #tpu.memory_space<vmem>>, vector<1x16xf32>,
      %get3A_520 = vector.shape_cast %get3A_519 : vector<1x16xf32> to vector<16xf32>
      %get3A_521 = arith.index_cast %mul3A_515 : i32 to index
      %get3A_522 = tpu.vector_load %arg10[%get3A_521] {strides = array<i32>} : memref<8192xf32, #tpu.memory_space<vmem>>, vector<16xf32>,
      %get3A_523 = vector.shape_cast %get3A_522 : vector<16xf32> to vector<16xf32>
      %gt3A_524 = arith.cmpf ogt, %get3A_520, %get3A_523 : vector<16xf32>
      %broadcast_in_dim3A_525 = arith.constant 1 : i32
      %broadcast_in_dim3A_526 = vector.broadcast %broadcast_in_dim3A_525 : i32 to vector<16xi32>
      %broadcast_in_dim3A_527 = arith.constant 0 : i32
      %broadcast_in_dim3A_528 = vector.broadcast %broadcast_in_dim3A_527 : i32 to vector<16xi32>
      %select_n3A_529 = arith.select %gt3A_524, %broadcast_in_dim3A_526, %broadcast_in_dim3A_528 : vector<16xi1>, vector<16xi32>
      %swap3A_530 = arith.constant 1 : i32
      %swap3A_531 = arith.index_cast %swap3A_530 : i32 to index
      %swap3A_532 = arith.index_cast %mul3A_515 : i32 to index
      %swap3A_533 = tpu.vector_load %arg11[%swap3A_531, %swap3A_532] {strides = array<i32>} : memref<2x8192xi32, #tpu.memory_space<vmem>>, vector<1x16xi32>,
      %swap3A_534 = vector.shape_cast %swap3A_533 : vector<1x16xi32> to vector<16xi32>
      %swap3A_535 = vector.shape_cast %select_n3A_529 : vector<16xi32> to vector<1x16xi32>
      tpu.vector_store %arg11[%swap3A_531, %swap3A_532], %swap3A_535 {strides = array<i32>} : memref<2x8192xi32, #tpu.memory_space<vmem>>, vector<1x16xi32>,
      %scan3A_536 = arith.constant 0 : i32
      %scan3A_537 = arith.constant 4 : i32
      %scan3A_538 = arith.addi %scan3A_442, %scan3A_537 : i32
      %mul3A_539 = arith.constant 16 : i32
      %mul3A_540 = arith.muli %scan3A_538, %mul3A_539 : i32
      %get3A_541 = arith.constant 1 : i32
      %get3A_542 = arith.index_cast %get3A_541 : i32 to index
      %get3A_543 = arith.index_cast %mul3A_540 : i32 to index
      %get3A_544 = tpu.vector_load %arg9[%get3A_542, %get3A_543] {strides = array<i32>} : memref<2x8192xf32, #tpu.memory_space<vmem>>, vector<1x16xf32>,
      %get3A_545 = vector.shape_cast %get3A_544 : vector<1x16xf32> to vector<16xf32>
      %get3A_546 = arith.index_cast %mul3A_540 : i32 to index
      %get3A_547 = tpu.vector_load %arg10[%get3A_546] {strides = array<i32>} : memref<8192xf32, #tpu.memory_space<vmem>>, vector<16xf32>,
      %get3A_548 = vector.shape_cast %get3A_547 : vector<16xf32> to vector<16xf32>
      %gt3A_549 = arith.cmpf ogt, %get3A_545, %get3A_548 : vector<16xf32>
      %broadcast_in_dim3A_550 = arith.constant 1 : i32
      %broadcast_in_dim3A_551 = vector.broadcast %broadcast_in_dim3A_550 : i32 to vector<16xi32>
      %broadcast_in_dim3A_552 = arith.constant 0 : i32
      %broadcast_in_dim3A_553 = vector.broadcast %broadcast_in_dim3A_552 : i32 to vector<16xi32>
      %select_n3A_554 = arith.select %gt3A_549, %broadcast_in_dim3A_551, %broadcast_in_dim3A_553 : vector<16xi1>, vector<16xi32>
      %swap3A_555 = arith.constant 1 : i32
      %swap3A_556 = arith.index_cast %swap3A_555 : i32 to index
      %swap3A_557 = arith.index_cast %mul3A_540 : i32 to index
      %swap3A_558 = tpu.vector_load %arg11[%swap3A_556, %swap3A_557] {strides = array<i32>} : memref<2x8192xi32, #tpu.memory_space<vmem>>, vector<1x16xi32>,
      %swap3A_559 = vector.shape_cast %swap3A_558 : vector<1x16xi32> to vector<16xi32>
      %swap3A_560 = vector.shape_cast %select_n3A_554 : vector<16xi32> to vector<1x16xi32>
      tpu.vector_store %arg11[%swap3A_556, %swap3A_557], %swap3A_560 {strides = array<i32>} : memref<2x8192xi32, #tpu.memory_space<vmem>>, vector<1x16xi32>,
      %scan3A_561 = arith.constant 0 : i32
      %scan3A_562 = arith.constant 5 : i32
      %scan3A_563 = arith.addi %scan3A_442, %scan3A_562 : i32
      %mul3A_564 = arith.constant 16 : i32
      %mul3A_565 = arith.muli %scan3A_563, %mul3A_564 : i32
      %get3A_566 = arith.constant 1 : i32
      %get3A_567 = arith.index_cast %get3A_566 : i32 to index
      %get3A_568 = arith.index_cast %mul3A_565 : i32 to index
      %get3A_569 = tpu.vector_load %arg9[%get3A_567, %get3A_568] {strides = array<i32>} : memref<2x8192xf32, #tpu.memory_space<vmem>>, vector<1x16xf32>,
      %get3A_570 = vector.shape_cast %get3A_569 : vector<1x16xf32> to vector<16xf32>
      %get3A_571 = arith.index_cast %mul3A_565 : i32 to index
      %get3A_572 = tpu.vector_load %arg10[%get3A_571] {strides = array<i32>} : memref<8192xf32, #tpu.memory_space<vmem>>, vector<16xf32>,
      %get3A_573 = vector.shape_cast %get3A_572 : vector<16xf32> to vector<16xf32>
      %gt3A_574 = arith.cmpf ogt, %get3A_570, %get3A_573 : vector<16xf32>
      %broadcast_in_dim3A_575 = arith.constant 1 : i32
      %broadcast_in_dim3A_576 = vector.broadcast %broadcast_in_dim3A_575 : i32 to vector<16xi32>
      %broadcast_in_dim3A_577 = arith.constant 0 : i32
      %broadcast_in_dim3A_578 = vector.broadcast %broadcast_in_dim3A_577 : i32 to vector<16xi32>
      %select_n3A_579 = arith.select %gt3A_574, %broadcast_in_dim3A_576, %broadcast_in_dim3A_578 : vector<16xi1>, vector<16xi32>
      %swap3A_580 = arith.constant 1 : i32
      %swap3A_581 = arith.index_cast %swap3A_580 : i32 to index
      %swap3A_582 = arith.index_cast %mul3A_565 : i32 to index
      %swap3A_583 = tpu.vector_load %arg11[%swap3A_581, %swap3A_582] {strides = array<i32>} : memref<2x8192xi32, #tpu.memory_space<vmem>>, vector<1x16xi32>,
      %swap3A_584 = vector.shape_cast %swap3A_583 : vector<1x16xi32> to vector<16xi32>
      %swap3A_585 = vector.shape_cast %select_n3A_579 : vector<16xi32> to vector<1x16xi32>
      tpu.vector_store %arg11[%swap3A_581, %swap3A_582], %swap3A_585 {strides = array<i32>} : memref<2x8192xi32, #tpu.memory_space<vmem>>, vector<1x16xi32>,
      %scan3A_586 = arith.constant 0 : i32
      %scan3A_587 = arith.constant 6 : i32
      %scan3A_588 = arith.addi %scan3A_442, %scan3A_587 : i32
      %mul3A_589 = arith.constant 16 : i32
      %mul3A_590 = arith.muli %scan3A_588, %mul3A_589 : i32
      %get3A_591 = arith.constant 1 : i32
      %get3A_592 = arith.index_cast %get3A_591 : i32 to index
      %get3A_593 = arith.index_cast %mul3A_590 : i32 to index
      %get3A_594 = tpu.vector_load %arg9[%get3A_592, %get3A_593] {strides = array<i32>} : memref<2x8192xf32, #tpu.memory_space<vmem>>, vector<1x16xf32>,
      %get3A_595 = vector.shape_cast %get3A_594 : vector<1x16xf32> to vector<16xf32>
      %get3A_596 = arith.index_cast %mul3A_590 : i32 to index
      %get3A_597 = tpu.vector_load %arg10[%get3A_596] {strides = array<i32>} : memref<8192xf32, #tpu.memory_space<vmem>>, vector<16xf32>,
      %get3A_598 = vector.shape_cast %get3A_597 : vector<16xf32> to vector<16xf32>
      %gt3A_599 = arith.cmpf ogt, %get3A_595, %get3A_598 : vector<16xf32>
      %broadcast_in_dim3A_600 = arith.constant 1 : i32
      %broadcast_in_dim3A_601 = vector.broadcast %broadcast_in_dim3A_600 : i32 to vector<16xi32>
      %broadcast_in_dim3A_602 = arith.constant 0 : i32
      %broadcast_in_dim3A_603 = vector.broadcast %broadcast_in_dim3A_602 : i32 to vector<16xi32>
      %select_n3A_604 = arith.select %gt3A_599, %broadcast_in_dim3A_601, %broadcast_in_dim3A_603 : vector<16xi1>, vector<16xi32>
      %swap3A_605 = arith.constant 1 : i32
      %swap3A_606 = arith.index_cast %swap3A_605 : i32 to index
      %swap3A_607 = arith.index_cast %mul3A_590 : i32 to index
      %swap3A_608 = tpu.vector_load %arg11[%swap3A_606, %swap3A_607] {strides = array<i32>} : memref<2x8192xi32, #tpu.memory_space<vmem>>, vector<1x16xi32>,
      %swap3A_609 = vector.shape_cast %swap3A_608 : vector<1x16xi32> to vector<16xi32>
      %swap3A_610 = vector.shape_cast %select_n3A_604 : vector<16xi32> to vector<1x16xi32>
      tpu.vector_store %arg11[%swap3A_606, %swap3A_607], %swap3A_610 {strides = array<i32>} : memref<2x8192xi32, #tpu.memory_space<vmem>>, vector<1x16xi32>,
      %scan3A_611 = arith.constant 0 : i32
      %scan3A_612 = arith.constant 7 : i32
      %scan3A_613 = arith.addi %scan3A_442, %scan3A_612 : i32
      %mul3A_614 = arith.constant 16 : i32
      %mul3A_615 = arith.muli %scan3A_613, %mul3A_614 : i32
      %get3A_616 = arith.constant 1 : i32
      %get3A_617 = arith.index_cast %get3A_616 : i32 to index
      %get3A_618 = arith.index_cast %mul3A_615 : i32 to index
      %get3A_619 = tpu.vector_load %arg9[%get3A_617, %get3A_618] {strides = array<i32>} : memref<2x8192xf32, #tpu.memory_space<vmem>>, vector<1x16xf32>,
      %get3A_620 = vector.shape_cast %get3A_619 : vector<1x16xf32> to vector<16xf32>
      %get3A_621 = arith.index_cast %mul3A_615 : i32 to index
      %get3A_622 = tpu.vector_load %arg10[%get3A_621] {strides = array<i32>} : memref<8192xf32, #tpu.memory_space<vmem>>, vector<16xf32>,
      %get3A_623 = vector.shape_cast %get3A_622 : vector<16xf32> to vector<16xf32>
      %gt3A_624 = arith.cmpf ogt, %get3A_620, %get3A_623 : vector<16xf32>
      %broadcast_in_dim3A_625 = arith.constant 1 : i32
      %broadcast_in_dim3A_626 = vector.broadcast %broadcast_in_dim3A_625 : i32 to vector<16xi32>
      %broadcast_in_dim3A_627 = arith.constant 0 : i32
      %broadcast_in_dim3A_628 = vector.broadcast %broadcast_in_dim3A_627 : i32 to vector<16xi32>
      %select_n3A_629 = arith.select %gt3A_624, %broadcast_in_dim3A_626, %broadcast_in_dim3A_628 : vector<16xi1>, vector<16xi32>
      %swap3A_630 = arith.constant 1 : i32
      %swap3A_631 = arith.index_cast %swap3A_630 : i32 to index
      %swap3A_632 = arith.index_cast %mul3A_615 : i32 to index
      %swap3A_633 = tpu.vector_load %arg11[%swap3A_631, %swap3A_632] {strides = array<i32>} : memref<2x8192xi32, #tpu.memory_space<vmem>>, vector<1x16xi32>,
      %swap3A_634 = vector.shape_cast %swap3A_633 : vector<1x16xi32> to vector<16xi32>
      %swap3A_635 = vector.shape_cast %select_n3A_629 : vector<16xi32> to vector<1x16xi32>
      tpu.vector_store %arg11[%swap3A_631, %swap3A_632], %swap3A_635 {strides = array<i32>} : memref<2x8192xi32, #tpu.memory_space<vmem>>, vector<1x16xi32>,
      %scan3A_636 = arith.constant 0 : i32
      scf.yield %scan3A_636 : i32
    }
    %scan3A_205 = arith.constant 512 : i32
    %add3A_206 = arith.constant 24576 : i32
    %add3A_207 = arith.addi %mul3A_2, %add3A_206 : i32
    %dma_start3A_208 = arith.constant 1 : i32
    %dma_start3A_209 = arith.constant 0 : i32
    %dma_start3A_210 = tpu.memref_slice %arg11[%dma_start3A_208, %dma_start3A_209] : memref<2x8192xi32, #tpu.memory_space<vmem>> -> memref<1x8192xi32, #tpu.memory_space<vmem>>
    %dma_start3A_211 = tpu.memref_squeeze %dma_start3A_210 : memref<1x8192xi32, #tpu.memory_space<vmem>> -> memref<8192xi32, #tpu.memory_space<vmem>>
    %dma_start3A_212 = tpu.memref_slice %arg5[%add3A_207] : memref<2097152xi32, #tpu.memory_space<hbm>> -> memref<8192xi32, #tpu.memory_space<hbm>>
    %dma_start3A_213 = tpu.memref_slice %arg5[%add3A_207] : memref<2097152xi32, #tpu.memory_space<hbm>> -> memref<8192xi32, #tpu.memory_space<hbm>>
    %dma_start3A_214 = arith.constant 0 : i32
    %dma_start3A_215 = tpu.memref_slice %arg11[%dma_start3A_208, %dma_start3A_214] : memref<2x8192xi32, #tpu.memory_space<vmem>> -> memref<1x8192xi32, #tpu.memory_space<vmem>>
    %dma_start3A_216 = tpu.memref_squeeze %dma_start3A_215 : memref<1x8192xi32, #tpu.memory_space<vmem>> -> memref<8192xi32, #tpu.memory_space<vmem>>
    tpu.enqueue_dma source(%dma_start3A_216 : memref<8192xi32, #tpu.memory_space<vmem>>) target(%dma_start3A_213 : memref<8192xi32, #tpu.memory_space<hbm>>) target_semaphore(%arg14 : memref<!tpu.dma_semaphore, #tpu.memory_space<semaphore_mem>>)
    %add3A_217 = arith.constant 40960 : i32
    %add3A_218 = arith.addi %mul3A_2, %add3A_217 : i32
    %dma_start3A_219 = tpu.memref_slice %arg2[%add3A_218] : memref<2097152xi32, #tpu.memory_space<hbm>> -> memref<8192xi32, #tpu.memory_space<hbm>>
    %dma_start3A_220 = tpu.memref_slice %arg2[%add3A_218] : memref<2097152xi32, #tpu.memory_space<hbm>> -> memref<8192xi32, #tpu.memory_space<hbm>>
    tpu.enqueue_dma source(%dma_start3A_220 : memref<8192xi32, #tpu.memory_space<hbm>>) target(%arg8 : memref<8192xi32, #tpu.memory_space<vmem>>) target_semaphore(%arg12 : memref<!tpu.dma_semaphore, #tpu.memory_space<semaphore_mem>>)
    %dma_start3A_221 = arith.constant 1 : i32
    %dma_start3A_222 = arith.constant 0 : i32
    %dma_start3A_223 = tpu.memref_slice %arg9[%dma_start3A_221, %dma_start3A_222] : memref<2x8192xf32, #tpu.memory_space<vmem>> -> memref<1x8192xf32, #tpu.memory_space<vmem>>
    %dma_start3A_224 = tpu.memref_squeeze %dma_start3A_223 : memref<1x8192xf32, #tpu.memory_space<vmem>> -> memref<8192xf32, #tpu.memory_space<vmem>>
    %dma_start3A_225 = tpu.memref_slice %arg3[%add3A_218] : memref<2097152xf32, #tpu.memory_space<hbm>> -> memref<8192xf32, #tpu.memory_space<hbm>>
    %dma_start3A_226 = arith.constant 0 : i32
    %dma_start3A_227 = tpu.memref_slice %arg9[%dma_start3A_221, %dma_start3A_226] : memref<2x8192xf32, #tpu.memory_space<vmem>> -> memref<1x8192xf32, #tpu.memory_space<vmem>>
    %dma_start3A_228 = tpu.memref_squeeze %dma_start3A_227 : memref<1x8192xf32, #tpu.memory_space<vmem>> -> memref<8192xf32, #tpu.memory_space<vmem>>
    %dma_start3A_229 = tpu.memref_slice %arg3[%add3A_218] : memref<2097152xf32, #tpu.memory_space<hbm>> -> memref<8192xf32, #tpu.memory_space<hbm>>
    tpu.enqueue_dma source(%dma_start3A_229 : memref<8192xf32, #tpu.memory_space<hbm>>) target(%dma_start3A_228 : memref<8192xf32, #tpu.memory_space<vmem>>) target_semaphore(%arg12 : memref<!tpu.dma_semaphore, #tpu.memory_space<semaphore_mem>>)
    %dma_wait3A_230 = tpu.memref_slice %arg2[%mul3A_2] : memref<2097152xi32, #tpu.memory_space<hbm>> -> memref<8192xi32, #tpu.memory_space<hbm>>
    %dma_wait3A_231 = tpu.memref_slice %arg2[%mul3A_2] : memref<2097152xi32, #tpu.memory_space<hbm>> -> memref<8192xi32, #tpu.memory_space<hbm>>
    tpu.wait_dma2 semaphore(%arg12 : memref<!tpu.dma_semaphore, #tpu.memory_space<semaphore_mem>>) src(%dma_wait3A_231 : memref<8192xi32, #tpu.memory_space<hbm>>) dst(%arg7 : memref<8192xi32, #tpu.memory_space<vmem>>)
    %dma_wait3A_232 = arith.constant 0 : i32
    %dma_wait3A_233 = arith.constant 0 : i32
    %dma_wait3A_234 = tpu.memref_slice %arg9[%dma_wait3A_232, %dma_wait3A_233] : memref<2x8192xf32, #tpu.memory_space<vmem>> -> memref<1x8192xf32, #tpu.memory_space<vmem>>
    %dma_wait3A_235 = tpu.memref_squeeze %dma_wait3A_234 : memref<1x8192xf32, #tpu.memory_space<vmem>> -> memref<8192xf32, #tpu.memory_space<vmem>>
    %dma_wait3A_236 = tpu.memref_slice %arg3[%mul3A_2] : memref<2097152xf32, #tpu.memory_space<hbm>> -> memref<8192xf32, #tpu.memory_space<hbm>>
    %dma_wait3A_237 = arith.constant 0 : i32
    %dma_wait3A_238 = tpu.memref_slice %arg9[%dma_wait3A_232, %dma_wait3A_237] : memref<2x8192xf32, #tpu.memory_space<vmem>> -> memref<1x8192xf32, #tpu.memory_space<vmem>>
    %dma_wait3A_239 = tpu.memref_squeeze %dma_wait3A_238 : memref<1x8192xf32, #tpu.memory_space<vmem>> -> memref<8192xf32, #tpu.memory_space<vmem>>
    %dma_wait3A_240 = tpu.memref_slice %arg3[%mul3A_2] : memref<2097152xf32, #tpu.memory_space<hbm>> -> memref<8192xf32, #tpu.memory_space<hbm>>
    tpu.wait_dma2 semaphore(%arg12 : memref<!tpu.dma_semaphore, #tpu.memory_space<semaphore_mem>>) src(%dma_wait3A_240 : memref<8192xf32, #tpu.memory_space<hbm>>) dst(%dma_wait3A_239 : memref<8192xf32, #tpu.memory_space<vmem>>)
    %dma_start3A_241 = arith.constant 0 : i32
    %dma_start3A_242 = tpu.memref_slice %arg6[%dma_start3A_241] : memref<262144xf32, #tpu.memory_space<vmem_shared>> -> memref<262144xf32, #tpu.memory_space<vmem_shared>>
    tpu.enqueue_indirect_dma source(%dma_start3A_242 : memref<262144xf32, #tpu.memory_space<vmem_shared>>) target(%arg10 : memref<8192xf32, #tpu.memory_space<vmem>>) offsets(%arg7 : memref<8192xi32, #tpu.memory_space<vmem>>) semaphore(%arg13 : memref<!tpu.dma_semaphore, #tpu.memory_space<semaphore_mem>>)
    %dma_wait3A_243 = arith.constant 0 : i32
    %dma_wait3A_244 = tpu.memref_slice %arg6[%dma_wait3A_243] : memref<262144xf32, #tpu.memory_space<vmem_shared>> -> memref<262144xf32, #tpu.memory_space<vmem_shared>>
    tpu.wait_indirect_dma semaphore(%arg13 : memref<!tpu.dma_semaphore, #tpu.memory_space<semaphore_mem>>) src(%dma_wait3A_244 : memref<262144xf32, #tpu.memory_space<vmem_shared>>) dst(%arg10 : memref<8192xf32, #tpu.memory_space<vmem>>)
    %dma_wait3A_245 = arith.constant 0 : i32
    %dma_wait3A_246 = arith.constant 0 : i32
    %dma_wait3A_247 = tpu.memref_slice %arg11[%dma_wait3A_245, %dma_wait3A_246] : memref<2x8192xi32, #tpu.memory_space<vmem>> -> memref<1x8192xi32, #tpu.memory_space<vmem>>
    %dma_wait3A_248 = tpu.memref_squeeze %dma_wait3A_247 : memref<1x8192xi32, #tpu.memory_space<vmem>> -> memref<8192xi32, #tpu.memory_space<vmem>>
    %dma_wait3A_249 = tpu.memref_slice %arg5[%mul3A_2] : memref<2097152xi32, #tpu.memory_space<hbm>> -> memref<8192xi32, #tpu.memory_space<hbm>>
    %dma_wait3A_250 = tpu.memref_slice %arg5[%mul3A_2] : memref<2097152xi32, #tpu.memory_space<hbm>> -> memref<8192xi32, #tpu.memory_space<hbm>>
    %dma_wait3A_251 = arith.constant 0 : i32
    %dma_wait3A_252 = tpu.memref_slice %arg11[%dma_wait3A_245, %dma_wait3A_251] : memref<2x8192xi32, #tpu.memory_space<vmem>> -> memref<1x8192xi32, #tpu.memory_space<vmem>>
    %dma_wait3A_253 = tpu.memref_squeeze %dma_wait3A_252 : memref<1x8192xi32, #tpu.memory_space<vmem>> -> memref<8192xi32, #tpu.memory_space<vmem>>
    tpu.wait_dma2 semaphore(%arg14 : memref<!tpu.dma_semaphore, #tpu.memory_space<semaphore_mem>>) src(%dma_wait3A_253 : memref<8192xi32, #tpu.memory_space<vmem>>) dst(%dma_wait3A_250 : memref<8192xi32, #tpu.memory_space<hbm>>)
    %scan3A_254 = arith.constant 0 : i32
    %scan3A_255 = arith.constant 0 : i32
    %scan3A_256 = arith.constant 512 : i32
    %scan3A_257 = arith.addi %scan3A_255, %scan3A_256 : i32
    %scan3A_258 = arith.constant 8 : i32
    %scan3A_259 = scf.for %scan3A_442 = %scan3A_255 to %scan3A_257 step %scan3A_258 iter_args(%scan3A_443 = %scan3A_254) -> (i32)  : i32 {
      %mul3A_444 = arith.constant 16 : i32
      %mul3A_445 = arith.muli %scan3A_442, %mul3A_444 : i32
      %get3A = arith.constant 0 : i32
      %get3A_446 = arith.index_cast %get3A : i32 to index
      %get3A_447 = arith.index_cast %mul3A_445 : i32 to index
      %get3A_448 = tpu.vector_load %arg9[%get3A_446, %get3A_447] {strides = array<i32>} : memref<2x8192xf32, #tpu.memory_space<vmem>>, vector<1x16xf32>,
      %get3A_449 = vector.shape_cast %get3A_448 : vector<1x16xf32> to vector<16xf32>
      %get3A_450 = arith.index_cast %mul3A_445 : i32 to index
      %get3A_451 = tpu.vector_load %arg10[%get3A_450] {strides = array<i32>} : memref<8192xf32, #tpu.memory_space<vmem>>, vector<16xf32>,
      %get3A_452 = vector.shape_cast %get3A_451 : vector<16xf32> to vector<16xf32>
      %gt3A = arith.cmpf ogt, %get3A_449, %get3A_452 : vector<16xf32>
      %broadcast_in_dim3A = arith.constant 1 : i32
      %broadcast_in_dim3A_453 = vector.broadcast %broadcast_in_dim3A : i32 to vector<16xi32>
      %broadcast_in_dim3A_454 = arith.constant 0 : i32
      %broadcast_in_dim3A_455 = vector.broadcast %broadcast_in_dim3A_454 : i32 to vector<16xi32>
      %select_n3A = arith.select %gt3A, %broadcast_in_dim3A_453, %broadcast_in_dim3A_455 : vector<16xi1>, vector<16xi32>
      %swap3A = arith.constant 0 : i32
      %swap3A_456 = arith.index_cast %swap3A : i32 to index
      %swap3A_457 = arith.index_cast %mul3A_445 : i32 to index
      %swap3A_458 = tpu.vector_load %arg11[%swap3A_456, %swap3A_457] {strides = array<i32>} : memref<2x8192xi32, #tpu.memory_space<vmem>>, vector<1x16xi32>,
      %swap3A_459 = vector.shape_cast %swap3A_458 : vector<1x16xi32> to vector<16xi32>
      %swap3A_460 = vector.shape_cast %select_n3A : vector<16xi32> to vector<1x16xi32>
      tpu.vector_store %arg11[%swap3A_456, %swap3A_457], %swap3A_460 {strides = array<i32>} : memref<2x8192xi32, #tpu.memory_space<vmem>>, vector<1x16xi32>,
      %scan3A_461 = arith.constant 0 : i32
      %scan3A_462 = arith.constant 1 : i32
      %scan3A_463 = arith.addi %scan3A_442, %scan3A_462 : i32
      %mul3A_464 = arith.constant 16 : i32
      %mul3A_465 = arith.muli %scan3A_463, %mul3A_464 : i32
      %get3A_466 = arith.constant 0 : i32
      %get3A_467 = arith.index_cast %get3A_466 : i32 to index
      %get3A_468 = arith.index_cast %mul3A_465 : i32 to index
      %get3A_469 = tpu.vector_load %arg9[%get3A_467, %get3A_468] {strides = array<i32>} : memref<2x8192xf32, #tpu.memory_space<vmem>>, vector<1x16xf32>,
      %get3A_470 = vector.shape_cast %get3A_469 : vector<1x16xf32> to vector<16xf32>
      %get3A_471 = arith.index_cast %mul3A_465 : i32 to index
      %get3A_472 = tpu.vector_load %arg10[%get3A_471] {strides = array<i32>} : memref<8192xf32, #tpu.memory_space<vmem>>, vector<16xf32>,
      %get3A_473 = vector.shape_cast %get3A_472 : vector<16xf32> to vector<16xf32>
      %gt3A_474 = arith.cmpf ogt, %get3A_470, %get3A_473 : vector<16xf32>
      %broadcast_in_dim3A_475 = arith.constant 1 : i32
      %broadcast_in_dim3A_476 = vector.broadcast %broadcast_in_dim3A_475 : i32 to vector<16xi32>
      %broadcast_in_dim3A_477 = arith.constant 0 : i32
      %broadcast_in_dim3A_478 = vector.broadcast %broadcast_in_dim3A_477 : i32 to vector<16xi32>
      %select_n3A_479 = arith.select %gt3A_474, %broadcast_in_dim3A_476, %broadcast_in_dim3A_478 : vector<16xi1>, vector<16xi32>
      %swap3A_480 = arith.constant 0 : i32
      %swap3A_481 = arith.index_cast %swap3A_480 : i32 to index
      %swap3A_482 = arith.index_cast %mul3A_465 : i32 to index
      %swap3A_483 = tpu.vector_load %arg11[%swap3A_481, %swap3A_482] {strides = array<i32>} : memref<2x8192xi32, #tpu.memory_space<vmem>>, vector<1x16xi32>,
      %swap3A_484 = vector.shape_cast %swap3A_483 : vector<1x16xi32> to vector<16xi32>
      %swap3A_485 = vector.shape_cast %select_n3A_479 : vector<16xi32> to vector<1x16xi32>
      tpu.vector_store %arg11[%swap3A_481, %swap3A_482], %swap3A_485 {strides = array<i32>} : memref<2x8192xi32, #tpu.memory_space<vmem>>, vector<1x16xi32>,
      %scan3A_486 = arith.constant 0 : i32
      %scan3A_487 = arith.constant 2 : i32
      %scan3A_488 = arith.addi %scan3A_442, %scan3A_487 : i32
      %mul3A_489 = arith.constant 16 : i32
      %mul3A_490 = arith.muli %scan3A_488, %mul3A_489 : i32
      %get3A_491 = arith.constant 0 : i32
      %get3A_492 = arith.index_cast %get3A_491 : i32 to index
      %get3A_493 = arith.index_cast %mul3A_490 : i32 to index
      %get3A_494 = tpu.vector_load %arg9[%get3A_492, %get3A_493] {strides = array<i32>} : memref<2x8192xf32, #tpu.memory_space<vmem>>, vector<1x16xf32>,
      %get3A_495 = vector.shape_cast %get3A_494 : vector<1x16xf32> to vector<16xf32>
      %get3A_496 = arith.index_cast %mul3A_490 : i32 to index
      %get3A_497 = tpu.vector_load %arg10[%get3A_496] {strides = array<i32>} : memref<8192xf32, #tpu.memory_space<vmem>>, vector<16xf32>,
      %get3A_498 = vector.shape_cast %get3A_497 : vector<16xf32> to vector<16xf32>
      %gt3A_499 = arith.cmpf ogt, %get3A_495, %get3A_498 : vector<16xf32>
      %broadcast_in_dim3A_500 = arith.constant 1 : i32
      %broadcast_in_dim3A_501 = vector.broadcast %broadcast_in_dim3A_500 : i32 to vector<16xi32>
      %broadcast_in_dim3A_502 = arith.constant 0 : i32
      %broadcast_in_dim3A_503 = vector.broadcast %broadcast_in_dim3A_502 : i32 to vector<16xi32>
      %select_n3A_504 = arith.select %gt3A_499, %broadcast_in_dim3A_501, %broadcast_in_dim3A_503 : vector<16xi1>, vector<16xi32>
      %swap3A_505 = arith.constant 0 : i32
      %swap3A_506 = arith.index_cast %swap3A_505 : i32 to index
      %swap3A_507 = arith.index_cast %mul3A_490 : i32 to index
      %swap3A_508 = tpu.vector_load %arg11[%swap3A_506, %swap3A_507] {strides = array<i32>} : memref<2x8192xi32, #tpu.memory_space<vmem>>, vector<1x16xi32>,
      %swap3A_509 = vector.shape_cast %swap3A_508 : vector<1x16xi32> to vector<16xi32>
      %swap3A_510 = vector.shape_cast %select_n3A_504 : vector<16xi32> to vector<1x16xi32>
      tpu.vector_store %arg11[%swap3A_506, %swap3A_507], %swap3A_510 {strides = array<i32>} : memref<2x8192xi32, #tpu.memory_space<vmem>>, vector<1x16xi32>,
      %scan3A_511 = arith.constant 0 : i32
      %scan3A_512 = arith.constant 3 : i32
      %scan3A_513 = arith.addi %scan3A_442, %scan3A_512 : i32
      %mul3A_514 = arith.constant 16 : i32
      %mul3A_515 = arith.muli %scan3A_513, %mul3A_514 : i32
      %get3A_516 = arith.constant 0 : i32
      %get3A_517 = arith.index_cast %get3A_516 : i32 to index
      %get3A_518 = arith.index_cast %mul3A_515 : i32 to index
      %get3A_519 = tpu.vector_load %arg9[%get3A_517, %get3A_518] {strides = array<i32>} : memref<2x8192xf32, #tpu.memory_space<vmem>>, vector<1x16xf32>,
      %get3A_520 = vector.shape_cast %get3A_519 : vector<1x16xf32> to vector<16xf32>
      %get3A_521 = arith.index_cast %mul3A_515 : i32 to index
      %get3A_522 = tpu.vector_load %arg10[%get3A_521] {strides = array<i32>} : memref<8192xf32, #tpu.memory_space<vmem>>, vector<16xf32>,
      %get3A_523 = vector.shape_cast %get3A_522 : vector<16xf32> to vector<16xf32>
      %gt3A_524 = arith.cmpf ogt, %get3A_520, %get3A_523 : vector<16xf32>
      %broadcast_in_dim3A_525 = arith.constant 1 : i32
      %broadcast_in_dim3A_526 = vector.broadcast %broadcast_in_dim3A_525 : i32 to vector<16xi32>
      %broadcast_in_dim3A_527 = arith.constant 0 : i32
      %broadcast_in_dim3A_528 = vector.broadcast %broadcast_in_dim3A_527 : i32 to vector<16xi32>
      %select_n3A_529 = arith.select %gt3A_524, %broadcast_in_dim3A_526, %broadcast_in_dim3A_528 : vector<16xi1>, vector<16xi32>
      %swap3A_530 = arith.constant 0 : i32
      %swap3A_531 = arith.index_cast %swap3A_530 : i32 to index
      %swap3A_532 = arith.index_cast %mul3A_515 : i32 to index
      %swap3A_533 = tpu.vector_load %arg11[%swap3A_531, %swap3A_532] {strides = array<i32>} : memref<2x8192xi32, #tpu.memory_space<vmem>>, vector<1x16xi32>,
      %swap3A_534 = vector.shape_cast %swap3A_533 : vector<1x16xi32> to vector<16xi32>
      %swap3A_535 = vector.shape_cast %select_n3A_529 : vector<16xi32> to vector<1x16xi32>
      tpu.vector_store %arg11[%swap3A_531, %swap3A_532], %swap3A_535 {strides = array<i32>} : memref<2x8192xi32, #tpu.memory_space<vmem>>, vector<1x16xi32>,
      %scan3A_536 = arith.constant 0 : i32
      %scan3A_537 = arith.constant 4 : i32
      %scan3A_538 = arith.addi %scan3A_442, %scan3A_537 : i32
      %mul3A_539 = arith.constant 16 : i32
      %mul3A_540 = arith.muli %scan3A_538, %mul3A_539 : i32
      %get3A_541 = arith.constant 0 : i32
      %get3A_542 = arith.index_cast %get3A_541 : i32 to index
      %get3A_543 = arith.index_cast %mul3A_540 : i32 to index
      %get3A_544 = tpu.vector_load %arg9[%get3A_542, %get3A_543] {strides = array<i32>} : memref<2x8192xf32, #tpu.memory_space<vmem>>, vector<1x16xf32>,
      %get3A_545 = vector.shape_cast %get3A_544 : vector<1x16xf32> to vector<16xf32>
      %get3A_546 = arith.index_cast %mul3A_540 : i32 to index
      %get3A_547 = tpu.vector_load %arg10[%get3A_546] {strides = array<i32>} : memref<8192xf32, #tpu.memory_space<vmem>>, vector<16xf32>,
      %get3A_548 = vector.shape_cast %get3A_547 : vector<16xf32> to vector<16xf32>
      %gt3A_549 = arith.cmpf ogt, %get3A_545, %get3A_548 : vector<16xf32>
      %broadcast_in_dim3A_550 = arith.constant 1 : i32
      %broadcast_in_dim3A_551 = vector.broadcast %broadcast_in_dim3A_550 : i32 to vector<16xi32>
      %broadcast_in_dim3A_552 = arith.constant 0 : i32
      %broadcast_in_dim3A_553 = vector.broadcast %broadcast_in_dim3A_552 : i32 to vector<16xi32>
      %select_n3A_554 = arith.select %gt3A_549, %broadcast_in_dim3A_551, %broadcast_in_dim3A_553 : vector<16xi1>, vector<16xi32>
      %swap3A_555 = arith.constant 0 : i32
      %swap3A_556 = arith.index_cast %swap3A_555 : i32 to index
      %swap3A_557 = arith.index_cast %mul3A_540 : i32 to index
      %swap3A_558 = tpu.vector_load %arg11[%swap3A_556, %swap3A_557] {strides = array<i32>} : memref<2x8192xi32, #tpu.memory_space<vmem>>, vector<1x16xi32>,
      %swap3A_559 = vector.shape_cast %swap3A_558 : vector<1x16xi32> to vector<16xi32>
      %swap3A_560 = vector.shape_cast %select_n3A_554 : vector<16xi32> to vector<1x16xi32>
      tpu.vector_store %arg11[%swap3A_556, %swap3A_557], %swap3A_560 {strides = array<i32>} : memref<2x8192xi32, #tpu.memory_space<vmem>>, vector<1x16xi32>,
      %scan3A_561 = arith.constant 0 : i32
      %scan3A_562 = arith.constant 5 : i32
      %scan3A_563 = arith.addi %scan3A_442, %scan3A_562 : i32
      %mul3A_564 = arith.constant 16 : i32
      %mul3A_565 = arith.muli %scan3A_563, %mul3A_564 : i32
      %get3A_566 = arith.constant 0 : i32
      %get3A_567 = arith.index_cast %get3A_566 : i32 to index
      %get3A_568 = arith.index_cast %mul3A_565 : i32 to index
      %get3A_569 = tpu.vector_load %arg9[%get3A_567, %get3A_568] {strides = array<i32>} : memref<2x8192xf32, #tpu.memory_space<vmem>>, vector<1x16xf32>,
      %get3A_570 = vector.shape_cast %get3A_569 : vector<1x16xf32> to vector<16xf32>
      %get3A_571 = arith.index_cast %mul3A_565 : i32 to index
      %get3A_572 = tpu.vector_load %arg10[%get3A_571] {strides = array<i32>} : memref<8192xf32, #tpu.memory_space<vmem>>, vector<16xf32>,
      %get3A_573 = vector.shape_cast %get3A_572 : vector<16xf32> to vector<16xf32>
      %gt3A_574 = arith.cmpf ogt, %get3A_570, %get3A_573 : vector<16xf32>
      %broadcast_in_dim3A_575 = arith.constant 1 : i32
      %broadcast_in_dim3A_576 = vector.broadcast %broadcast_in_dim3A_575 : i32 to vector<16xi32>
      %broadcast_in_dim3A_577 = arith.constant 0 : i32
      %broadcast_in_dim3A_578 = vector.broadcast %broadcast_in_dim3A_577 : i32 to vector<16xi32>
      %select_n3A_579 = arith.select %gt3A_574, %broadcast_in_dim3A_576, %broadcast_in_dim3A_578 : vector<16xi1>, vector<16xi32>
      %swap3A_580 = arith.constant 0 : i32
      %swap3A_581 = arith.index_cast %swap3A_580 : i32 to index
      %swap3A_582 = arith.index_cast %mul3A_565 : i32 to index
      %swap3A_583 = tpu.vector_load %arg11[%swap3A_581, %swap3A_582] {strides = array<i32>} : memref<2x8192xi32, #tpu.memory_space<vmem>>, vector<1x16xi32>,
      %swap3A_584 = vector.shape_cast %swap3A_583 : vector<1x16xi32> to vector<16xi32>
      %swap3A_585 = vector.shape_cast %select_n3A_579 : vector<16xi32> to vector<1x16xi32>
      tpu.vector_store %arg11[%swap3A_581, %swap3A_582], %swap3A_585 {strides = array<i32>} : memref<2x8192xi32, #tpu.memory_space<vmem>>, vector<1x16xi32>,
      %scan3A_586 = arith.constant 0 : i32
      %scan3A_587 = arith.constant 6 : i32
      %scan3A_588 = arith.addi %scan3A_442, %scan3A_587 : i32
      %mul3A_589 = arith.constant 16 : i32
      %mul3A_590 = arith.muli %scan3A_588, %mul3A_589 : i32
      %get3A_591 = arith.constant 0 : i32
      %get3A_592 = arith.index_cast %get3A_591 : i32 to index
      %get3A_593 = arith.index_cast %mul3A_590 : i32 to index
      %get3A_594 = tpu.vector_load %arg9[%get3A_592, %get3A_593] {strides = array<i32>} : memref<2x8192xf32, #tpu.memory_space<vmem>>, vector<1x16xf32>,
      %get3A_595 = vector.shape_cast %get3A_594 : vector<1x16xf32> to vector<16xf32>
      %get3A_596 = arith.index_cast %mul3A_590 : i32 to index
      %get3A_597 = tpu.vector_load %arg10[%get3A_596] {strides = array<i32>} : memref<8192xf32, #tpu.memory_space<vmem>>, vector<16xf32>,
      %get3A_598 = vector.shape_cast %get3A_597 : vector<16xf32> to vector<16xf32>
      %gt3A_599 = arith.cmpf ogt, %get3A_595, %get3A_598 : vector<16xf32>
      %broadcast_in_dim3A_600 = arith.constant 1 : i32
      %broadcast_in_dim3A_601 = vector.broadcast %broadcast_in_dim3A_600 : i32 to vector<16xi32>
      %broadcast_in_dim3A_602 = arith.constant 0 : i32
      %broadcast_in_dim3A_603 = vector.broadcast %broadcast_in_dim3A_602 : i32 to vector<16xi32>
      %select_n3A_604 = arith.select %gt3A_599, %broadcast_in_dim3A_601, %broadcast_in_dim3A_603 : vector<16xi1>, vector<16xi32>
      %swap3A_605 = arith.constant 0 : i32
      %swap3A_606 = arith.index_cast %swap3A_605 : i32 to index
      %swap3A_607 = arith.index_cast %mul3A_590 : i32 to index
      %swap3A_608 = tpu.vector_load %arg11[%swap3A_606, %swap3A_607] {strides = array<i32>} : memref<2x8192xi32, #tpu.memory_space<vmem>>, vector<1x16xi32>,
      %swap3A_609 = vector.shape_cast %swap3A_608 : vector<1x16xi32> to vector<16xi32>
      %swap3A_610 = vector.shape_cast %select_n3A_604 : vector<16xi32> to vector<1x16xi32>
      tpu.vector_store %arg11[%swap3A_606, %swap3A_607], %swap3A_610 {strides = array<i32>} : memref<2x8192xi32, #tpu.memory_space<vmem>>, vector<1x16xi32>,
      %scan3A_611 = arith.constant 0 : i32
      %scan3A_612 = arith.constant 7 : i32
      %scan3A_613 = arith.addi %scan3A_442, %scan3A_612 : i32
      %mul3A_614 = arith.constant 16 : i32
      %mul3A_615 = arith.muli %scan3A_613, %mul3A_614 : i32
      %get3A_616 = arith.constant 0 : i32
      %get3A_617 = arith.index_cast %get3A_616 : i32 to index
      %get3A_618 = arith.index_cast %mul3A_615 : i32 to index
      %get3A_619 = tpu.vector_load %arg9[%get3A_617, %get3A_618] {strides = array<i32>} : memref<2x8192xf32, #tpu.memory_space<vmem>>, vector<1x16xf32>,
      %get3A_620 = vector.shape_cast %get3A_619 : vector<1x16xf32> to vector<16xf32>
      %get3A_621 = arith.index_cast %mul3A_615 : i32 to index
      %get3A_622 = tpu.vector_load %arg10[%get3A_621] {strides = array<i32>} : memref<8192xf32, #tpu.memory_space<vmem>>, vector<16xf32>,
      %get3A_623 = vector.shape_cast %get3A_622 : vector<16xf32> to vector<16xf32>
      %gt3A_624 = arith.cmpf ogt, %get3A_620, %get3A_623 : vector<16xf32>
      %broadcast_in_dim3A_625 = arith.constant 1 : i32
      %broadcast_in_dim3A_626 = vector.broadcast %broadcast_in_dim3A_625 : i32 to vector<16xi32>
      %broadcast_in_dim3A_627 = arith.constant 0 : i32
      %broadcast_in_dim3A_628 = vector.broadcast %broadcast_in_dim3A_627 : i32 to vector<16xi32>
      %select_n3A_629 = arith.select %gt3A_624, %broadcast_in_dim3A_626, %broadcast_in_dim3A_628 : vector<16xi1>, vector<16xi32>
      %swap3A_630 = arith.constant 0 : i32
      %swap3A_631 = arith.index_cast %swap3A_630 : i32 to index
      %swap3A_632 = arith.index_cast %mul3A_615 : i32 to index
      %swap3A_633 = tpu.vector_load %arg11[%swap3A_631, %swap3A_632] {strides = array<i32>} : memref<2x8192xi32, #tpu.memory_space<vmem>>, vector<1x16xi32>,
      %swap3A_634 = vector.shape_cast %swap3A_633 : vector<1x16xi32> to vector<16xi32>
      %swap3A_635 = vector.shape_cast %select_n3A_629 : vector<16xi32> to vector<1x16xi32>
      tpu.vector_store %arg11[%swap3A_631, %swap3A_632], %swap3A_635 {strides = array<i32>} : memref<2x8192xi32, #tpu.memory_space<vmem>>, vector<1x16xi32>,
      %scan3A_636 = arith.constant 0 : i32
      scf.yield %scan3A_636 : i32
    }
    %scan3A_260 = arith.constant 512 : i32
    %add3A_261 = arith.constant 32768 : i32
    %add3A_262 = arith.addi %mul3A_2, %add3A_261 : i32
    %dma_start3A_263 = arith.constant 0 : i32
    %dma_start3A_264 = arith.constant 0 : i32
    %dma_start3A_265 = tpu.memref_slice %arg11[%dma_start3A_263, %dma_start3A_264] : memref<2x8192xi32, #tpu.memory_space<vmem>> -> memref<1x8192xi32, #tpu.memory_space<vmem>>
    %dma_start3A_266 = tpu.memref_squeeze %dma_start3A_265 : memref<1x8192xi32, #tpu.memory_space<vmem>> -> memref<8192xi32, #tpu.memory_space<vmem>>
    %dma_start3A_267 = tpu.memref_slice %arg5[%add3A_262] : memref<2097152xi32, #tpu.memory_space<hbm>> -> memref<8192xi32, #tpu.memory_space<hbm>>
    %dma_start3A_268 = tpu.memref_slice %arg5[%add3A_262] : memref<2097152xi32, #tpu.memory_space<hbm>> -> memref<8192xi32, #tpu.memory_space<hbm>>
    %dma_start3A_269 = arith.constant 0 : i32
    %dma_start3A_270 = tpu.memref_slice %arg11[%dma_start3A_263, %dma_start3A_269] : memref<2x8192xi32, #tpu.memory_space<vmem>> -> memref<1x8192xi32, #tpu.memory_space<vmem>>
    %dma_start3A_271 = tpu.memref_squeeze %dma_start3A_270 : memref<1x8192xi32, #tpu.memory_space<vmem>> -> memref<8192xi32, #tpu.memory_space<vmem>>
    tpu.enqueue_dma source(%dma_start3A_271 : memref<8192xi32, #tpu.memory_space<vmem>>) target(%dma_start3A_268 : memref<8192xi32, #tpu.memory_space<hbm>>) target_semaphore(%arg14 : memref<!tpu.dma_semaphore, #tpu.memory_space<semaphore_mem>>)
    %add3A_272 = arith.constant 49152 : i32
    %add3A_273 = arith.addi %mul3A_2, %add3A_272 : i32
    %dma_start3A_274 = tpu.memref_slice %arg2[%add3A_273] : memref<2097152xi32, #tpu.memory_space<hbm>> -> memref<8192xi32, #tpu.memory_space<hbm>>
    %dma_start3A_275 = tpu.memref_slice %arg2[%add3A_273] : memref<2097152xi32, #tpu.memory_space<hbm>> -> memref<8192xi32, #tpu.memory_space<hbm>>
    tpu.enqueue_dma source(%dma_start3A_275 : memref<8192xi32, #tpu.memory_space<hbm>>) target(%arg7 : memref<8192xi32, #tpu.memory_space<vmem>>) target_semaphore(%arg12 : memref<!tpu.dma_semaphore, #tpu.memory_space<semaphore_mem>>)
    %dma_start3A_276 = arith.constant 0 : i32
    %dma_start3A_277 = arith.constant 0 : i32
    %dma_start3A_278 = tpu.memref_slice %arg9[%dma_start3A_276, %dma_start3A_277] : memref<2x8192xf32, #tpu.memory_space<vmem>> -> memref<1x8192xf32, #tpu.memory_space<vmem>>
    %dma_start3A_279 = tpu.memref_squeeze %dma_start3A_278 : memref<1x8192xf32, #tpu.memory_space<vmem>> -> memref<8192xf32, #tpu.memory_space<vmem>>
    %dma_start3A_280 = tpu.memref_slice %arg3[%add3A_273] : memref<2097152xf32, #tpu.memory_space<hbm>> -> memref<8192xf32, #tpu.memory_space<hbm>>
    %dma_start3A_281 = arith.constant 0 : i32
    %dma_start3A_282 = tpu.memref_slice %arg9[%dma_start3A_276, %dma_start3A_281] : memref<2x8192xf32, #tpu.memory_space<vmem>> -> memref<1x8192xf32, #tpu.memory_space<vmem>>
    %dma_start3A_283 = tpu.memref_squeeze %dma_start3A_282 : memref<1x8192xf32, #tpu.memory_space<vmem>> -> memref<8192xf32, #tpu.memory_space<vmem>>
    %dma_start3A_284 = tpu.memref_slice %arg3[%add3A_273] : memref<2097152xf32, #tpu.memory_space<hbm>> -> memref<8192xf32, #tpu.memory_space<hbm>>
    tpu.enqueue_dma source(%dma_start3A_284 : memref<8192xf32, #tpu.memory_space<hbm>>) target(%dma_start3A_283 : memref<8192xf32, #tpu.memory_space<vmem>>) target_semaphore(%arg12 : memref<!tpu.dma_semaphore, #tpu.memory_space<semaphore_mem>>)
    %dma_wait3A_285 = tpu.memref_slice %arg2[%mul3A_2] : memref<2097152xi32, #tpu.memory_space<hbm>> -> memref<8192xi32, #tpu.memory_space<hbm>>
    %dma_wait3A_286 = tpu.memref_slice %arg2[%mul3A_2] : memref<2097152xi32, #tpu.memory_space<hbm>> -> memref<8192xi32, #tpu.memory_space<hbm>>
    tpu.wait_dma2 semaphore(%arg12 : memref<!tpu.dma_semaphore, #tpu.memory_space<semaphore_mem>>) src(%dma_wait3A_286 : memref<8192xi32, #tpu.memory_space<hbm>>) dst(%arg8 : memref<8192xi32, #tpu.memory_space<vmem>>)
    %dma_wait3A_287 = arith.constant 1 : i32
    %dma_wait3A_288 = arith.constant 0 : i32
    %dma_wait3A_289 = tpu.memref_slice %arg9[%dma_wait3A_287, %dma_wait3A_288] : memref<2x8192xf32, #tpu.memory_space<vmem>> -> memref<1x8192xf32, #tpu.memory_space<vmem>>
    %dma_wait3A_290 = tpu.memref_squeeze %dma_wait3A_289 : memref<1x8192xf32, #tpu.memory_space<vmem>> -> memref<8192xf32, #tpu.memory_space<vmem>>
    %dma_wait3A_291 = tpu.memref_slice %arg3[%mul3A_2] : memref<2097152xf32, #tpu.memory_space<hbm>> -> memref<8192xf32, #tpu.memory_space<hbm>>
    %dma_wait3A_292 = arith.constant 0 : i32
    %dma_wait3A_293 = tpu.memref_slice %arg9[%dma_wait3A_287, %dma_wait3A_292] : memref<2x8192xf32, #tpu.memory_space<vmem>> -> memref<1x8192xf32, #tpu.memory_space<vmem>>
    %dma_wait3A_294 = tpu.memref_squeeze %dma_wait3A_293 : memref<1x8192xf32, #tpu.memory_space<vmem>> -> memref<8192xf32, #tpu.memory_space<vmem>>
    %dma_wait3A_295 = tpu.memref_slice %arg3[%mul3A_2] : memref<2097152xf32, #tpu.memory_space<hbm>> -> memref<8192xf32, #tpu.memory_space<hbm>>
    tpu.wait_dma2 semaphore(%arg12 : memref<!tpu.dma_semaphore, #tpu.memory_space<semaphore_mem>>) src(%dma_wait3A_295 : memref<8192xf32, #tpu.memory_space<hbm>>) dst(%dma_wait3A_294 : memref<8192xf32, #tpu.memory_space<vmem>>)
    %dma_start3A_296 = arith.constant 0 : i32
    %dma_start3A_297 = tpu.memref_slice %arg6[%dma_start3A_296] : memref<262144xf32, #tpu.memory_space<vmem_shared>> -> memref<262144xf32, #tpu.memory_space<vmem_shared>>
    tpu.enqueue_indirect_dma source(%dma_start3A_297 : memref<262144xf32, #tpu.memory_space<vmem_shared>>) target(%arg10 : memref<8192xf32, #tpu.memory_space<vmem>>) offsets(%arg8 : memref<8192xi32, #tpu.memory_space<vmem>>) semaphore(%arg13 : memref<!tpu.dma_semaphore, #tpu.memory_space<semaphore_mem>>)
    %dma_wait3A_298 = arith.constant 0 : i32
    %dma_wait3A_299 = tpu.memref_slice %arg6[%dma_wait3A_298] : memref<262144xf32, #tpu.memory_space<vmem_shared>> -> memref<262144xf32, #tpu.memory_space<vmem_shared>>
    tpu.wait_indirect_dma semaphore(%arg13 : memref<!tpu.dma_semaphore, #tpu.memory_space<semaphore_mem>>) src(%dma_wait3A_299 : memref<262144xf32, #tpu.memory_space<vmem_shared>>) dst(%arg10 : memref<8192xf32, #tpu.memory_space<vmem>>)
    %dma_wait3A_300 = arith.constant 1 : i32
    %dma_wait3A_301 = arith.constant 0 : i32
    %dma_wait3A_302 = tpu.memref_slice %arg11[%dma_wait3A_300, %dma_wait3A_301] : memref<2x8192xi32, #tpu.memory_space<vmem>> -> memref<1x8192xi32, #tpu.memory_space<vmem>>
    %dma_wait3A_303 = tpu.memref_squeeze %dma_wait3A_302 : memref<1x8192xi32, #tpu.memory_space<vmem>> -> memref<8192xi32, #tpu.memory_space<vmem>>
    %dma_wait3A_304 = tpu.memref_slice %arg5[%mul3A_2] : memref<2097152xi32, #tpu.memory_space<hbm>> -> memref<8192xi32, #tpu.memory_space<hbm>>
    %dma_wait3A_305 = tpu.memref_slice %arg5[%mul3A_2] : memref<2097152xi32, #tpu.memory_space<hbm>> -> memref<8192xi32, #tpu.memory_space<hbm>>
    %dma_wait3A_306 = arith.constant 0 : i32
    %dma_wait3A_307 = tpu.memref_slice %arg11[%dma_wait3A_300, %dma_wait3A_306] : memref<2x8192xi32, #tpu.memory_space<vmem>> -> memref<1x8192xi32, #tpu.memory_space<vmem>>
    %dma_wait3A_308 = tpu.memref_squeeze %dma_wait3A_307 : memref<1x8192xi32, #tpu.memory_space<vmem>> -> memref<8192xi32, #tpu.memory_space<vmem>>
    tpu.wait_dma2 semaphore(%arg14 : memref<!tpu.dma_semaphore, #tpu.memory_space<semaphore_mem>>) src(%dma_wait3A_308 : memref<8192xi32, #tpu.memory_space<vmem>>) dst(%dma_wait3A_305 : memref<8192xi32, #tpu.memory_space<hbm>>)
    %scan3A_309 = arith.constant 0 : i32
    %scan3A_310 = arith.constant 0 : i32
    %scan3A_311 = arith.constant 512 : i32
    %scan3A_312 = arith.addi %scan3A_310, %scan3A_311 : i32
    %scan3A_313 = arith.constant 8 : i32
    %scan3A_314 = scf.for %scan3A_442 = %scan3A_310 to %scan3A_312 step %scan3A_313 iter_args(%scan3A_443 = %scan3A_309) -> (i32)  : i32 {
      %mul3A_444 = arith.constant 16 : i32
      %mul3A_445 = arith.muli %scan3A_442, %mul3A_444 : i32
      %get3A = arith.constant 1 : i32
      %get3A_446 = arith.index_cast %get3A : i32 to index
      %get3A_447 = arith.index_cast %mul3A_445 : i32 to index
      %get3A_448 = tpu.vector_load %arg9[%get3A_446, %get3A_447] {strides = array<i32>} : memref<2x8192xf32, #tpu.memory_space<vmem>>, vector<1x16xf32>,
      %get3A_449 = vector.shape_cast %get3A_448 : vector<1x16xf32> to vector<16xf32>
      %get3A_450 = arith.index_cast %mul3A_445 : i32 to index
      %get3A_451 = tpu.vector_load %arg10[%get3A_450] {strides = array<i32>} : memref<8192xf32, #tpu.memory_space<vmem>>, vector<16xf32>,
      %get3A_452 = vector.shape_cast %get3A_451 : vector<16xf32> to vector<16xf32>
      %gt3A = arith.cmpf ogt, %get3A_449, %get3A_452 : vector<16xf32>
      %broadcast_in_dim3A = arith.constant 1 : i32
      %broadcast_in_dim3A_453 = vector.broadcast %broadcast_in_dim3A : i32 to vector<16xi32>
      %broadcast_in_dim3A_454 = arith.constant 0 : i32
      %broadcast_in_dim3A_455 = vector.broadcast %broadcast_in_dim3A_454 : i32 to vector<16xi32>
      %select_n3A = arith.select %gt3A, %broadcast_in_dim3A_453, %broadcast_in_dim3A_455 : vector<16xi1>, vector<16xi32>
      %swap3A = arith.constant 1 : i32
      %swap3A_456 = arith.index_cast %swap3A : i32 to index
      %swap3A_457 = arith.index_cast %mul3A_445 : i32 to index
      %swap3A_458 = tpu.vector_load %arg11[%swap3A_456, %swap3A_457] {strides = array<i32>} : memref<2x8192xi32, #tpu.memory_space<vmem>>, vector<1x16xi32>,
      %swap3A_459 = vector.shape_cast %swap3A_458 : vector<1x16xi32> to vector<16xi32>
      %swap3A_460 = vector.shape_cast %select_n3A : vector<16xi32> to vector<1x16xi32>
      tpu.vector_store %arg11[%swap3A_456, %swap3A_457], %swap3A_460 {strides = array<i32>} : memref<2x8192xi32, #tpu.memory_space<vmem>>, vector<1x16xi32>,
      %scan3A_461 = arith.constant 0 : i32
      %scan3A_462 = arith.constant 1 : i32
      %scan3A_463 = arith.addi %scan3A_442, %scan3A_462 : i32
      %mul3A_464 = arith.constant 16 : i32
      %mul3A_465 = arith.muli %scan3A_463, %mul3A_464 : i32
      %get3A_466 = arith.constant 1 : i32
      %get3A_467 = arith.index_cast %get3A_466 : i32 to index
      %get3A_468 = arith.index_cast %mul3A_465 : i32 to index
      %get3A_469 = tpu.vector_load %arg9[%get3A_467, %get3A_468] {strides = array<i32>} : memref<2x8192xf32, #tpu.memory_space<vmem>>, vector<1x16xf32>,
      %get3A_470 = vector.shape_cast %get3A_469 : vector<1x16xf32> to vector<16xf32>
      %get3A_471 = arith.index_cast %mul3A_465 : i32 to index
      %get3A_472 = tpu.vector_load %arg10[%get3A_471] {strides = array<i32>} : memref<8192xf32, #tpu.memory_space<vmem>>, vector<16xf32>,
      %get3A_473 = vector.shape_cast %get3A_472 : vector<16xf32> to vector<16xf32>
      %gt3A_474 = arith.cmpf ogt, %get3A_470, %get3A_473 : vector<16xf32>
      %broadcast_in_dim3A_475 = arith.constant 1 : i32
      %broadcast_in_dim3A_476 = vector.broadcast %broadcast_in_dim3A_475 : i32 to vector<16xi32>
      %broadcast_in_dim3A_477 = arith.constant 0 : i32
      %broadcast_in_dim3A_478 = vector.broadcast %broadcast_in_dim3A_477 : i32 to vector<16xi32>
      %select_n3A_479 = arith.select %gt3A_474, %broadcast_in_dim3A_476, %broadcast_in_dim3A_478 : vector<16xi1>, vector<16xi32>
      %swap3A_480 = arith.constant 1 : i32
      %swap3A_481 = arith.index_cast %swap3A_480 : i32 to index
      %swap3A_482 = arith.index_cast %mul3A_465 : i32 to index
      %swap3A_483 = tpu.vector_load %arg11[%swap3A_481, %swap3A_482] {strides = array<i32>} : memref<2x8192xi32, #tpu.memory_space<vmem>>, vector<1x16xi32>,
      %swap3A_484 = vector.shape_cast %swap3A_483 : vector<1x16xi32> to vector<16xi32>
      %swap3A_485 = vector.shape_cast %select_n3A_479 : vector<16xi32> to vector<1x16xi32>
      tpu.vector_store %arg11[%swap3A_481, %swap3A_482], %swap3A_485 {strides = array<i32>} : memref<2x8192xi32, #tpu.memory_space<vmem>>, vector<1x16xi32>,
      %scan3A_486 = arith.constant 0 : i32
      %scan3A_487 = arith.constant 2 : i32
      %scan3A_488 = arith.addi %scan3A_442, %scan3A_487 : i32
      %mul3A_489 = arith.constant 16 : i32
      %mul3A_490 = arith.muli %scan3A_488, %mul3A_489 : i32
      %get3A_491 = arith.constant 1 : i32
      %get3A_492 = arith.index_cast %get3A_491 : i32 to index
      %get3A_493 = arith.index_cast %mul3A_490 : i32 to index
      %get3A_494 = tpu.vector_load %arg9[%get3A_492, %get3A_493] {strides = array<i32>} : memref<2x8192xf32, #tpu.memory_space<vmem>>, vector<1x16xf32>,
      %get3A_495 = vector.shape_cast %get3A_494 : vector<1x16xf32> to vector<16xf32>
      %get3A_496 = arith.index_cast %mul3A_490 : i32 to index
      %get3A_497 = tpu.vector_load %arg10[%get3A_496] {strides = array<i32>} : memref<8192xf32, #tpu.memory_space<vmem>>, vector<16xf32>,
      %get3A_498 = vector.shape_cast %get3A_497 : vector<16xf32> to vector<16xf32>
      %gt3A_499 = arith.cmpf ogt, %get3A_495, %get3A_498 : vector<16xf32>
      %broadcast_in_dim3A_500 = arith.constant 1 : i32
      %broadcast_in_dim3A_501 = vector.broadcast %broadcast_in_dim3A_500 : i32 to vector<16xi32>
      %broadcast_in_dim3A_502 = arith.constant 0 : i32
      %broadcast_in_dim3A_503 = vector.broadcast %broadcast_in_dim3A_502 : i32 to vector<16xi32>
      %select_n3A_504 = arith.select %gt3A_499, %broadcast_in_dim3A_501, %broadcast_in_dim3A_503 : vector<16xi1>, vector<16xi32>
      %swap3A_505 = arith.constant 1 : i32
      %swap3A_506 = arith.index_cast %swap3A_505 : i32 to index
      %swap3A_507 = arith.index_cast %mul3A_490 : i32 to index
      %swap3A_508 = tpu.vector_load %arg11[%swap3A_506, %swap3A_507] {strides = array<i32>} : memref<2x8192xi32, #tpu.memory_space<vmem>>, vector<1x16xi32>,
      %swap3A_509 = vector.shape_cast %swap3A_508 : vector<1x16xi32> to vector<16xi32>
      %swap3A_510 = vector.shape_cast %select_n3A_504 : vector<16xi32> to vector<1x16xi32>
      tpu.vector_store %arg11[%swap3A_506, %swap3A_507], %swap3A_510 {strides = array<i32>} : memref<2x8192xi32, #tpu.memory_space<vmem>>, vector<1x16xi32>,
      %scan3A_511 = arith.constant 0 : i32
      %scan3A_512 = arith.constant 3 : i32
      %scan3A_513 = arith.addi %scan3A_442, %scan3A_512 : i32
      %mul3A_514 = arith.constant 16 : i32
      %mul3A_515 = arith.muli %scan3A_513, %mul3A_514 : i32
      %get3A_516 = arith.constant 1 : i32
      %get3A_517 = arith.index_cast %get3A_516 : i32 to index
      %get3A_518 = arith.index_cast %mul3A_515 : i32 to index
      %get3A_519 = tpu.vector_load %arg9[%get3A_517, %get3A_518] {strides = array<i32>} : memref<2x8192xf32, #tpu.memory_space<vmem>>, vector<1x16xf32>,
      %get3A_520 = vector.shape_cast %get3A_519 : vector<1x16xf32> to vector<16xf32>
      %get3A_521 = arith.index_cast %mul3A_515 : i32 to index
      %get3A_522 = tpu.vector_load %arg10[%get3A_521] {strides = array<i32>} : memref<8192xf32, #tpu.memory_space<vmem>>, vector<16xf32>,
      %get3A_523 = vector.shape_cast %get3A_522 : vector<16xf32> to vector<16xf32>
      %gt3A_524 = arith.cmpf ogt, %get3A_520, %get3A_523 : vector<16xf32>
      %broadcast_in_dim3A_525 = arith.constant 1 : i32
      %broadcast_in_dim3A_526 = vector.broadcast %broadcast_in_dim3A_525 : i32 to vector<16xi32>
      %broadcast_in_dim3A_527 = arith.constant 0 : i32
      %broadcast_in_dim3A_528 = vector.broadcast %broadcast_in_dim3A_527 : i32 to vector<16xi32>
      %select_n3A_529 = arith.select %gt3A_524, %broadcast_in_dim3A_526, %broadcast_in_dim3A_528 : vector<16xi1>, vector<16xi32>
      %swap3A_530 = arith.constant 1 : i32
      %swap3A_531 = arith.index_cast %swap3A_530 : i32 to index
      %swap3A_532 = arith.index_cast %mul3A_515 : i32 to index
      %swap3A_533 = tpu.vector_load %arg11[%swap3A_531, %swap3A_532] {strides = array<i32>} : memref<2x8192xi32, #tpu.memory_space<vmem>>, vector<1x16xi32>,
      %swap3A_534 = vector.shape_cast %swap3A_533 : vector<1x16xi32> to vector<16xi32>
      %swap3A_535 = vector.shape_cast %select_n3A_529 : vector<16xi32> to vector<1x16xi32>
      tpu.vector_store %arg11[%swap3A_531, %swap3A_532], %swap3A_535 {strides = array<i32>} : memref<2x8192xi32, #tpu.memory_space<vmem>>, vector<1x16xi32>,
      %scan3A_536 = arith.constant 0 : i32
      %scan3A_537 = arith.constant 4 : i32
      %scan3A_538 = arith.addi %scan3A_442, %scan3A_537 : i32
      %mul3A_539 = arith.constant 16 : i32
      %mul3A_540 = arith.muli %scan3A_538, %mul3A_539 : i32
      %get3A_541 = arith.constant 1 : i32
      %get3A_542 = arith.index_cast %get3A_541 : i32 to index
      %get3A_543 = arith.index_cast %mul3A_540 : i32 to index
      %get3A_544 = tpu.vector_load %arg9[%get3A_542, %get3A_543] {strides = array<i32>} : memref<2x8192xf32, #tpu.memory_space<vmem>>, vector<1x16xf32>,
      %get3A_545 = vector.shape_cast %get3A_544 : vector<1x16xf32> to vector<16xf32>
      %get3A_546 = arith.index_cast %mul3A_540 : i32 to index
      %get3A_547 = tpu.vector_load %arg10[%get3A_546] {strides = array<i32>} : memref<8192xf32, #tpu.memory_space<vmem>>, vector<16xf32>,
      %get3A_548 = vector.shape_cast %get3A_547 : vector<16xf32> to vector<16xf32>
      %gt3A_549 = arith.cmpf ogt, %get3A_545, %get3A_548 : vector<16xf32>
      %broadcast_in_dim3A_550 = arith.constant 1 : i32
      %broadcast_in_dim3A_551 = vector.broadcast %broadcast_in_dim3A_550 : i32 to vector<16xi32>
      %broadcast_in_dim3A_552 = arith.constant 0 : i32
      %broadcast_in_dim3A_553 = vector.broadcast %broadcast_in_dim3A_552 : i32 to vector<16xi32>
      %select_n3A_554 = arith.select %gt3A_549, %broadcast_in_dim3A_551, %broadcast_in_dim3A_553 : vector<16xi1>, vector<16xi32>
      %swap3A_555 = arith.constant 1 : i32
      %swap3A_556 = arith.index_cast %swap3A_555 : i32 to index
      %swap3A_557 = arith.index_cast %mul3A_540 : i32 to index
      %swap3A_558 = tpu.vector_load %arg11[%swap3A_556, %swap3A_557] {strides = array<i32>} : memref<2x8192xi32, #tpu.memory_space<vmem>>, vector<1x16xi32>,
      %swap3A_559 = vector.shape_cast %swap3A_558 : vector<1x16xi32> to vector<16xi32>
      %swap3A_560 = vector.shape_cast %select_n3A_554 : vector<16xi32> to vector<1x16xi32>
      tpu.vector_store %arg11[%swap3A_556, %swap3A_557], %swap3A_560 {strides = array<i32>} : memref<2x8192xi32, #tpu.memory_space<vmem>>, vector<1x16xi32>,
      %scan3A_561 = arith.constant 0 : i32
      %scan3A_562 = arith.constant 5 : i32
      %scan3A_563 = arith.addi %scan3A_442, %scan3A_562 : i32
      %mul3A_564 = arith.constant 16 : i32
      %mul3A_565 = arith.muli %scan3A_563, %mul3A_564 : i32
      %get3A_566 = arith.constant 1 : i32
      %get3A_567 = arith.index_cast %get3A_566 : i32 to index
      %get3A_568 = arith.index_cast %mul3A_565 : i32 to index
      %get3A_569 = tpu.vector_load %arg9[%get3A_567, %get3A_568] {strides = array<i32>} : memref<2x8192xf32, #tpu.memory_space<vmem>>, vector<1x16xf32>,
      %get3A_570 = vector.shape_cast %get3A_569 : vector<1x16xf32> to vector<16xf32>
      %get3A_571 = arith.index_cast %mul3A_565 : i32 to index
      %get3A_572 = tpu.vector_load %arg10[%get3A_571] {strides = array<i32>} : memref<8192xf32, #tpu.memory_space<vmem>>, vector<16xf32>,
      %get3A_573 = vector.shape_cast %get3A_572 : vector<16xf32> to vector<16xf32>
      %gt3A_574 = arith.cmpf ogt, %get3A_570, %get3A_573 : vector<16xf32>
      %broadcast_in_dim3A_575 = arith.constant 1 : i32
      %broadcast_in_dim3A_576 = vector.broadcast %broadcast_in_dim3A_575 : i32 to vector<16xi32>
      %broadcast_in_dim3A_577 = arith.constant 0 : i32
      %broadcast_in_dim3A_578 = vector.broadcast %broadcast_in_dim3A_577 : i32 to vector<16xi32>
      %select_n3A_579 = arith.select %gt3A_574, %broadcast_in_dim3A_576, %broadcast_in_dim3A_578 : vector<16xi1>, vector<16xi32>
      %swap3A_580 = arith.constant 1 : i32
      %swap3A_581 = arith.index_cast %swap3A_580 : i32 to index
      %swap3A_582 = arith.index_cast %mul3A_565 : i32 to index
      %swap3A_583 = tpu.vector_load %arg11[%swap3A_581, %swap3A_582] {strides = array<i32>} : memref<2x8192xi32, #tpu.memory_space<vmem>>, vector<1x16xi32>,
      %swap3A_584 = vector.shape_cast %swap3A_583 : vector<1x16xi32> to vector<16xi32>
      %swap3A_585 = vector.shape_cast %select_n3A_579 : vector<16xi32> to vector<1x16xi32>
      tpu.vector_store %arg11[%swap3A_581, %swap3A_582], %swap3A_585 {strides = array<i32>} : memref<2x8192xi32, #tpu.memory_space<vmem>>, vector<1x16xi32>,
      %scan3A_586 = arith.constant 0 : i32
      %scan3A_587 = arith.constant 6 : i32
      %scan3A_588 = arith.addi %scan3A_442, %scan3A_587 : i32
      %mul3A_589 = arith.constant 16 : i32
      %mul3A_590 = arith.muli %scan3A_588, %mul3A_589 : i32
      %get3A_591 = arith.constant 1 : i32
      %get3A_592 = arith.index_cast %get3A_591 : i32 to index
      %get3A_593 = arith.index_cast %mul3A_590 : i32 to index
      %get3A_594 = tpu.vector_load %arg9[%get3A_592, %get3A_593] {strides = array<i32>} : memref<2x8192xf32, #tpu.memory_space<vmem>>, vector<1x16xf32>,
      %get3A_595 = vector.shape_cast %get3A_594 : vector<1x16xf32> to vector<16xf32>
      %get3A_596 = arith.index_cast %mul3A_590 : i32 to index
      %get3A_597 = tpu.vector_load %arg10[%get3A_596] {strides = array<i32>} : memref<8192xf32, #tpu.memory_space<vmem>>, vector<16xf32>,
      %get3A_598 = vector.shape_cast %get3A_597 : vector<16xf32> to vector<16xf32>
      %gt3A_599 = arith.cmpf ogt, %get3A_595, %get3A_598 : vector<16xf32>
      %broadcast_in_dim3A_600 = arith.constant 1 : i32
      %broadcast_in_dim3A_601 = vector.broadcast %broadcast_in_dim3A_600 : i32 to vector<16xi32>
      %broadcast_in_dim3A_602 = arith.constant 0 : i32
      %broadcast_in_dim3A_603 = vector.broadcast %broadcast_in_dim3A_602 : i32 to vector<16xi32>
      %select_n3A_604 = arith.select %gt3A_599, %broadcast_in_dim3A_601, %broadcast_in_dim3A_603 : vector<16xi1>, vector<16xi32>
      %swap3A_605 = arith.constant 1 : i32
      %swap3A_606 = arith.index_cast %swap3A_605 : i32 to index
      %swap3A_607 = arith.index_cast %mul3A_590 : i32 to index
      %swap3A_608 = tpu.vector_load %arg11[%swap3A_606, %swap3A_607] {strides = array<i32>} : memref<2x8192xi32, #tpu.memory_space<vmem>>, vector<1x16xi32>,
      %swap3A_609 = vector.shape_cast %swap3A_608 : vector<1x16xi32> to vector<16xi32>
      %swap3A_610 = vector.shape_cast %select_n3A_604 : vector<16xi32> to vector<1x16xi32>
      tpu.vector_store %arg11[%swap3A_606, %swap3A_607], %swap3A_610 {strides = array<i32>} : memref<2x8192xi32, #tpu.memory_space<vmem>>, vector<1x16xi32>,
      %scan3A_611 = arith.constant 0 : i32
      %scan3A_612 = arith.constant 7 : i32
      %scan3A_613 = arith.addi %scan3A_442, %scan3A_612 : i32
      %mul3A_614 = arith.constant 16 : i32
      %mul3A_615 = arith.muli %scan3A_613, %mul3A_614 : i32
      %get3A_616 = arith.constant 1 : i32
      %get3A_617 = arith.index_cast %get3A_616 : i32 to index
      %get3A_618 = arith.index_cast %mul3A_615 : i32 to index
      %get3A_619 = tpu.vector_load %arg9[%get3A_617, %get3A_618] {strides = array<i32>} : memref<2x8192xf32, #tpu.memory_space<vmem>>, vector<1x16xf32>,
      %get3A_620 = vector.shape_cast %get3A_619 : vector<1x16xf32> to vector<16xf32>
      %get3A_621 = arith.index_cast %mul3A_615 : i32 to index
      %get3A_622 = tpu.vector_load %arg10[%get3A_621] {strides = array<i32>} : memref<8192xf32, #tpu.memory_space<vmem>>, vector<16xf32>,
      %get3A_623 = vector.shape_cast %get3A_622 : vector<16xf32> to vector<16xf32>
      %gt3A_624 = arith.cmpf ogt, %get3A_620, %get3A_623 : vector<16xf32>
      %broadcast_in_dim3A_625 = arith.constant 1 : i32
      %broadcast_in_dim3A_626 = vector.broadcast %broadcast_in_dim3A_625 : i32 to vector<16xi32>
      %broadcast_in_dim3A_627 = arith.constant 0 : i32
      %broadcast_in_dim3A_628 = vector.broadcast %broadcast_in_dim3A_627 : i32 to vector<16xi32>
      %select_n3A_629 = arith.select %gt3A_624, %broadcast_in_dim3A_626, %broadcast_in_dim3A_628 : vector<16xi1>, vector<16xi32>
      %swap3A_630 = arith.constant 1 : i32
      %swap3A_631 = arith.index_cast %swap3A_630 : i32 to index
      %swap3A_632 = arith.index_cast %mul3A_615 : i32 to index
      %swap3A_633 = tpu.vector_load %arg11[%swap3A_631, %swap3A_632] {strides = array<i32>} : memref<2x8192xi32, #tpu.memory_space<vmem>>, vector<1x16xi32>,
      %swap3A_634 = vector.shape_cast %swap3A_633 : vector<1x16xi32> to vector<16xi32>
      %swap3A_635 = vector.shape_cast %select_n3A_629 : vector<16xi32> to vector<1x16xi32>
      tpu.vector_store %arg11[%swap3A_631, %swap3A_632], %swap3A_635 {strides = array<i32>} : memref<2x8192xi32, #tpu.memory_space<vmem>>, vector<1x16xi32>,
      %scan3A_636 = arith.constant 0 : i32
      scf.yield %scan3A_636 : i32
    }
    %scan3A_315 = arith.constant 512 : i32
    %add3A_316 = arith.constant 40960 : i32
    %add3A_317 = arith.addi %mul3A_2, %add3A_316 : i32
    %dma_start3A_318 = arith.constant 1 : i32
    %dma_start3A_319 = arith.constant 0 : i32
    %dma_start3A_320 = tpu.memref_slice %arg11[%dma_start3A_318, %dma_start3A_319] : memref<2x8192xi32, #tpu.memory_space<vmem>> -> memref<1x8192xi32, #tpu.memory_space<vmem>>
    %dma_start3A_321 = tpu.memref_squeeze %dma_start3A_320 : memref<1x8192xi32, #tpu.memory_space<vmem>> -> memref<8192xi32, #tpu.memory_space<vmem>>
    %dma_start3A_322 = tpu.memref_slice %arg5[%add3A_317] : memref<2097152xi32, #tpu.memory_space<hbm>> -> memref<8192xi32, #tpu.memory_space<hbm>>
    %dma_start3A_323 = tpu.memref_slice %arg5[%add3A_317] : memref<2097152xi32, #tpu.memory_space<hbm>> -> memref<8192xi32, #tpu.memory_space<hbm>>
    %dma_start3A_324 = arith.constant 0 : i32
    %dma_start3A_325 = tpu.memref_slice %arg11[%dma_start3A_318, %dma_start3A_324] : memref<2x8192xi32, #tpu.memory_space<vmem>> -> memref<1x8192xi32, #tpu.memory_space<vmem>>
    %dma_start3A_326 = tpu.memref_squeeze %dma_start3A_325 : memref<1x8192xi32, #tpu.memory_space<vmem>> -> memref<8192xi32, #tpu.memory_space<vmem>>
    tpu.enqueue_dma source(%dma_start3A_326 : memref<8192xi32, #tpu.memory_space<vmem>>) target(%dma_start3A_323 : memref<8192xi32, #tpu.memory_space<hbm>>) target_semaphore(%arg14 : memref<!tpu.dma_semaphore, #tpu.memory_space<semaphore_mem>>)
    %add3A_327 = arith.constant 57344 : i32
    %add3A_328 = arith.addi %mul3A_2, %add3A_327 : i32
    %dma_start3A_329 = tpu.memref_slice %arg2[%add3A_328] : memref<2097152xi32, #tpu.memory_space<hbm>> -> memref<8192xi32, #tpu.memory_space<hbm>>
    %dma_start3A_330 = tpu.memref_slice %arg2[%add3A_328] : memref<2097152xi32, #tpu.memory_space<hbm>> -> memref<8192xi32, #tpu.memory_space<hbm>>
    tpu.enqueue_dma source(%dma_start3A_330 : memref<8192xi32, #tpu.memory_space<hbm>>) target(%arg8 : memref<8192xi32, #tpu.memory_space<vmem>>) target_semaphore(%arg12 : memref<!tpu.dma_semaphore, #tpu.memory_space<semaphore_mem>>)
    %dma_start3A_331 = arith.constant 1 : i32
    %dma_start3A_332 = arith.constant 0 : i32
    %dma_start3A_333 = tpu.memref_slice %arg9[%dma_start3A_331, %dma_start3A_332] : memref<2x8192xf32, #tpu.memory_space<vmem>> -> memref<1x8192xf32, #tpu.memory_space<vmem>>
    %dma_start3A_334 = tpu.memref_squeeze %dma_start3A_333 : memref<1x8192xf32, #tpu.memory_space<vmem>> -> memref<8192xf32, #tpu.memory_space<vmem>>
    %dma_start3A_335 = tpu.memref_slice %arg3[%add3A_328] : memref<2097152xf32, #tpu.memory_space<hbm>> -> memref<8192xf32, #tpu.memory_space<hbm>>
    %dma_start3A_336 = arith.constant 0 : i32
    %dma_start3A_337 = tpu.memref_slice %arg9[%dma_start3A_331, %dma_start3A_336] : memref<2x8192xf32, #tpu.memory_space<vmem>> -> memref<1x8192xf32, #tpu.memory_space<vmem>>
    %dma_start3A_338 = tpu.memref_squeeze %dma_start3A_337 : memref<1x8192xf32, #tpu.memory_space<vmem>> -> memref<8192xf32, #tpu.memory_space<vmem>>
    %dma_start3A_339 = tpu.memref_slice %arg3[%add3A_328] : memref<2097152xf32, #tpu.memory_space<hbm>> -> memref<8192xf32, #tpu.memory_space<hbm>>
    tpu.enqueue_dma source(%dma_start3A_339 : memref<8192xf32, #tpu.memory_space<hbm>>) target(%dma_start3A_338 : memref<8192xf32, #tpu.memory_space<vmem>>) target_semaphore(%arg12 : memref<!tpu.dma_semaphore, #tpu.memory_space<semaphore_mem>>)
    %dma_wait3A_340 = tpu.memref_slice %arg2[%mul3A_2] : memref<2097152xi32, #tpu.memory_space<hbm>> -> memref<8192xi32, #tpu.memory_space<hbm>>
    %dma_wait3A_341 = tpu.memref_slice %arg2[%mul3A_2] : memref<2097152xi32, #tpu.memory_space<hbm>> -> memref<8192xi32, #tpu.memory_space<hbm>>
    tpu.wait_dma2 semaphore(%arg12 : memref<!tpu.dma_semaphore, #tpu.memory_space<semaphore_mem>>) src(%dma_wait3A_341 : memref<8192xi32, #tpu.memory_space<hbm>>) dst(%arg7 : memref<8192xi32, #tpu.memory_space<vmem>>)
    %dma_wait3A_342 = arith.constant 0 : i32
    %dma_wait3A_343 = arith.constant 0 : i32
    %dma_wait3A_344 = tpu.memref_slice %arg9[%dma_wait3A_342, %dma_wait3A_343] : memref<2x8192xf32, #tpu.memory_space<vmem>> -> memref<1x8192xf32, #tpu.memory_space<vmem>>
    %dma_wait3A_345 = tpu.memref_squeeze %dma_wait3A_344 : memref<1x8192xf32, #tpu.memory_space<vmem>> -> memref<8192xf32, #tpu.memory_space<vmem>>
    %dma_wait3A_346 = tpu.memref_slice %arg3[%mul3A_2] : memref<2097152xf32, #tpu.memory_space<hbm>> -> memref<8192xf32, #tpu.memory_space<hbm>>
    %dma_wait3A_347 = arith.constant 0 : i32
    %dma_wait3A_348 = tpu.memref_slice %arg9[%dma_wait3A_342, %dma_wait3A_347] : memref<2x8192xf32, #tpu.memory_space<vmem>> -> memref<1x8192xf32, #tpu.memory_space<vmem>>
    %dma_wait3A_349 = tpu.memref_squeeze %dma_wait3A_348 : memref<1x8192xf32, #tpu.memory_space<vmem>> -> memref<8192xf32, #tpu.memory_space<vmem>>
    %dma_wait3A_350 = tpu.memref_slice %arg3[%mul3A_2] : memref<2097152xf32, #tpu.memory_space<hbm>> -> memref<8192xf32, #tpu.memory_space<hbm>>
    tpu.wait_dma2 semaphore(%arg12 : memref<!tpu.dma_semaphore, #tpu.memory_space<semaphore_mem>>) src(%dma_wait3A_350 : memref<8192xf32, #tpu.memory_space<hbm>>) dst(%dma_wait3A_349 : memref<8192xf32, #tpu.memory_space<vmem>>)
    %dma_start3A_351 = arith.constant 0 : i32
    %dma_start3A_352 = tpu.memref_slice %arg6[%dma_start3A_351] : memref<262144xf32, #tpu.memory_space<vmem_shared>> -> memref<262144xf32, #tpu.memory_space<vmem_shared>>
    tpu.enqueue_indirect_dma source(%dma_start3A_352 : memref<262144xf32, #tpu.memory_space<vmem_shared>>) target(%arg10 : memref<8192xf32, #tpu.memory_space<vmem>>) offsets(%arg7 : memref<8192xi32, #tpu.memory_space<vmem>>) semaphore(%arg13 : memref<!tpu.dma_semaphore, #tpu.memory_space<semaphore_mem>>)
    %dma_wait3A_353 = arith.constant 0 : i32
    %dma_wait3A_354 = tpu.memref_slice %arg6[%dma_wait3A_353] : memref<262144xf32, #tpu.memory_space<vmem_shared>> -> memref<262144xf32, #tpu.memory_space<vmem_shared>>
    tpu.wait_indirect_dma semaphore(%arg13 : memref<!tpu.dma_semaphore, #tpu.memory_space<semaphore_mem>>) src(%dma_wait3A_354 : memref<262144xf32, #tpu.memory_space<vmem_shared>>) dst(%arg10 : memref<8192xf32, #tpu.memory_space<vmem>>)
    %dma_wait3A_355 = arith.constant 0 : i32
    %dma_wait3A_356 = arith.constant 0 : i32
    %dma_wait3A_357 = tpu.memref_slice %arg11[%dma_wait3A_355, %dma_wait3A_356] : memref<2x8192xi32, #tpu.memory_space<vmem>> -> memref<1x8192xi32, #tpu.memory_space<vmem>>
    %dma_wait3A_358 = tpu.memref_squeeze %dma_wait3A_357 : memref<1x8192xi32, #tpu.memory_space<vmem>> -> memref<8192xi32, #tpu.memory_space<vmem>>
    %dma_wait3A_359 = tpu.memref_slice %arg5[%mul3A_2] : memref<2097152xi32, #tpu.memory_space<hbm>> -> memref<8192xi32, #tpu.memory_space<hbm>>
    %dma_wait3A_360 = tpu.memref_slice %arg5[%mul3A_2] : memref<2097152xi32, #tpu.memory_space<hbm>> -> memref<8192xi32, #tpu.memory_space<hbm>>
    %dma_wait3A_361 = arith.constant 0 : i32
    %dma_wait3A_362 = tpu.memref_slice %arg11[%dma_wait3A_355, %dma_wait3A_361] : memref<2x8192xi32, #tpu.memory_space<vmem>> -> memref<1x8192xi32, #tpu.memory_space<vmem>>
    %dma_wait3A_363 = tpu.memref_squeeze %dma_wait3A_362 : memref<1x8192xi32, #tpu.memory_space<vmem>> -> memref<8192xi32, #tpu.memory_space<vmem>>
    tpu.wait_dma2 semaphore(%arg14 : memref<!tpu.dma_semaphore, #tpu.memory_space<semaphore_mem>>) src(%dma_wait3A_363 : memref<8192xi32, #tpu.memory_space<vmem>>) dst(%dma_wait3A_360 : memref<8192xi32, #tpu.memory_space<hbm>>)
    %scan3A_364 = arith.constant 0 : i32
    %scan3A_365 = arith.constant 0 : i32
    %scan3A_366 = arith.constant 512 : i32
    %scan3A_367 = arith.addi %scan3A_365, %scan3A_366 : i32
    %scan3A_368 = arith.constant 8 : i32
    %scan3A_369 = scf.for %scan3A_442 = %scan3A_365 to %scan3A_367 step %scan3A_368 iter_args(%scan3A_443 = %scan3A_364) -> (i32)  : i32 {
      %mul3A_444 = arith.constant 16 : i32
      %mul3A_445 = arith.muli %scan3A_442, %mul3A_444 : i32
      %get3A = arith.constant 0 : i32
      %get3A_446 = arith.index_cast %get3A : i32 to index
      %get3A_447 = arith.index_cast %mul3A_445 : i32 to index
      %get3A_448 = tpu.vector_load %arg9[%get3A_446, %get3A_447] {strides = array<i32>} : memref<2x8192xf32, #tpu.memory_space<vmem>>, vector<1x16xf32>,
      %get3A_449 = vector.shape_cast %get3A_448 : vector<1x16xf32> to vector<16xf32>
      %get3A_450 = arith.index_cast %mul3A_445 : i32 to index
      %get3A_451 = tpu.vector_load %arg10[%get3A_450] {strides = array<i32>} : memref<8192xf32, #tpu.memory_space<vmem>>, vector<16xf32>,
      %get3A_452 = vector.shape_cast %get3A_451 : vector<16xf32> to vector<16xf32>
      %gt3A = arith.cmpf ogt, %get3A_449, %get3A_452 : vector<16xf32>
      %broadcast_in_dim3A = arith.constant 1 : i32
      %broadcast_in_dim3A_453 = vector.broadcast %broadcast_in_dim3A : i32 to vector<16xi32>
      %broadcast_in_dim3A_454 = arith.constant 0 : i32
      %broadcast_in_dim3A_455 = vector.broadcast %broadcast_in_dim3A_454 : i32 to vector<16xi32>
      %select_n3A = arith.select %gt3A, %broadcast_in_dim3A_453, %broadcast_in_dim3A_455 : vector<16xi1>, vector<16xi32>
      %swap3A = arith.constant 0 : i32
      %swap3A_456 = arith.index_cast %swap3A : i32 to index
      %swap3A_457 = arith.index_cast %mul3A_445 : i32 to index
      %swap3A_458 = tpu.vector_load %arg11[%swap3A_456, %swap3A_457] {strides = array<i32>} : memref<2x8192xi32, #tpu.memory_space<vmem>>, vector<1x16xi32>,
      %swap3A_459 = vector.shape_cast %swap3A_458 : vector<1x16xi32> to vector<16xi32>
      %swap3A_460 = vector.shape_cast %select_n3A : vector<16xi32> to vector<1x16xi32>
      tpu.vector_store %arg11[%swap3A_456, %swap3A_457], %swap3A_460 {strides = array<i32>} : memref<2x8192xi32, #tpu.memory_space<vmem>>, vector<1x16xi32>,
      %scan3A_461 = arith.constant 0 : i32
      %scan3A_462 = arith.constant 1 : i32
      %scan3A_463 = arith.addi %scan3A_442, %scan3A_462 : i32
      %mul3A_464 = arith.constant 16 : i32
      %mul3A_465 = arith.muli %scan3A_463, %mul3A_464 : i32
      %get3A_466 = arith.constant 0 : i32
      %get3A_467 = arith.index_cast %get3A_466 : i32 to index
      %get3A_468 = arith.index_cast %mul3A_465 : i32 to index
      %get3A_469 = tpu.vector_load %arg9[%get3A_467, %get3A_468] {strides = array<i32>} : memref<2x8192xf32, #tpu.memory_space<vmem>>, vector<1x16xf32>,
      %get3A_470 = vector.shape_cast %get3A_469 : vector<1x16xf32> to vector<16xf32>
      %get3A_471 = arith.index_cast %mul3A_465 : i32 to index
      %get3A_472 = tpu.vector_load %arg10[%get3A_471] {strides = array<i32>} : memref<8192xf32, #tpu.memory_space<vmem>>, vector<16xf32>,
      %get3A_473 = vector.shape_cast %get3A_472 : vector<16xf32> to vector<16xf32>
      %gt3A_474 = arith.cmpf ogt, %get3A_470, %get3A_473 : vector<16xf32>
      %broadcast_in_dim3A_475 = arith.constant 1 : i32
      %broadcast_in_dim3A_476 = vector.broadcast %broadcast_in_dim3A_475 : i32 to vector<16xi32>
      %broadcast_in_dim3A_477 = arith.constant 0 : i32
      %broadcast_in_dim3A_478 = vector.broadcast %broadcast_in_dim3A_477 : i32 to vector<16xi32>
      %select_n3A_479 = arith.select %gt3A_474, %broadcast_in_dim3A_476, %broadcast_in_dim3A_478 : vector<16xi1>, vector<16xi32>
      %swap3A_480 = arith.constant 0 : i32
      %swap3A_481 = arith.index_cast %swap3A_480 : i32 to index
      %swap3A_482 = arith.index_cast %mul3A_465 : i32 to index
      %swap3A_483 = tpu.vector_load %arg11[%swap3A_481, %swap3A_482] {strides = array<i32>} : memref<2x8192xi32, #tpu.memory_space<vmem>>, vector<1x16xi32>,
      %swap3A_484 = vector.shape_cast %swap3A_483 : vector<1x16xi32> to vector<16xi32>
      %swap3A_485 = vector.shape_cast %select_n3A_479 : vector<16xi32> to vector<1x16xi32>
      tpu.vector_store %arg11[%swap3A_481, %swap3A_482], %swap3A_485 {strides = array<i32>} : memref<2x8192xi32, #tpu.memory_space<vmem>>, vector<1x16xi32>,
      %scan3A_486 = arith.constant 0 : i32
      %scan3A_487 = arith.constant 2 : i32
      %scan3A_488 = arith.addi %scan3A_442, %scan3A_487 : i32
      %mul3A_489 = arith.constant 16 : i32
      %mul3A_490 = arith.muli %scan3A_488, %mul3A_489 : i32
      %get3A_491 = arith.constant 0 : i32
      %get3A_492 = arith.index_cast %get3A_491 : i32 to index
      %get3A_493 = arith.index_cast %mul3A_490 : i32 to index
      %get3A_494 = tpu.vector_load %arg9[%get3A_492, %get3A_493] {strides = array<i32>} : memref<2x8192xf32, #tpu.memory_space<vmem>>, vector<1x16xf32>,
      %get3A_495 = vector.shape_cast %get3A_494 : vector<1x16xf32> to vector<16xf32>
      %get3A_496 = arith.index_cast %mul3A_490 : i32 to index
      %get3A_497 = tpu.vector_load %arg10[%get3A_496] {strides = array<i32>} : memref<8192xf32, #tpu.memory_space<vmem>>, vector<16xf32>,
      %get3A_498 = vector.shape_cast %get3A_497 : vector<16xf32> to vector<16xf32>
      %gt3A_499 = arith.cmpf ogt, %get3A_495, %get3A_498 : vector<16xf32>
      %broadcast_in_dim3A_500 = arith.constant 1 : i32
      %broadcast_in_dim3A_501 = vector.broadcast %broadcast_in_dim3A_500 : i32 to vector<16xi32>
      %broadcast_in_dim3A_502 = arith.constant 0 : i32
      %broadcast_in_dim3A_503 = vector.broadcast %broadcast_in_dim3A_502 : i32 to vector<16xi32>
      %select_n3A_504 = arith.select %gt3A_499, %broadcast_in_dim3A_501, %broadcast_in_dim3A_503 : vector<16xi1>, vector<16xi32>
      %swap3A_505 = arith.constant 0 : i32
      %swap3A_506 = arith.index_cast %swap3A_505 : i32 to index
      %swap3A_507 = arith.index_cast %mul3A_490 : i32 to index
      %swap3A_508 = tpu.vector_load %arg11[%swap3A_506, %swap3A_507] {strides = array<i32>} : memref<2x8192xi32, #tpu.memory_space<vmem>>, vector<1x16xi32>,
      %swap3A_509 = vector.shape_cast %swap3A_508 : vector<1x16xi32> to vector<16xi32>
      %swap3A_510 = vector.shape_cast %select_n3A_504 : vector<16xi32> to vector<1x16xi32>
      tpu.vector_store %arg11[%swap3A_506, %swap3A_507], %swap3A_510 {strides = array<i32>} : memref<2x8192xi32, #tpu.memory_space<vmem>>, vector<1x16xi32>,
      %scan3A_511 = arith.constant 0 : i32
      %scan3A_512 = arith.constant 3 : i32
      %scan3A_513 = arith.addi %scan3A_442, %scan3A_512 : i32
      %mul3A_514 = arith.constant 16 : i32
      %mul3A_515 = arith.muli %scan3A_513, %mul3A_514 : i32
      %get3A_516 = arith.constant 0 : i32
      %get3A_517 = arith.index_cast %get3A_516 : i32 to index
      %get3A_518 = arith.index_cast %mul3A_515 : i32 to index
      %get3A_519 = tpu.vector_load %arg9[%get3A_517, %get3A_518] {strides = array<i32>} : memref<2x8192xf32, #tpu.memory_space<vmem>>, vector<1x16xf32>,
      %get3A_520 = vector.shape_cast %get3A_519 : vector<1x16xf32> to vector<16xf32>
      %get3A_521 = arith.index_cast %mul3A_515 : i32 to index
      %get3A_522 = tpu.vector_load %arg10[%get3A_521] {strides = array<i32>} : memref<8192xf32, #tpu.memory_space<vmem>>, vector<16xf32>,
      %get3A_523 = vector.shape_cast %get3A_522 : vector<16xf32> to vector<16xf32>
      %gt3A_524 = arith.cmpf ogt, %get3A_520, %get3A_523 : vector<16xf32>
      %broadcast_in_dim3A_525 = arith.constant 1 : i32
      %broadcast_in_dim3A_526 = vector.broadcast %broadcast_in_dim3A_525 : i32 to vector<16xi32>
      %broadcast_in_dim3A_527 = arith.constant 0 : i32
      %broadcast_in_dim3A_528 = vector.broadcast %broadcast_in_dim3A_527 : i32 to vector<16xi32>
      %select_n3A_529 = arith.select %gt3A_524, %broadcast_in_dim3A_526, %broadcast_in_dim3A_528 : vector<16xi1>, vector<16xi32>
      %swap3A_530 = arith.constant 0 : i32
      %swap3A_531 = arith.index_cast %swap3A_530 : i32 to index
      %swap3A_532 = arith.index_cast %mul3A_515 : i32 to index
      %swap3A_533 = tpu.vector_load %arg11[%swap3A_531, %swap3A_532] {strides = array<i32>} : memref<2x8192xi32, #tpu.memory_space<vmem>>, vector<1x16xi32>,
      %swap3A_534 = vector.shape_cast %swap3A_533 : vector<1x16xi32> to vector<16xi32>
      %swap3A_535 = vector.shape_cast %select_n3A_529 : vector<16xi32> to vector<1x16xi32>
      tpu.vector_store %arg11[%swap3A_531, %swap3A_532], %swap3A_535 {strides = array<i32>} : memref<2x8192xi32, #tpu.memory_space<vmem>>, vector<1x16xi32>,
      %scan3A_536 = arith.constant 0 : i32
      %scan3A_537 = arith.constant 4 : i32
      %scan3A_538 = arith.addi %scan3A_442, %scan3A_537 : i32
      %mul3A_539 = arith.constant 16 : i32
      %mul3A_540 = arith.muli %scan3A_538, %mul3A_539 : i32
      %get3A_541 = arith.constant 0 : i32
      %get3A_542 = arith.index_cast %get3A_541 : i32 to index
      %get3A_543 = arith.index_cast %mul3A_540 : i32 to index
      %get3A_544 = tpu.vector_load %arg9[%get3A_542, %get3A_543] {strides = array<i32>} : memref<2x8192xf32, #tpu.memory_space<vmem>>, vector<1x16xf32>,
      %get3A_545 = vector.shape_cast %get3A_544 : vector<1x16xf32> to vector<16xf32>
      %get3A_546 = arith.index_cast %mul3A_540 : i32 to index
      %get3A_547 = tpu.vector_load %arg10[%get3A_546] {strides = array<i32>} : memref<8192xf32, #tpu.memory_space<vmem>>, vector<16xf32>,
      %get3A_548 = vector.shape_cast %get3A_547 : vector<16xf32> to vector<16xf32>
      %gt3A_549 = arith.cmpf ogt, %get3A_545, %get3A_548 : vector<16xf32>
      %broadcast_in_dim3A_550 = arith.constant 1 : i32
      %broadcast_in_dim3A_551 = vector.broadcast %broadcast_in_dim3A_550 : i32 to vector<16xi32>
      %broadcast_in_dim3A_552 = arith.constant 0 : i32
      %broadcast_in_dim3A_553 = vector.broadcast %broadcast_in_dim3A_552 : i32 to vector<16xi32>
      %select_n3A_554 = arith.select %gt3A_549, %broadcast_in_dim3A_551, %broadcast_in_dim3A_553 : vector<16xi1>, vector<16xi32>
      %swap3A_555 = arith.constant 0 : i32
      %swap3A_556 = arith.index_cast %swap3A_555 : i32 to index
      %swap3A_557 = arith.index_cast %mul3A_540 : i32 to index
      %swap3A_558 = tpu.vector_load %arg11[%swap3A_556, %swap3A_557] {strides = array<i32>} : memref<2x8192xi32, #tpu.memory_space<vmem>>, vector<1x16xi32>,
      %swap3A_559 = vector.shape_cast %swap3A_558 : vector<1x16xi32> to vector<16xi32>
      %swap3A_560 = vector.shape_cast %select_n3A_554 : vector<16xi32> to vector<1x16xi32>
      tpu.vector_store %arg11[%swap3A_556, %swap3A_557], %swap3A_560 {strides = array<i32>} : memref<2x8192xi32, #tpu.memory_space<vmem>>, vector<1x16xi32>,
      %scan3A_561 = arith.constant 0 : i32
      %scan3A_562 = arith.constant 5 : i32
      %scan3A_563 = arith.addi %scan3A_442, %scan3A_562 : i32
      %mul3A_564 = arith.constant 16 : i32
      %mul3A_565 = arith.muli %scan3A_563, %mul3A_564 : i32
      %get3A_566 = arith.constant 0 : i32
      %get3A_567 = arith.index_cast %get3A_566 : i32 to index
      %get3A_568 = arith.index_cast %mul3A_565 : i32 to index
      %get3A_569 = tpu.vector_load %arg9[%get3A_567, %get3A_568] {strides = array<i32>} : memref<2x8192xf32, #tpu.memory_space<vmem>>, vector<1x16xf32>,
      %get3A_570 = vector.shape_cast %get3A_569 : vector<1x16xf32> to vector<16xf32>
      %get3A_571 = arith.index_cast %mul3A_565 : i32 to index
      %get3A_572 = tpu.vector_load %arg10[%get3A_571] {strides = array<i32>} : memref<8192xf32, #tpu.memory_space<vmem>>, vector<16xf32>,
      %get3A_573 = vector.shape_cast %get3A_572 : vector<16xf32> to vector<16xf32>
      %gt3A_574 = arith.cmpf ogt, %get3A_570, %get3A_573 : vector<16xf32>
      %broadcast_in_dim3A_575 = arith.constant 1 : i32
      %broadcast_in_dim3A_576 = vector.broadcast %broadcast_in_dim3A_575 : i32 to vector<16xi32>
      %broadcast_in_dim3A_577 = arith.constant 0 : i32
      %broadcast_in_dim3A_578 = vector.broadcast %broadcast_in_dim3A_577 : i32 to vector<16xi32>
      %select_n3A_579 = arith.select %gt3A_574, %broadcast_in_dim3A_576, %broadcast_in_dim3A_578 : vector<16xi1>, vector<16xi32>
      %swap3A_580 = arith.constant 0 : i32
      %swap3A_581 = arith.index_cast %swap3A_580 : i32 to index
      %swap3A_582 = arith.index_cast %mul3A_565 : i32 to index
      %swap3A_583 = tpu.vector_load %arg11[%swap3A_581, %swap3A_582] {strides = array<i32>} : memref<2x8192xi32, #tpu.memory_space<vmem>>, vector<1x16xi32>,
      %swap3A_584 = vector.shape_cast %swap3A_583 : vector<1x16xi32> to vector<16xi32>
      %swap3A_585 = vector.shape_cast %select_n3A_579 : vector<16xi32> to vector<1x16xi32>
      tpu.vector_store %arg11[%swap3A_581, %swap3A_582], %swap3A_585 {strides = array<i32>} : memref<2x8192xi32, #tpu.memory_space<vmem>>, vector<1x16xi32>,
      %scan3A_586 = arith.constant 0 : i32
      %scan3A_587 = arith.constant 6 : i32
      %scan3A_588 = arith.addi %scan3A_442, %scan3A_587 : i32
      %mul3A_589 = arith.constant 16 : i32
      %mul3A_590 = arith.muli %scan3A_588, %mul3A_589 : i32
      %get3A_591 = arith.constant 0 : i32
      %get3A_592 = arith.index_cast %get3A_591 : i32 to index
      %get3A_593 = arith.index_cast %mul3A_590 : i32 to index
      %get3A_594 = tpu.vector_load %arg9[%get3A_592, %get3A_593] {strides = array<i32>} : memref<2x8192xf32, #tpu.memory_space<vmem>>, vector<1x16xf32>,
      %get3A_595 = vector.shape_cast %get3A_594 : vector<1x16xf32> to vector<16xf32>
      %get3A_596 = arith.index_cast %mul3A_590 : i32 to index
      %get3A_597 = tpu.vector_load %arg10[%get3A_596] {strides = array<i32>} : memref<8192xf32, #tpu.memory_space<vmem>>, vector<16xf32>,
      %get3A_598 = vector.shape_cast %get3A_597 : vector<16xf32> to vector<16xf32>
      %gt3A_599 = arith.cmpf ogt, %get3A_595, %get3A_598 : vector<16xf32>
      %broadcast_in_dim3A_600 = arith.constant 1 : i32
      %broadcast_in_dim3A_601 = vector.broadcast %broadcast_in_dim3A_600 : i32 to vector<16xi32>
      %broadcast_in_dim3A_602 = arith.constant 0 : i32
      %broadcast_in_dim3A_603 = vector.broadcast %broadcast_in_dim3A_602 : i32 to vector<16xi32>
      %select_n3A_604 = arith.select %gt3A_599, %broadcast_in_dim3A_601, %broadcast_in_dim3A_603 : vector<16xi1>, vector<16xi32>
      %swap3A_605 = arith.constant 0 : i32
      %swap3A_606 = arith.index_cast %swap3A_605 : i32 to index
      %swap3A_607 = arith.index_cast %mul3A_590 : i32 to index
      %swap3A_608 = tpu.vector_load %arg11[%swap3A_606, %swap3A_607] {strides = array<i32>} : memref<2x8192xi32, #tpu.memory_space<vmem>>, vector<1x16xi32>,
      %swap3A_609 = vector.shape_cast %swap3A_608 : vector<1x16xi32> to vector<16xi32>
      %swap3A_610 = vector.shape_cast %select_n3A_604 : vector<16xi32> to vector<1x16xi32>
      tpu.vector_store %arg11[%swap3A_606, %swap3A_607], %swap3A_610 {strides = array<i32>} : memref<2x8192xi32, #tpu.memory_space<vmem>>, vector<1x16xi32>,
      %scan3A_611 = arith.constant 0 : i32
      %scan3A_612 = arith.constant 7 : i32
      %scan3A_613 = arith.addi %scan3A_442, %scan3A_612 : i32
      %mul3A_614 = arith.constant 16 : i32
      %mul3A_615 = arith.muli %scan3A_613, %mul3A_614 : i32
      %get3A_616 = arith.constant 0 : i32
      %get3A_617 = arith.index_cast %get3A_616 : i32 to index
      %get3A_618 = arith.index_cast %mul3A_615 : i32 to index
      %get3A_619 = tpu.vector_load %arg9[%get3A_617, %get3A_618] {strides = array<i32>} : memref<2x8192xf32, #tpu.memory_space<vmem>>, vector<1x16xf32>,
      %get3A_620 = vector.shape_cast %get3A_619 : vector<1x16xf32> to vector<16xf32>
      %get3A_621 = arith.index_cast %mul3A_615 : i32 to index
      %get3A_622 = tpu.vector_load %arg10[%get3A_621] {strides = array<i32>} : memref<8192xf32, #tpu.memory_space<vmem>>, vector<16xf32>,
      %get3A_623 = vector.shape_cast %get3A_622 : vector<16xf32> to vector<16xf32>
      %gt3A_624 = arith.cmpf ogt, %get3A_620, %get3A_623 : vector<16xf32>
      %broadcast_in_dim3A_625 = arith.constant 1 : i32
      %broadcast_in_dim3A_626 = vector.broadcast %broadcast_in_dim3A_625 : i32 to vector<16xi32>
      %broadcast_in_dim3A_627 = arith.constant 0 : i32
      %broadcast_in_dim3A_628 = vector.broadcast %broadcast_in_dim3A_627 : i32 to vector<16xi32>
      %select_n3A_629 = arith.select %gt3A_624, %broadcast_in_dim3A_626, %broadcast_in_dim3A_628 : vector<16xi1>, vector<16xi32>
      %swap3A_630 = arith.constant 0 : i32
      %swap3A_631 = arith.index_cast %swap3A_630 : i32 to index
      %swap3A_632 = arith.index_cast %mul3A_615 : i32 to index
      %swap3A_633 = tpu.vector_load %arg11[%swap3A_631, %swap3A_632] {strides = array<i32>} : memref<2x8192xi32, #tpu.memory_space<vmem>>, vector<1x16xi32>,
      %swap3A_634 = vector.shape_cast %swap3A_633 : vector<1x16xi32> to vector<16xi32>
      %swap3A_635 = vector.shape_cast %select_n3A_629 : vector<16xi32> to vector<1x16xi32>
      tpu.vector_store %arg11[%swap3A_631, %swap3A_632], %swap3A_635 {strides = array<i32>} : memref<2x8192xi32, #tpu.memory_space<vmem>>, vector<1x16xi32>,
      %scan3A_636 = arith.constant 0 : i32
      scf.yield %scan3A_636 : i32
    }
    %scan3A_370 = arith.constant 512 : i32
    %add3A_371 = arith.constant 49152 : i32
    %add3A_372 = arith.addi %mul3A_2, %add3A_371 : i32
    %dma_start3A_373 = arith.constant 0 : i32
    %dma_start3A_374 = arith.constant 0 : i32
    %dma_start3A_375 = tpu.memref_slice %arg11[%dma_start3A_373, %dma_start3A_374] : memref<2x8192xi32, #tpu.memory_space<vmem>> -> memref<1x8192xi32, #tpu.memory_space<vmem>>
    %dma_start3A_376 = tpu.memref_squeeze %dma_start3A_375 : memref<1x8192xi32, #tpu.memory_space<vmem>> -> memref<8192xi32, #tpu.memory_space<vmem>>
    %dma_start3A_377 = tpu.memref_slice %arg5[%add3A_372] : memref<2097152xi32, #tpu.memory_space<hbm>> -> memref<8192xi32, #tpu.memory_space<hbm>>
    %dma_start3A_378 = tpu.memref_slice %arg5[%add3A_372] : memref<2097152xi32, #tpu.memory_space<hbm>> -> memref<8192xi32, #tpu.memory_space<hbm>>
    %dma_start3A_379 = arith.constant 0 : i32
    %dma_start3A_380 = tpu.memref_slice %arg11[%dma_start3A_373, %dma_start3A_379] : memref<2x8192xi32, #tpu.memory_space<vmem>> -> memref<1x8192xi32, #tpu.memory_space<vmem>>
    %dma_start3A_381 = tpu.memref_squeeze %dma_start3A_380 : memref<1x8192xi32, #tpu.memory_space<vmem>> -> memref<8192xi32, #tpu.memory_space<vmem>>
    tpu.enqueue_dma source(%dma_start3A_381 : memref<8192xi32, #tpu.memory_space<vmem>>) target(%dma_start3A_378 : memref<8192xi32, #tpu.memory_space<hbm>>) target_semaphore(%arg14 : memref<!tpu.dma_semaphore, #tpu.memory_space<semaphore_mem>>)
    %dma_wait3A_382 = tpu.memref_slice %arg2[%mul3A_2] : memref<2097152xi32, #tpu.memory_space<hbm>> -> memref<8192xi32, #tpu.memory_space<hbm>>
    %dma_wait3A_383 = tpu.memref_slice %arg2[%mul3A_2] : memref<2097152xi32, #tpu.memory_space<hbm>> -> memref<8192xi32, #tpu.memory_space<hbm>>
    tpu.wait_dma2 semaphore(%arg12 : memref<!tpu.dma_semaphore, #tpu.memory_space<semaphore_mem>>) src(%dma_wait3A_383 : memref<8192xi32, #tpu.memory_space<hbm>>) dst(%arg8 : memref<8192xi32, #tpu.memory_space<vmem>>)
    %dma_wait3A_384 = arith.constant 1 : i32
    %dma_wait3A_385 = arith.constant 0 : i32
    %dma_wait3A_386 = tpu.memref_slice %arg9[%dma_wait3A_384, %dma_wait3A_385] : memref<2x8192xf32, #tpu.memory_space<vmem>> -> memref<1x8192xf32, #tpu.memory_space<vmem>>
    %dma_wait3A_387 = tpu.memref_squeeze %dma_wait3A_386 : memref<1x8192xf32, #tpu.memory_space<vmem>> -> memref<8192xf32, #tpu.memory_space<vmem>>
    %dma_wait3A_388 = tpu.memref_slice %arg3[%mul3A_2] : memref<2097152xf32, #tpu.memory_space<hbm>> -> memref<8192xf32, #tpu.memory_space<hbm>>
    %dma_wait3A_389 = arith.constant 0 : i32
    %dma_wait3A_390 = tpu.memref_slice %arg9[%dma_wait3A_384, %dma_wait3A_389] : memref<2x8192xf32, #tpu.memory_space<vmem>> -> memref<1x8192xf32, #tpu.memory_space<vmem>>
    %dma_wait3A_391 = tpu.memref_squeeze %dma_wait3A_390 : memref<1x8192xf32, #tpu.memory_space<vmem>> -> memref<8192xf32, #tpu.memory_space<vmem>>
    %dma_wait3A_392 = tpu.memref_slice %arg3[%mul3A_2] : memref<2097152xf32, #tpu.memory_space<hbm>> -> memref<8192xf32, #tpu.memory_space<hbm>>
    tpu.wait_dma2 semaphore(%arg12 : memref<!tpu.dma_semaphore, #tpu.memory_space<semaphore_mem>>) src(%dma_wait3A_392 : memref<8192xf32, #tpu.memory_space<hbm>>) dst(%dma_wait3A_391 : memref<8192xf32, #tpu.memory_space<vmem>>)
    %dma_start3A_393 = arith.constant 0 : i32
    %dma_start3A_394 = tpu.memref_slice %arg6[%dma_start3A_393] : memref<262144xf32, #tpu.memory_space<vmem_shared>> -> memref<262144xf32, #tpu.memory_space<vmem_shared>>
    tpu.enqueue_indirect_dma source(%dma_start3A_394 : memref<262144xf32, #tpu.memory_space<vmem_shared>>) target(%arg10 : memref<8192xf32, #tpu.memory_space<vmem>>) offsets(%arg8 : memref<8192xi32, #tpu.memory_space<vmem>>) semaphore(%arg13 : memref<!tpu.dma_semaphore, #tpu.memory_space<semaphore_mem>>)
    %dma_wait3A_395 = arith.constant 0 : i32
    %dma_wait3A_396 = tpu.memref_slice %arg6[%dma_wait3A_395] : memref<262144xf32, #tpu.memory_space<vmem_shared>> -> memref<262144xf32, #tpu.memory_space<vmem_shared>>
    tpu.wait_indirect_dma semaphore(%arg13 : memref<!tpu.dma_semaphore, #tpu.memory_space<semaphore_mem>>) src(%dma_wait3A_396 : memref<262144xf32, #tpu.memory_space<vmem_shared>>) dst(%arg10 : memref<8192xf32, #tpu.memory_space<vmem>>)
    %dma_wait3A_397 = arith.constant 1 : i32
    %dma_wait3A_398 = arith.constant 0 : i32
    %dma_wait3A_399 = tpu.memref_slice %arg11[%dma_wait3A_397, %dma_wait3A_398] : memref<2x8192xi32, #tpu.memory_space<vmem>> -> memref<1x8192xi32, #tpu.memory_space<vmem>>
    %dma_wait3A_400 = tpu.memref_squeeze %dma_wait3A_399 : memref<1x8192xi32, #tpu.memory_space<vmem>> -> memref<8192xi32, #tpu.memory_space<vmem>>
    %dma_wait3A_401 = tpu.memref_slice %arg5[%mul3A_2] : memref<2097152xi32, #tpu.memory_space<hbm>> -> memref<8192xi32, #tpu.memory_space<hbm>>
    %dma_wait3A_402 = tpu.memref_slice %arg5[%mul3A_2] : memref<2097152xi32, #tpu.memory_space<hbm>> -> memref<8192xi32, #tpu.memory_space<hbm>>
    %dma_wait3A_403 = arith.constant 0 : i32
    %dma_wait3A_404 = tpu.memref_slice %arg11[%dma_wait3A_397, %dma_wait3A_403] : memref<2x8192xi32, #tpu.memory_space<vmem>> -> memref<1x8192xi32, #tpu.memory_space<vmem>>
    %dma_wait3A_405 = tpu.memref_squeeze %dma_wait3A_404 : memref<1x8192xi32, #tpu.memory_space<vmem>> -> memref<8192xi32, #tpu.memory_space<vmem>>
    tpu.wait_dma2 semaphore(%arg14 : memref<!tpu.dma_semaphore, #tpu.memory_space<semaphore_mem>>) src(%dma_wait3A_405 : memref<8192xi32, #tpu.memory_space<vmem>>) dst(%dma_wait3A_402 : memref<8192xi32, #tpu.memory_space<hbm>>)
    %scan3A_406 = arith.constant 0 : i32
    %scan3A_407 = arith.constant 0 : i32
    %scan3A_408 = arith.constant 512 : i32
    %scan3A_409 = arith.addi %scan3A_407, %scan3A_408 : i32
    %scan3A_410 = arith.constant 8 : i32
    %scan3A_411 = scf.for %scan3A_442 = %scan3A_407 to %scan3A_409 step %scan3A_410 iter_args(%scan3A_443 = %scan3A_406) -> (i32)  : i32 {
      %mul3A_444 = arith.constant 16 : i32
      %mul3A_445 = arith.muli %scan3A_442, %mul3A_444 : i32
      %get3A = arith.constant 1 : i32
      %get3A_446 = arith.index_cast %get3A : i32 to index
      %get3A_447 = arith.index_cast %mul3A_445 : i32 to index
      %get3A_448 = tpu.vector_load %arg9[%get3A_446, %get3A_447] {strides = array<i32>} : memref<2x8192xf32, #tpu.memory_space<vmem>>, vector<1x16xf32>,
      %get3A_449 = vector.shape_cast %get3A_448 : vector<1x16xf32> to vector<16xf32>
      %get3A_450 = arith.index_cast %mul3A_445 : i32 to index
      %get3A_451 = tpu.vector_load %arg10[%get3A_450] {strides = array<i32>} : memref<8192xf32, #tpu.memory_space<vmem>>, vector<16xf32>,
      %get3A_452 = vector.shape_cast %get3A_451 : vector<16xf32> to vector<16xf32>
      %gt3A = arith.cmpf ogt, %get3A_449, %get3A_452 : vector<16xf32>
      %broadcast_in_dim3A = arith.constant 1 : i32
      %broadcast_in_dim3A_453 = vector.broadcast %broadcast_in_dim3A : i32 to vector<16xi32>
      %broadcast_in_dim3A_454 = arith.constant 0 : i32
      %broadcast_in_dim3A_455 = vector.broadcast %broadcast_in_dim3A_454 : i32 to vector<16xi32>
      %select_n3A = arith.select %gt3A, %broadcast_in_dim3A_453, %broadcast_in_dim3A_455 : vector<16xi1>, vector<16xi32>
      %swap3A = arith.constant 1 : i32
      %swap3A_456 = arith.index_cast %swap3A : i32 to index
      %swap3A_457 = arith.index_cast %mul3A_445 : i32 to index
      %swap3A_458 = tpu.vector_load %arg11[%swap3A_456, %swap3A_457] {strides = array<i32>} : memref<2x8192xi32, #tpu.memory_space<vmem>>, vector<1x16xi32>,
      %swap3A_459 = vector.shape_cast %swap3A_458 : vector<1x16xi32> to vector<16xi32>
      %swap3A_460 = vector.shape_cast %select_n3A : vector<16xi32> to vector<1x16xi32>
      tpu.vector_store %arg11[%swap3A_456, %swap3A_457], %swap3A_460 {strides = array<i32>} : memref<2x8192xi32, #tpu.memory_space<vmem>>, vector<1x16xi32>,
      %scan3A_461 = arith.constant 0 : i32
      %scan3A_462 = arith.constant 1 : i32
      %scan3A_463 = arith.addi %scan3A_442, %scan3A_462 : i32
      %mul3A_464 = arith.constant 16 : i32
      %mul3A_465 = arith.muli %scan3A_463, %mul3A_464 : i32
      %get3A_466 = arith.constant 1 : i32
      %get3A_467 = arith.index_cast %get3A_466 : i32 to index
      %get3A_468 = arith.index_cast %mul3A_465 : i32 to index
      %get3A_469 = tpu.vector_load %arg9[%get3A_467, %get3A_468] {strides = array<i32>} : memref<2x8192xf32, #tpu.memory_space<vmem>>, vector<1x16xf32>,
      %get3A_470 = vector.shape_cast %get3A_469 : vector<1x16xf32> to vector<16xf32>
      %get3A_471 = arith.index_cast %mul3A_465 : i32 to index
      %get3A_472 = tpu.vector_load %arg10[%get3A_471] {strides = array<i32>} : memref<8192xf32, #tpu.memory_space<vmem>>, vector<16xf32>,
      %get3A_473 = vector.shape_cast %get3A_472 : vector<16xf32> to vector<16xf32>
      %gt3A_474 = arith.cmpf ogt, %get3A_470, %get3A_473 : vector<16xf32>
      %broadcast_in_dim3A_475 = arith.constant 1 : i32
      %broadcast_in_dim3A_476 = vector.broadcast %broadcast_in_dim3A_475 : i32 to vector<16xi32>
      %broadcast_in_dim3A_477 = arith.constant 0 : i32
      %broadcast_in_dim3A_478 = vector.broadcast %broadcast_in_dim3A_477 : i32 to vector<16xi32>
      %select_n3A_479 = arith.select %gt3A_474, %broadcast_in_dim3A_476, %broadcast_in_dim3A_478 : vector<16xi1>, vector<16xi32>
      %swap3A_480 = arith.constant 1 : i32
      %swap3A_481 = arith.index_cast %swap3A_480 : i32 to index
      %swap3A_482 = arith.index_cast %mul3A_465 : i32 to index
      %swap3A_483 = tpu.vector_load %arg11[%swap3A_481, %swap3A_482] {strides = array<i32>} : memref<2x8192xi32, #tpu.memory_space<vmem>>, vector<1x16xi32>,
      %swap3A_484 = vector.shape_cast %swap3A_483 : vector<1x16xi32> to vector<16xi32>
      %swap3A_485 = vector.shape_cast %select_n3A_479 : vector<16xi32> to vector<1x16xi32>
      tpu.vector_store %arg11[%swap3A_481, %swap3A_482], %swap3A_485 {strides = array<i32>} : memref<2x8192xi32, #tpu.memory_space<vmem>>, vector<1x16xi32>,
      %scan3A_486 = arith.constant 0 : i32
      %scan3A_487 = arith.constant 2 : i32
      %scan3A_488 = arith.addi %scan3A_442, %scan3A_487 : i32
      %mul3A_489 = arith.constant 16 : i32
      %mul3A_490 = arith.muli %scan3A_488, %mul3A_489 : i32
      %get3A_491 = arith.constant 1 : i32
      %get3A_492 = arith.index_cast %get3A_491 : i32 to index
      %get3A_493 = arith.index_cast %mul3A_490 : i32 to index
      %get3A_494 = tpu.vector_load %arg9[%get3A_492, %get3A_493] {strides = array<i32>} : memref<2x8192xf32, #tpu.memory_space<vmem>>, vector<1x16xf32>,
      %get3A_495 = vector.shape_cast %get3A_494 : vector<1x16xf32> to vector<16xf32>
      %get3A_496 = arith.index_cast %mul3A_490 : i32 to index
      %get3A_497 = tpu.vector_load %arg10[%get3A_496] {strides = array<i32>} : memref<8192xf32, #tpu.memory_space<vmem>>, vector<16xf32>,
      %get3A_498 = vector.shape_cast %get3A_497 : vector<16xf32> to vector<16xf32>
      %gt3A_499 = arith.cmpf ogt, %get3A_495, %get3A_498 : vector<16xf32>
      %broadcast_in_dim3A_500 = arith.constant 1 : i32
      %broadcast_in_dim3A_501 = vector.broadcast %broadcast_in_dim3A_500 : i32 to vector<16xi32>
      %broadcast_in_dim3A_502 = arith.constant 0 : i32
      %broadcast_in_dim3A_503 = vector.broadcast %broadcast_in_dim3A_502 : i32 to vector<16xi32>
      %select_n3A_504 = arith.select %gt3A_499, %broadcast_in_dim3A_501, %broadcast_in_dim3A_503 : vector<16xi1>, vector<16xi32>
      %swap3A_505 = arith.constant 1 : i32
      %swap3A_506 = arith.index_cast %swap3A_505 : i32 to index
      %swap3A_507 = arith.index_cast %mul3A_490 : i32 to index
      %swap3A_508 = tpu.vector_load %arg11[%swap3A_506, %swap3A_507] {strides = array<i32>} : memref<2x8192xi32, #tpu.memory_space<vmem>>, vector<1x16xi32>,
      %swap3A_509 = vector.shape_cast %swap3A_508 : vector<1x16xi32> to vector<16xi32>
      %swap3A_510 = vector.shape_cast %select_n3A_504 : vector<16xi32> to vector<1x16xi32>
      tpu.vector_store %arg11[%swap3A_506, %swap3A_507], %swap3A_510 {strides = array<i32>} : memref<2x8192xi32, #tpu.memory_space<vmem>>, vector<1x16xi32>,
      %scan3A_511 = arith.constant 0 : i32
      %scan3A_512 = arith.constant 3 : i32
      %scan3A_513 = arith.addi %scan3A_442, %scan3A_512 : i32
      %mul3A_514 = arith.constant 16 : i32
      %mul3A_515 = arith.muli %scan3A_513, %mul3A_514 : i32
      %get3A_516 = arith.constant 1 : i32
      %get3A_517 = arith.index_cast %get3A_516 : i32 to index
      %get3A_518 = arith.index_cast %mul3A_515 : i32 to index
      %get3A_519 = tpu.vector_load %arg9[%get3A_517, %get3A_518] {strides = array<i32>} : memref<2x8192xf32, #tpu.memory_space<vmem>>, vector<1x16xf32>,
      %get3A_520 = vector.shape_cast %get3A_519 : vector<1x16xf32> to vector<16xf32>
      %get3A_521 = arith.index_cast %mul3A_515 : i32 to index
      %get3A_522 = tpu.vector_load %arg10[%get3A_521] {strides = array<i32>} : memref<8192xf32, #tpu.memory_space<vmem>>, vector<16xf32>,
      %get3A_523 = vector.shape_cast %get3A_522 : vector<16xf32> to vector<16xf32>
      %gt3A_524 = arith.cmpf ogt, %get3A_520, %get3A_523 : vector<16xf32>
      %broadcast_in_dim3A_525 = arith.constant 1 : i32
      %broadcast_in_dim3A_526 = vector.broadcast %broadcast_in_dim3A_525 : i32 to vector<16xi32>
      %broadcast_in_dim3A_527 = arith.constant 0 : i32
      %broadcast_in_dim3A_528 = vector.broadcast %broadcast_in_dim3A_527 : i32 to vector<16xi32>
      %select_n3A_529 = arith.select %gt3A_524, %broadcast_in_dim3A_526, %broadcast_in_dim3A_528 : vector<16xi1>, vector<16xi32>
      %swap3A_530 = arith.constant 1 : i32
      %swap3A_531 = arith.index_cast %swap3A_530 : i32 to index
      %swap3A_532 = arith.index_cast %mul3A_515 : i32 to index
      %swap3A_533 = tpu.vector_load %arg11[%swap3A_531, %swap3A_532] {strides = array<i32>} : memref<2x8192xi32, #tpu.memory_space<vmem>>, vector<1x16xi32>,
      %swap3A_534 = vector.shape_cast %swap3A_533 : vector<1x16xi32> to vector<16xi32>
      %swap3A_535 = vector.shape_cast %select_n3A_529 : vector<16xi32> to vector<1x16xi32>
      tpu.vector_store %arg11[%swap3A_531, %swap3A_532], %swap3A_535 {strides = array<i32>} : memref<2x8192xi32, #tpu.memory_space<vmem>>, vector<1x16xi32>,
      %scan3A_536 = arith.constant 0 : i32
      %scan3A_537 = arith.constant 4 : i32
      %scan3A_538 = arith.addi %scan3A_442, %scan3A_537 : i32
      %mul3A_539 = arith.constant 16 : i32
      %mul3A_540 = arith.muli %scan3A_538, %mul3A_539 : i32
      %get3A_541 = arith.constant 1 : i32
      %get3A_542 = arith.index_cast %get3A_541 : i32 to index
      %get3A_543 = arith.index_cast %mul3A_540 : i32 to index
      %get3A_544 = tpu.vector_load %arg9[%get3A_542, %get3A_543] {strides = array<i32>} : memref<2x8192xf32, #tpu.memory_space<vmem>>, vector<1x16xf32>,
      %get3A_545 = vector.shape_cast %get3A_544 : vector<1x16xf32> to vector<16xf32>
      %get3A_546 = arith.index_cast %mul3A_540 : i32 to index
      %get3A_547 = tpu.vector_load %arg10[%get3A_546] {strides = array<i32>} : memref<8192xf32, #tpu.memory_space<vmem>>, vector<16xf32>,
      %get3A_548 = vector.shape_cast %get3A_547 : vector<16xf32> to vector<16xf32>
      %gt3A_549 = arith.cmpf ogt, %get3A_545, %get3A_548 : vector<16xf32>
      %broadcast_in_dim3A_550 = arith.constant 1 : i32
      %broadcast_in_dim3A_551 = vector.broadcast %broadcast_in_dim3A_550 : i32 to vector<16xi32>
      %broadcast_in_dim3A_552 = arith.constant 0 : i32
      %broadcast_in_dim3A_553 = vector.broadcast %broadcast_in_dim3A_552 : i32 to vector<16xi32>
      %select_n3A_554 = arith.select %gt3A_549, %broadcast_in_dim3A_551, %broadcast_in_dim3A_553 : vector<16xi1>, vector<16xi32>
      %swap3A_555 = arith.constant 1 : i32
      %swap3A_556 = arith.index_cast %swap3A_555 : i32 to index
      %swap3A_557 = arith.index_cast %mul3A_540 : i32 to index
      %swap3A_558 = tpu.vector_load %arg11[%swap3A_556, %swap3A_557] {strides = array<i32>} : memref<2x8192xi32, #tpu.memory_space<vmem>>, vector<1x16xi32>,
      %swap3A_559 = vector.shape_cast %swap3A_558 : vector<1x16xi32> to vector<16xi32>
      %swap3A_560 = vector.shape_cast %select_n3A_554 : vector<16xi32> to vector<1x16xi32>
      tpu.vector_store %arg11[%swap3A_556, %swap3A_557], %swap3A_560 {strides = array<i32>} : memref<2x8192xi32, #tpu.memory_space<vmem>>, vector<1x16xi32>,
      %scan3A_561 = arith.constant 0 : i32
      %scan3A_562 = arith.constant 5 : i32
      %scan3A_563 = arith.addi %scan3A_442, %scan3A_562 : i32
      %mul3A_564 = arith.constant 16 : i32
      %mul3A_565 = arith.muli %scan3A_563, %mul3A_564 : i32
      %get3A_566 = arith.constant 1 : i32
      %get3A_567 = arith.index_cast %get3A_566 : i32 to index
      %get3A_568 = arith.index_cast %mul3A_565 : i32 to index
      %get3A_569 = tpu.vector_load %arg9[%get3A_567, %get3A_568] {strides = array<i32>} : memref<2x8192xf32, #tpu.memory_space<vmem>>, vector<1x16xf32>,
      %get3A_570 = vector.shape_cast %get3A_569 : vector<1x16xf32> to vector<16xf32>
      %get3A_571 = arith.index_cast %mul3A_565 : i32 to index
      %get3A_572 = tpu.vector_load %arg10[%get3A_571] {strides = array<i32>} : memref<8192xf32, #tpu.memory_space<vmem>>, vector<16xf32>,
      %get3A_573 = vector.shape_cast %get3A_572 : vector<16xf32> to vector<16xf32>
      %gt3A_574 = arith.cmpf ogt, %get3A_570, %get3A_573 : vector<16xf32>
      %broadcast_in_dim3A_575 = arith.constant 1 : i32
      %broadcast_in_dim3A_576 = vector.broadcast %broadcast_in_dim3A_575 : i32 to vector<16xi32>
      %broadcast_in_dim3A_577 = arith.constant 0 : i32
      %broadcast_in_dim3A_578 = vector.broadcast %broadcast_in_dim3A_577 : i32 to vector<16xi32>
      %select_n3A_579 = arith.select %gt3A_574, %broadcast_in_dim3A_576, %broadcast_in_dim3A_578 : vector<16xi1>, vector<16xi32>
      %swap3A_580 = arith.constant 1 : i32
      %swap3A_581 = arith.index_cast %swap3A_580 : i32 to index
      %swap3A_582 = arith.index_cast %mul3A_565 : i32 to index
      %swap3A_583 = tpu.vector_load %arg11[%swap3A_581, %swap3A_582] {strides = array<i32>} : memref<2x8192xi32, #tpu.memory_space<vmem>>, vector<1x16xi32>,
      %swap3A_584 = vector.shape_cast %swap3A_583 : vector<1x16xi32> to vector<16xi32>
      %swap3A_585 = vector.shape_cast %select_n3A_579 : vector<16xi32> to vector<1x16xi32>
      tpu.vector_store %arg11[%swap3A_581, %swap3A_582], %swap3A_585 {strides = array<i32>} : memref<2x8192xi32, #tpu.memory_space<vmem>>, vector<1x16xi32>,
      %scan3A_586 = arith.constant 0 : i32
      %scan3A_587 = arith.constant 6 : i32
      %scan3A_588 = arith.addi %scan3A_442, %scan3A_587 : i32
      %mul3A_589 = arith.constant 16 : i32
      %mul3A_590 = arith.muli %scan3A_588, %mul3A_589 : i32
      %get3A_591 = arith.constant 1 : i32
      %get3A_592 = arith.index_cast %get3A_591 : i32 to index
      %get3A_593 = arith.index_cast %mul3A_590 : i32 to index
      %get3A_594 = tpu.vector_load %arg9[%get3A_592, %get3A_593] {strides = array<i32>} : memref<2x8192xf32, #tpu.memory_space<vmem>>, vector<1x16xf32>,
      %get3A_595 = vector.shape_cast %get3A_594 : vector<1x16xf32> to vector<16xf32>
      %get3A_596 = arith.index_cast %mul3A_590 : i32 to index
      %get3A_597 = tpu.vector_load %arg10[%get3A_596] {strides = array<i32>} : memref<8192xf32, #tpu.memory_space<vmem>>, vector<16xf32>,
      %get3A_598 = vector.shape_cast %get3A_597 : vector<16xf32> to vector<16xf32>
      %gt3A_599 = arith.cmpf ogt, %get3A_595, %get3A_598 : vector<16xf32>
      %broadcast_in_dim3A_600 = arith.constant 1 : i32
      %broadcast_in_dim3A_601 = vector.broadcast %broadcast_in_dim3A_600 : i32 to vector<16xi32>
      %broadcast_in_dim3A_602 = arith.constant 0 : i32
      %broadcast_in_dim3A_603 = vector.broadcast %broadcast_in_dim3A_602 : i32 to vector<16xi32>
      %select_n3A_604 = arith.select %gt3A_599, %broadcast_in_dim3A_601, %broadcast_in_dim3A_603 : vector<16xi1>, vector<16xi32>
      %swap3A_605 = arith.constant 1 : i32
      %swap3A_606 = arith.index_cast %swap3A_605 : i32 to index
      %swap3A_607 = arith.index_cast %mul3A_590 : i32 to index
      %swap3A_608 = tpu.vector_load %arg11[%swap3A_606, %swap3A_607] {strides = array<i32>} : memref<2x8192xi32, #tpu.memory_space<vmem>>, vector<1x16xi32>,
      %swap3A_609 = vector.shape_cast %swap3A_608 : vector<1x16xi32> to vector<16xi32>
      %swap3A_610 = vector.shape_cast %select_n3A_604 : vector<16xi32> to vector<1x16xi32>
      tpu.vector_store %arg11[%swap3A_606, %swap3A_607], %swap3A_610 {strides = array<i32>} : memref<2x8192xi32, #tpu.memory_space<vmem>>, vector<1x16xi32>,
      %scan3A_611 = arith.constant 0 : i32
      %scan3A_612 = arith.constant 7 : i32
      %scan3A_613 = arith.addi %scan3A_442, %scan3A_612 : i32
      %mul3A_614 = arith.constant 16 : i32
      %mul3A_615 = arith.muli %scan3A_613, %mul3A_614 : i32
      %get3A_616 = arith.constant 1 : i32
      %get3A_617 = arith.index_cast %get3A_616 : i32 to index
      %get3A_618 = arith.index_cast %mul3A_615 : i32 to index
      %get3A_619 = tpu.vector_load %arg9[%get3A_617, %get3A_618] {strides = array<i32>} : memref<2x8192xf32, #tpu.memory_space<vmem>>, vector<1x16xf32>,
      %get3A_620 = vector.shape_cast %get3A_619 : vector<1x16xf32> to vector<16xf32>
      %get3A_621 = arith.index_cast %mul3A_615 : i32 to index
      %get3A_622 = tpu.vector_load %arg10[%get3A_621] {strides = array<i32>} : memref<8192xf32, #tpu.memory_space<vmem>>, vector<16xf32>,
      %get3A_623 = vector.shape_cast %get3A_622 : vector<16xf32> to vector<16xf32>
      %gt3A_624 = arith.cmpf ogt, %get3A_620, %get3A_623 : vector<16xf32>
      %broadcast_in_dim3A_625 = arith.constant 1 : i32
      %broadcast_in_dim3A_626 = vector.broadcast %broadcast_in_dim3A_625 : i32 to vector<16xi32>
      %broadcast_in_dim3A_627 = arith.constant 0 : i32
      %broadcast_in_dim3A_628 = vector.broadcast %broadcast_in_dim3A_627 : i32 to vector<16xi32>
      %select_n3A_629 = arith.select %gt3A_624, %broadcast_in_dim3A_626, %broadcast_in_dim3A_628 : vector<16xi1>, vector<16xi32>
      %swap3A_630 = arith.constant 1 : i32
      %swap3A_631 = arith.index_cast %swap3A_630 : i32 to index
      %swap3A_632 = arith.index_cast %mul3A_615 : i32 to index
      %swap3A_633 = tpu.vector_load %arg11[%swap3A_631, %swap3A_632] {strides = array<i32>} : memref<2x8192xi32, #tpu.memory_space<vmem>>, vector<1x16xi32>,
      %swap3A_634 = vector.shape_cast %swap3A_633 : vector<1x16xi32> to vector<16xi32>
      %swap3A_635 = vector.shape_cast %select_n3A_629 : vector<16xi32> to vector<1x16xi32>
      tpu.vector_store %arg11[%swap3A_631, %swap3A_632], %swap3A_635 {strides = array<i32>} : memref<2x8192xi32, #tpu.memory_space<vmem>>, vector<1x16xi32>,
      %scan3A_636 = arith.constant 0 : i32
      scf.yield %scan3A_636 : i32
    }
    %scan3A_412 = arith.constant 512 : i32
    %add3A_413 = arith.constant 57344 : i32
    %add3A_414 = arith.addi %mul3A_2, %add3A_413 : i32
    %dma_start3A_415 = arith.constant 1 : i32
    %dma_start3A_416 = arith.constant 0 : i32
    %dma_start3A_417 = tpu.memref_slice %arg11[%dma_start3A_415, %dma_start3A_416] : memref<2x8192xi32, #tpu.memory_space<vmem>> -> memref<1x8192xi32, #tpu.memory_space<vmem>>
    %dma_start3A_418 = tpu.memref_squeeze %dma_start3A_417 : memref<1x8192xi32, #tpu.memory_space<vmem>> -> memref<8192xi32, #tpu.memory_space<vmem>>
    %dma_start3A_419 = tpu.memref_slice %arg5[%add3A_414] : memref<2097152xi32, #tpu.memory_space<hbm>> -> memref<8192xi32, #tpu.memory_space<hbm>>
    %dma_start3A_420 = tpu.memref_slice %arg5[%add3A_414] : memref<2097152xi32, #tpu.memory_space<hbm>> -> memref<8192xi32, #tpu.memory_space<hbm>>
    %dma_start3A_421 = arith.constant 0 : i32
    %dma_start3A_422 = tpu.memref_slice %arg11[%dma_start3A_415, %dma_start3A_421] : memref<2x8192xi32, #tpu.memory_space<vmem>> -> memref<1x8192xi32, #tpu.memory_space<vmem>>
    %dma_start3A_423 = tpu.memref_squeeze %dma_start3A_422 : memref<1x8192xi32, #tpu.memory_space<vmem>> -> memref<8192xi32, #tpu.memory_space<vmem>>
    tpu.enqueue_dma source(%dma_start3A_423 : memref<8192xi32, #tpu.memory_space<vmem>>) target(%dma_start3A_420 : memref<8192xi32, #tpu.memory_space<hbm>>) target_semaphore(%arg14 : memref<!tpu.dma_semaphore, #tpu.memory_space<semaphore_mem>>)
    %dma_wait3A_424 = arith.constant 0 : i32
    %dma_wait3A_425 = arith.constant 0 : i32
    %dma_wait3A_426 = tpu.memref_slice %arg11[%dma_wait3A_424, %dma_wait3A_425] : memref<2x8192xi32, #tpu.memory_space<vmem>> -> memref<1x8192xi32, #tpu.memory_space<vmem>>
    %dma_wait3A_427 = tpu.memref_squeeze %dma_wait3A_426 : memref<1x8192xi32, #tpu.memory_space<vmem>> -> memref<8192xi32, #tpu.memory_space<vmem>>
    %dma_wait3A_428 = tpu.memref_slice %arg5[%mul3A_2] : memref<2097152xi32, #tpu.memory_space<hbm>> -> memref<8192xi32, #tpu.memory_space<hbm>>
    %dma_wait3A_429 = tpu.memref_slice %arg5[%mul3A_2] : memref<2097152xi32, #tpu.memory_space<hbm>> -> memref<8192xi32, #tpu.memory_space<hbm>>
    %dma_wait3A_430 = arith.constant 0 : i32
    %dma_wait3A_431 = tpu.memref_slice %arg11[%dma_wait3A_424, %dma_wait3A_430] : memref<2x8192xi32, #tpu.memory_space<vmem>> -> memref<1x8192xi32, #tpu.memory_space<vmem>>
    %dma_wait3A_432 = tpu.memref_squeeze %dma_wait3A_431 : memref<1x8192xi32, #tpu.memory_space<vmem>> -> memref<8192xi32, #tpu.memory_space<vmem>>
    tpu.wait_dma2 semaphore(%arg14 : memref<!tpu.dma_semaphore, #tpu.memory_space<semaphore_mem>>) src(%dma_wait3A_432 : memref<8192xi32, #tpu.memory_space<vmem>>) dst(%dma_wait3A_429 : memref<8192xi32, #tpu.memory_space<hbm>>)
    %dma_wait3A_433 = arith.constant 0 : i32
    %dma_wait3A_434 = arith.constant 0 : i32
    %dma_wait3A_435 = tpu.memref_slice %arg11[%dma_wait3A_433, %dma_wait3A_434] : memref<2x8192xi32, #tpu.memory_space<vmem>> -> memref<1x8192xi32, #tpu.memory_space<vmem>>
    %dma_wait3A_436 = tpu.memref_squeeze %dma_wait3A_435 : memref<1x8192xi32, #tpu.memory_space<vmem>> -> memref<8192xi32, #tpu.memory_space<vmem>>
    %dma_wait3A_437 = tpu.memref_slice %arg5[%mul3A_2] : memref<2097152xi32, #tpu.memory_space<hbm>> -> memref<8192xi32, #tpu.memory_space<hbm>>
    %dma_wait3A_438 = tpu.memref_slice %arg5[%mul3A_2] : memref<2097152xi32, #tpu.memory_space<hbm>> -> memref<8192xi32, #tpu.memory_space<hbm>>
    %dma_wait3A_439 = arith.constant 0 : i32
    %dma_wait3A_440 = tpu.memref_slice %arg11[%dma_wait3A_433, %dma_wait3A_439] : memref<2x8192xi32, #tpu.memory_space<vmem>> -> memref<1x8192xi32, #tpu.memory_space<vmem>>
    %dma_wait3A_441 = tpu.memref_squeeze %dma_wait3A_440 : memref<1x8192xi32, #tpu.memory_space<vmem>> -> memref<8192xi32, #tpu.memory_space<vmem>>
    tpu.wait_dma2 semaphore(%arg14 : memref<!tpu.dma_semaphore, #tpu.memory_space<semaphore_mem>>) src(%dma_wait3A_441 : memref<8192xi32, #tpu.memory_space<vmem>>) dst(%dma_wait3A_438 : memref<8192xi32, #tpu.memory_space<hbm>>)
    return
  }
}

module attributes {stable_mosaic.version = 14 : i64} {
  func.func @_proj_body(%arg0: i32, %arg1: i32, %arg2: memref<1x4x4xf32, #tpu.memory_space<vmem>>, %arg3: memref<3x3xf32, #tpu.memory_space<vmem>>, %arg4: memref<1x4x16384xf32, #tpu.memory_space<vmem>>, %arg5: memref<16384xf32, #tpu.memory_space<vmem>>, %arg6: memref<16384xf32, #tpu.memory_space<vmem>>, %arg7: memref<512x512xf32, #tpu.memory_space<vmem>>, %arg8: memref<512x512xf32, #tpu.memory_space<vmem>>, %arg9: memref<16384xi32, #tpu.memory_space<vmem>>, %arg10: memref<16384xf32, #tpu.memory_space<vmem>>, %arg11: memref<512x512xf32, #tpu.memory_space<vmem>>) attributes {dimension_semantics = [#tpu.dimension_semantics<arbitrary>, #tpu.dimension_semantics<arbitrary>], iteration_bounds = array<i64: 8, 16>, scalar_prefetch = 0 : i64, scratch_operands = 0 : i64, tpu.core_type = #tpu.core_type<tc>, window_params = [{transform_indices = @transform_0, window_bounds = array<i64: 1, 4, 4>}, {pipeline_mode = #tpu.pipeline_mode<synchronous>, transform_indices = @transform_1, window_bounds = array<i64: 3, 3>}, {transform_indices = @transform_2, window_bounds = array<i64: 1, 4, 16384>}, {transform_indices = @transform_3, window_bounds = array<i64: 16384>}, {transform_indices = @transform_4, window_bounds = array<i64: 16384>}, {pipeline_mode = #tpu.pipeline_mode<synchronous>, transform_indices = @transform_5, window_bounds = array<i64: 512, 512>}, {pipeline_mode = #tpu.pipeline_mode<synchronous>, transform_indices = @transform_6, window_bounds = array<i64: 512, 512>}, {transform_indices = @transform_7, window_bounds = array<i64: 16384>}, {transform_indices = @transform_8, window_bounds = array<i64: 16384>}, {pipeline_mode = #tpu.pipeline_mode<synchronous>, transform_indices = @transform_9, window_bounds = array<i64: 512, 512>}]} {
    %get3A = arith.constant 0 : index
    %get3A_0 = arith.constant 0 : index
    %get3A_1 = arith.constant 0 : index
    %get3A_2 = vector.load %arg4[%get3A, %get3A_0, %get3A_1] : memref<1x4x16384xf32, #tpu.memory_space<vmem>>, vector<1x4x16384xf32>
    %get3A_3 = vector.shape_cast %get3A_2 : vector<1x4x16384xf32> to vector<4x16384xf32>
    %get3A_4 = arith.constant 0 : index
    %get3A_5 = arith.constant 0 : index
    %get3A_6 = arith.constant 0 : index
    %get3A_7 = vector.load %arg2[%get3A_4, %get3A_5, %get3A_6] : memref<1x4x4xf32, #tpu.memory_space<vmem>>, vector<1x4x4xf32>
    %get3A_8 = vector.shape_cast %get3A_7 : vector<1x4x4xf32> to vector<4x4xf32>
    %dot_general3A = arith.constant dense<0.000000e+00> : vector<4x16384xf32>
    %dot_general3A_9 = tpu.matmul %get3A_8, %get3A_3, %dot_general3A {dimension_numbers = #tpu.dot_dimension_numbers<[1], [0], [0], [1], [0, 0, 1, 1], [], []>, transpose_lhs_hint = false} : vector<4x4xf32>, vector<4x16384xf32>, vector<4x16384xf32> -> vector<4x16384xf32>
    %slice3A = vector.extract_strided_slice %dot_general3A_9 {offsets = [0, 0], sizes = [3, 16384], strides = [1, 1]} : vector<4x16384xf32> to vector<3x16384xf32>
    %slice3A_10 = vector.extract_strided_slice %dot_general3A_9 {offsets = [3, 0], sizes = [1, 16384], strides = [1, 1]} : vector<4x16384xf32> to vector<1x16384xf32>
    %div3A = vector.broadcast %slice3A_10 : vector<1x16384xf32> to vector<3x16384xf32>
    %div3A_11 = arith.divf %slice3A, %div3A : vector<3x16384xf32>
    %get3A_12 = arith.constant 0 : index
    %get3A_13 = arith.constant 0 : index
    %get3A_14 = vector.load %arg3[%get3A_12, %get3A_13] : memref<3x3xf32, #tpu.memory_space<vmem>>, vector<3x3xf32>
    %dot_general3A_15 = arith.constant dense<0.000000e+00> : vector<3x16384xf32>
    %dot_general3A_16 = tpu.matmul %get3A_14, %div3A_11, %dot_general3A_15 {dimension_numbers = #tpu.dot_dimension_numbers<[1], [0], [0], [1], [0, 0, 1, 1], [], []>, transpose_lhs_hint = false} : vector<3x3xf32>, vector<3x16384xf32>, vector<3x16384xf32> -> vector<3x16384xf32>
    %slice3A_17 = vector.extract_strided_slice %dot_general3A_16 {offsets = [0, 0], sizes = [2, 16384], strides = [1, 1]} : vector<3x16384xf32> to vector<2x16384xf32>
    %slice3A_18 = vector.extract_strided_slice %dot_general3A_16 {offsets = [2, 0], sizes = [1, 16384], strides = [1, 1]} : vector<3x16384xf32> to vector<1x16384xf32>
    %div3A_19 = vector.broadcast %slice3A_18 : vector<1x16384xf32> to vector<2x16384xf32>
    %div3A_20 = arith.divf %slice3A_17, %div3A_19 : vector<2x16384xf32>
    %convert_element_type3A = arith.fptosi %div3A_20 : vector<2x16384xf32> to vector<2x16384xi32>
    %slice3A_21 = vector.extract_strided_slice %convert_element_type3A {offsets = [0, 0], sizes = [1, 16384], strides = [1, 1]} : vector<2x16384xi32> to vector<1x16384xi32>
    %slice3A_22 = vector.extract_strided_slice %convert_element_type3A {offsets = [1, 0], sizes = [1, 16384], strides = [1, 1]} : vector<2x16384xi32> to vector<1x16384xi32>
    %ge3A = arith.constant 0 : i32
    %ge3A_23 = vector.broadcast %ge3A : i32 to vector<1x16384xi32>
    %ge3A_24 = arith.cmpi sge, %slice3A_21, %ge3A_23 : vector<1x16384xi32>
    %lt3A = arith.constant 512 : i32
    %lt3A_25 = vector.broadcast %lt3A : i32 to vector<1x16384xi32>
    %lt3A_26 = arith.cmpi slt, %slice3A_21, %lt3A_25 : vector<1x16384xi32>
    %and3A = arith.andi %ge3A_24, %lt3A_26 : vector<1x16384xi1>
    %ge3A_27 = arith.constant 0 : i32
    %ge3A_28 = vector.broadcast %ge3A_27 : i32 to vector<1x16384xi32>
    %ge3A_29 = arith.cmpi sge, %slice3A_22, %ge3A_28 : vector<1x16384xi32>
    %and3A_30 = arith.andi %and3A, %ge3A_29 : vector<1x16384xi1>
    %lt3A_31 = arith.constant 512 : i32
    %lt3A_32 = vector.broadcast %lt3A_31 : i32 to vector<1x16384xi32>
    %lt3A_33 = arith.cmpi slt, %slice3A_22, %lt3A_32 : vector<1x16384xi32>
    %and3A_34 = arith.andi %and3A_30, %lt3A_33 : vector<1x16384xi1>
    %jit3A = arith.constant 0 : i32
    %jit3A_35 = arith.constant 511 : i32
    %max3A = vector.broadcast %jit3A : i32 to vector<1x16384xi32>
    %max3A_36 = arith.maxsi %max3A, %slice3A_21 : vector<1x16384xi32>
    %min3A = vector.broadcast %jit3A_35 : i32 to vector<1x16384xi32>
    %min3A_37 = arith.minsi %min3A, %max3A_36 : vector<1x16384xi32>
    %jit3A_38 = arith.constant 0 : i32
    %jit3A_39 = arith.constant 511 : i32
    %max3A_40 = vector.broadcast %jit3A_38 : i32 to vector<1x16384xi32>
    %max3A_41 = arith.maxsi %max3A_40, %slice3A_22 : vector<1x16384xi32>
    %min3A_42 = vector.broadcast %jit3A_39 : i32 to vector<1x16384xi32>
    %min3A_43 = arith.minsi %min3A_42, %max3A_41 : vector<1x16384xi32>
    %get3A_44 = arith.constant 0 : index
    %get3A_45 = vector.load %arg5[%get3A_44] : memref<16384xf32, #tpu.memory_space<vmem>>, vector<16384xf32>
    %broadcast_in_dim3A = vector.shape_cast %get3A_45 : vector<16384xf32> to vector<1x16384xf32>
    %gt3A = arith.constant 0.000000e+00 : f32
    %gt3A_46 = vector.broadcast %gt3A : f32 to vector<1x16384xf32>
    %gt3A_47 = arith.cmpf ogt, %broadcast_in_dim3A, %gt3A_46 : vector<1x16384xf32>
    %and3A_48 = arith.andi %and3A_34, %gt3A_47 : vector<1x16384xi1>
    %get3A_49 = arith.constant 0 : index
    %get3A_50 = vector.load %arg6[%get3A_49] : memref<16384xf32, #tpu.memory_space<vmem>>, vector<16384xf32>
    %broadcast_in_dim3A_51 = vector.shape_cast %get3A_50 : vector<16384xf32> to vector<1x16384xf32>
    %gt3A_52 = arith.constant 5.000000e-01 : f32
    %gt3A_53 = vector.broadcast %gt3A_52 : f32 to vector<1x16384xf32>
    %gt3A_54 = arith.cmpf ogt, %broadcast_in_dim3A_51, %gt3A_53 : vector<1x16384xf32>
    %and3A_55 = arith.andi %and3A_48, %gt3A_54 : vector<1x16384xi1>
    %iota3A = tpu.iota {dimensions = array<i32: 1>} : vector<1x16384xi32>
    %and3A_56 = arith.constant 262143 : i32
    %and3A_57 = vector.broadcast %and3A_56 : i32 to vector<1x16384xi32>
    %and3A_58 = arith.andi %iota3A, %and3A_57 : vector<1x16384xi32>
    %mul3A = arith.constant 512 : i32
    %mul3A_59 = vector.broadcast %mul3A : i32 to vector<1x16384xi32>
    %mul3A_60 = arith.muli %min3A_43, %mul3A_59 : vector<1x16384xi32>
    %add3A = arith.addi %mul3A_60, %min3A_37 : vector<1x16384xi32>
    %select_n3A = arith.select %and3A_55, %add3A, %and3A_58 : vector<1x16384xi1>, vector<1x16384xi32>
    %squeeze3A = vector.shape_cast %select_n3A : vector<1x16384xi32> to vector<16384xi32>
    %swap3A = arith.constant 0 : index
    %swap3A_61 = vector.load %arg9[%swap3A] : memref<16384xi32, #tpu.memory_space<vmem>>, vector<16384xi32>
    tpu.vector_store %arg9[%swap3A], %squeeze3A {strides = array<i32>} : memref<16384xi32, #tpu.memory_space<vmem>>, vector<16384xi32>,
    %slice3A_62 = vector.extract_strided_slice %div3A_11 {offsets = [2, 0], sizes = [1, 16384], strides = [1, 1]} : vector<3x16384xf32> to vector<1x16384xf32>
    %jit3A_63 = arith.constant 0xFF800000 : f32
    %broadcast_in_dim3A_64 = vector.broadcast %jit3A_63 : f32 to vector<1x16384xf32>
    %select_n3A_65 = arith.select %and3A_55, %slice3A_62, %broadcast_in_dim3A_64 : vector<1x16384xi1>, vector<1x16384xf32>
    %squeeze3A_66 = vector.shape_cast %select_n3A_65 : vector<1x16384xf32> to vector<16384xf32>
    %swap3A_67 = arith.constant 0 : index
    %swap3A_68 = vector.load %arg10[%swap3A_67] : memref<16384xf32, #tpu.memory_space<vmem>>, vector<16384xf32>
    tpu.vector_store %arg10[%swap3A_67], %squeeze3A_66 {strides = array<i32>} : memref<16384xf32, #tpu.memory_space<vmem>>, vector<16384xf32>,
    %eq3A = arith.constant 0 : i32
    %eq3A_69 = arith.cmpi eq, %arg0, %eq3A : i32
    %eq3A_70 = arith.constant 0 : i32
    %eq3A_71 = arith.cmpi eq, %arg1, %eq3A_70 : i32
    %and3A_72 = arith.andi %eq3A_69, %eq3A_71 : i1
    %convert_element_type3A_73 = arith.extui %and3A_72 : i1 to i32
    %cond3A = arith.constant 0 : i32
    %cond3A_74 = arith.cmpi ne, %convert_element_type3A_73, %cond3A : i32
    scf.if %cond3A_74 {
      %get3A_75 = arith.constant 0 : index
      %get3A_76 = arith.constant 0 : index
      %get3A_77 = vector.load %arg7[%get3A_75, %get3A_76] : memref<512x512xf32, #tpu.memory_space<vmem>>, vector<512x512xf32>
      %gt3A_78 = arith.constant 0.000000e+00 : f32
      %gt3A_79 = vector.broadcast %gt3A_78 : f32 to vector<512x512xf32>
      %gt3A_80 = arith.cmpf ogt, %get3A_77, %gt3A_79 : vector<512x512xf32>
      %get3A_81 = arith.constant 0 : index
      %get3A_82 = arith.constant 0 : index
      %get3A_83 = vector.load %arg8[%get3A_81, %get3A_82] : memref<512x512xf32, #tpu.memory_space<vmem>>, vector<512x512xf32>
      %jit3A_84 = arith.constant 0x7F800000 : f32
      %broadcast_in_dim3A_85 = vector.broadcast %jit3A_84 : f32 to vector<512x512xf32>
      %select_n3A_86 = arith.select %gt3A_80, %get3A_83, %broadcast_in_dim3A_85 : vector<512x512xi1>, vector<512x512xf32>
      %swap3A_87 = arith.constant 0 : index
      %swap3A_88 = arith.constant 0 : index
      %swap3A_89 = vector.load %arg11[%swap3A_87, %swap3A_88] : memref<512x512xf32, #tpu.memory_space<vmem>>, vector<512x512xf32>
      tpu.vector_store %arg11[%swap3A_87, %swap3A_88], %select_n3A_86 {strides = array<i32>} : memref<512x512xf32, #tpu.memory_space<vmem>>, vector<512x512xf32>,
    } else {
    }
    return
  }
  func.func @transform_0(%arg0: i32, %arg1: i32) -> (i32, i32, i32) {
    %c0_i32 = arith.constant 0 : i32
    %c0_i32_0 = arith.constant 0 : i32
    %c0_i32_1 = arith.constant 0 : i32
    return %arg0, %c0_i32, %c0_i32_0 : i32, i32, i32
  }
  func.func @transform_1(%arg0: i32, %arg1: i32) -> (i32, i32) {
    %c0_i32 = arith.constant 0 : i32
    %c0_i32_0 = arith.constant 0 : i32
    %c0_i32_1 = arith.constant 0 : i32
    return %c0_i32, %c0_i32_0 : i32, i32
  }
  func.func @transform_2(%arg0: i32, %arg1: i32) -> (i32, i32, i32) {
    %c0_i32 = arith.constant 0 : i32
    %c0_i32_0 = arith.constant 0 : i32
    return %arg0, %c0_i32, %arg1 : i32, i32, i32
  }
  func.func @transform_3(%arg0: i32, %arg1: i32) -> i32 {
    %mul3A = arith.constant 16 : i32
    %mul3A_0 = arith.muli %arg0, %mul3A : i32
    %add3A = arith.addi %mul3A_0, %arg1 : i32
    %c0_i32 = arith.constant 0 : i32
    return %add3A : i32
  }
  func.func @transform_4(%arg0: i32, %arg1: i32) -> i32 {
    %mul3A = arith.constant 16 : i32
    %mul3A_0 = arith.muli %arg0, %mul3A : i32
    %add3A = arith.addi %mul3A_0, %arg1 : i32
    %c0_i32 = arith.constant 0 : i32
    return %add3A : i32
  }
  func.func @transform_5(%arg0: i32, %arg1: i32) -> (i32, i32) {
    %c0_i32 = arith.constant 0 : i32
    %c0_i32_0 = arith.constant 0 : i32
    %c0_i32_1 = arith.constant 0 : i32
    return %c0_i32, %c0_i32_0 : i32, i32
  }
  func.func @transform_6(%arg0: i32, %arg1: i32) -> (i32, i32) {
    %c0_i32 = arith.constant 0 : i32
    %c0_i32_0 = arith.constant 0 : i32
    %c0_i32_1 = arith.constant 0 : i32
    return %c0_i32, %c0_i32_0 : i32, i32
  }
  func.func @transform_7(%arg0: i32, %arg1: i32) -> i32 {
    %mul3A = arith.constant 16 : i32
    %mul3A_0 = arith.muli %arg0, %mul3A : i32
    %add3A = arith.addi %mul3A_0, %arg1 : i32
    %c0_i32 = arith.constant 0 : i32
    return %add3A : i32
  }
  func.func @transform_8(%arg0: i32, %arg1: i32) -> i32 {
    %mul3A = arith.constant 16 : i32
    %mul3A_0 = arith.muli %arg0, %mul3A : i32
    %add3A = arith.addi %mul3A_0, %arg1 : i32
    %c0_i32 = arith.constant 0 : i32
    return %add3A : i32
  }
  func.func @transform_9(%arg0: i32, %arg1: i32) -> (i32, i32) {
    %c0_i32 = arith.constant 0 : i32
    %c0_i32_0 = arith.constant 0 : i32
    %c0_i32_1 = arith.constant 0 : i32
    return %c0_i32, %c0_i32_0 : i32, i32
  }
}

</mosaic_0001>

<sc_bundles>
// kernel: kernel.4.cloned.1.call-start
scs
__scs_entry_jumppad:
0x0: {  	(pc) =	sbr.rel $0x88, $3  }
0x1: {  	(tag) =	ssettag $0x0;
	lr =	simm.s32 $0x1  }
0x2: {  	[smem:$0x3F99] =	sst lr;
	_ =	strace $0xD0000000  }
0x3: {  	_ = 	snop  }
0x4: {  	_ = 	snop  }
0x5: {  	_ = 	snop  }
0x6: {  	_ = 	snop  }
0x7: {  	_ = 	snop  }
__scs_overlays_trampoline_lowered:
0x8: {  	[smem:$0x3FA8] =	sst s0  }
0x9: {  	[smem:$0x3FA9] =	sst s1  }
0xa: {  	[smem:$0x3FAA] =	sst s2  }
0xb: {  	[smem:$0x3FAB] =	sst s3  }
0xc: {  	[smem:$0x3FAC] =	sst s4  }
0xd: {  	[smem:$0x3FAD] =	sst s5  }
0xe: {  	[smem:$0x3FAE] =	sst s6  }
0xf: {  	[smem:$0x3FAF] =	sst s7  }
0x10: {  	[smem:$0x3FB0] =	sst s8  }
0x11: {  	[smem:$0x3FB1] =	sst s9;
	s0 =	simm.s32 @!p0 $0x0  }
0x12: {  	s1 =	sld [smem:$0x3F97];
	s0 =	simm.s32 @p0 $0x1  }
0x13: {  	[smem:$0x3FB2] =	sst s0;
	s0 =	simm.s32 @!p1 $0x0  }
0x14: {  	s2 =	sld [smem:$0x3F96];
	s0 =	simm.s32 @p1 $0x1  }
0x15: {  	[smem:$0x3FB3] =	sst s0;
	s0 =	simm.s32 @!p2 $0x0  }
0x16: {  	s3 =	sld [smem:$0x3FDB];
	s0 =	simm.s32 @p2 $0x1  }
0x17: {  	s4 =	simm.s32 $0x1BF5;
	[smem:$0x3FB5] =	sst s0  }
0x18: {  	s0 =	sld [smem:$0x3F98];
	_ =	swait.ge [sflag:s4], $0x0  }
0x19: {  	s7 =	sld [smem:$0x3F99]  }
0x1a: {  	s8 =	sadd.s32 $0xFFFFE003, lr  }
0x1b: {  	s9 =	sadd.s32 $0xFFFFFEF7, lr;
	s5 =	simm.s32 $0xFFFFFFFF;
	p2 =	slt.u32 s8, $0xFFFFF086  }
0x1c: {  	p1 =	slt.u32 s9, $0xF7A;
	s5 =	simm.s32 @!p2 $0x0  }
0x1d: {  	s5 =	simm.s32 @p1 $0x1;
	p0 =	seq.s32 s7, s2  }
0x1e: {  	s7 =	smul.u32 @!p0 $0xF7A, s2;
	p2 =	seq.s32 @!p0 s5, $0x0  }
0x1f: {  	s9 =	smul.u32 $0xF7A, s1;
	s8 =	simm.s32 @!p0 $0x1BF5;
	p2 =	por !p2, p0  }
0x20: {  	[sflag:s8] =	ssyncset.s32 @!p0 $0xFFFFF086;
	s6 =	sadd.s32 @!p0 s3, s7;
	s7 =	simm.s32 @!p0 $0x108  }
0x21: {  	s3 =	sadd.s32 s3, s9;
	s6 =	sadd.s32 @!p0 $0x88, s6;
	s7 =	simm.s32 @p2 $0x1082  }
0x22: {  	[simem:s7], [sflag:s8] =	dma.local @!p0 [hbm:s6], $0xF7A  }
0x23: {  	s9 =	sor.u32 $0xD0000000, s2;
	s6 =	simm.s32 $0x108;
	_ =	swait.ge @!p0 [sflag:s8], $0x0  }
0x24: {  	s3 =	sadd.s32 $0x88, s3;
	s6 =	simm.s32 @!p1 $0x1082;
	[sflag:s4] =	ssyncset.s32 $0xFFFFF086  }
0x25: {  	[simem:s6], [sflag:s4] =	dma.local [hbm:s3], $0xF7A  }
0x26: {  	[smem:$0x3F99] =	sst s1;
	(tag) =	ssettag s2;
	_ =	strace s9  }
0x27: {  	s1 =	sld [smem:$0x3FA9]  }
0x28: {  	s2 =	sld [smem:$0x3FAA]  }
0x29: {  	s4 =	sld [smem:$0x3FAC]  }
0x2a: {  	p0 =	seq.s32 s5, $0x0;
	s5 =	sld [smem:$0x3FAD]  }
0x2b: {  	s6 =	sld [smem:$0x3FAE]  }
0x2c: {  	s7 =	sld [smem:$0x3FAF]  }
0x2d: {  	s3 =	simm.s32 $0x108;
	s8 =	sld [smem:$0x3FB0]  }
0x2e: {  	s3 =	simm.s32 @!p0 $0x1082;
	s9 =	sld [smem:$0x3FB1]  }
0x2f: {  	lr =	sadd.s32 s0, s3;
	s0 =	sld [smem:$0x3FA8]  }
0x30: {  	s3 =	sld [smem:$0x3FAB]  }
0x31: {  	[smem:$0x3FB4] =	sst s10  }
0x32: {  	s10 =	sld [smem:$0x3FB2];
	_ =	sdelay $0x3  }
0x33: {  	p0 =	seq.s32 s10, $0x1;
	s10 =	sld [smem:$0x3FB4];
	_ =	sdelay $0x3  }
0x34: {  	[smem:$0x3FB4] =	sst s10  }
0x35: {  	s10 =	sld [smem:$0x3FB3];
	_ =	sdelay $0x3  }
0x36: {  	p1 =	seq.s32 s10, $0x1;
	s10 =	sld [smem:$0x3FB4];
	_ =	sdelay $0x3  }
0x37: {  	[smem:$0x3FB4] =	sst s10  }
0x38: {  	s10 =	sld [smem:$0x3FB5]  }
0x39: {  	_ = 	snop;
	(pc) =	sbr.ind lr, $3  }
0x3a: {  	_ = 	snop  }
0x3b: {  	_ = 	snop  }
0x3c: {  	p2 =	seq.s32 s10, $0x1;
	s10 =	sld [smem:$0x3FB4]  }
0x3d: {  	_ =	shalt  }
0x3e: {  	_ =	shalt  }
0x3f: {  	_ =	shalt  }
0x40: {  	_ =	shalt  }
0x41: {  	_ =	shalt  }
0x42: {  	_ =	shalt  }
0x43: {  	_ =	shalt  }
0x44: {  	_ =	shalt  }
0x45: {  	_ =	shalt  }
0x46: {  	_ =	shalt  }
0x47: {  	_ =	shalt  }
0x48: {  	_ =	shalt  }
0x49: {  	_ =	shalt  }
0x4a: {  	_ =	shalt  }
0x4b: {  	_ =	shalt  }
0x4c: {  	_ =	shalt  }
0x4d: {  	_ =	shalt  }
0x4e: {  	_ =	shalt  }
0x4f: {  	_ =	shalt  }
0x50: {  	_ =	shalt  }
0x51: {  	_ =	shalt  }
0x52: {  	_ =	shalt  }
0x53: {  	_ =	shalt  }
0x54: {  	_ =	shalt  }
0x55: {  	_ =	shalt  }
0x56: {  	_ =	shalt  }
0x57: {  	_ =	shalt  }
0x58: {  	_ =	shalt  }
0x59: {  	_ =	shalt  }
0x5a: {  	_ =	shalt  }
0x5b: {  	_ =	shalt  }
0x5c: {  	_ =	shalt  }
0x5d: {  	_ =	shalt  }
0x5e: {  	_ =	shalt  }
0x5f: {  	_ =	shalt  }
0x60: {  	_ =	shalt  }
0x61: {  	_ =	shalt  }
0x62: {  	_ =	shalt  }
0x63: {  	_ =	shalt  }
0x64: {  	_ =	shalt  }
0x65: {  	_ =	shalt  }
0x66: {  	_ =	shalt  }
0x67: {  	_ =	shalt  }
0x68: {  	_ =	shalt  }
0x69: {  	_ =	shalt  }
0x6a: {  	_ =	shalt  }
0x6b: {  	_ =	shalt  }
0x6c: {  	_ =	shalt  }
0x6d: {  	_ =	shalt  }
0x6e: {  	_ =	shalt  }
0x6f: {  	_ =	shalt  }
0x70: {  	_ =	shalt  }
0x71: {  	_ =	shalt  }
0x72: {  	_ =	shalt  }
0x73: {  	_ =	shalt  }
0x74: {  	_ =	shalt  }
0x75: {  	_ =	shalt  }
0x76: {  	_ =	shalt  }
0x77: {  	_ =	shalt  }
0x78: {  	_ =	shalt  }
0x79: {  	_ =	shalt  }
0x7a: {  	_ =	shalt  }
0x7b: {  	_ =	shalt  }
0x7c: {  	_ =	shalt  }
0x7d: {  	_ =	shalt  }
0x7e: {  	_ =	shalt  }
0x7f: {  	_ =	shalt  }
0x80: {  	_ =	shalt  }
0x81: {  	_ =	shalt  }
0x82: {  	_ =	shalt  }
0x83: {  	_ =	shalt  }
0x84: {  	_ =	shalt  }
0x85: {  	_ =	shalt  }
0x86: {  	_ =	shalt  }
0x87: {  	_ =	shalt  }
.Lfunc_end0:
.L_simem_size_0:
called_computation_lowered:
.L_overlay_start_0:
0x88: {  	s2 =	sld [smem:$0x3FD9]  }
0x89: {  	s3 =	sld [smem:$0x3FFE];
	_ =	sdelay $0x1  }
0x8a: {  	s1 =	srdreg.scid  }
0x8b: {  	s0 =	sand.u32 $0x1, s1  }
0x8c: {  	s17 =	sshll.u32 s0, $0xA;
	s2 =	sadd.s32 s3, s2  }
0x8d: {  	s2 =	sadd.s32 s2, s17  }
0x8e: {  	[smem:$0x3FC0] =	sst s2  }
0x8f: {  	_ = 	snop  }
0x90: {  	s2 =	sld [smem:$0x3FD0];
	(tm) =	ssettm $0x1  }
0x91: {  	s18 =	sld [smem:$0x3FFB];
	_ =	sdelay $0x3  }
0x92: {  	_ =	strace s18  }
0x93: {  	s3 =	sld [smem:$0x3FFC];
	_ =	sdelay $0x3  }
0x94: {  	_ =	strace s3  }
0x95: {  	s3 =	sld [smem:$0x3FFD];
	_ =	sdelay $0x3  }
0x96: {  	_ =	strace s3  }
0x97: {  	_ =	strace $0x8FFFFFFF  }
0x98: {  	s19 =	sld [smem:$0x3FDB];
	_ =	sdelay $0x1  }
0x99: {  	s4 =	simm.s32 $_scs_section_size  }
0x9a: {  	s5 =	simm.s32 $_size__tile_overlayer_lowered;
	s6 =	simm.s32 $_tile_overlayer_lowered  }
0x9b: {  	s22 =	simm.s32 $0x1BFF;
	s21 =	sshll.u32 s6, $0x1;
	s3 =	sadd.s32 s4, s19  }
0x9c: {  	s7 =	simm.s32 $0x0;
	s20 =	sshll.u32 s5, $0x1;
	s5 =	sadd.s32 s21, s3  }
0x9d: {  	[timem:s7], [sflag:s22] =	dma.local [hbm:s5], s20  }
0x9e: {  	_ =	swait.ge [sflag:s22], s20  }
0x9f: {  	s4 =	ssub.s32 $0x0, s20;
	[sflag:s22] =	ssyncset.done $0x0  }
0xa0: {  	[sflag:s22] =	ssyncadd.s32 s4;
	_ =	sdelay $0x1  }
0xa1: {  	s23 =	simm.s32 $0x1B8B  }
0xa2: {  	_ =	swait.ge [sflag:s23], $0x1  }
0xa3: {  	[sflag:s23] =	ssyncset.done $0x0  }
0xa4: {  	s25 =	simm.s32 $0x1B8E;
	s24 =	sld [smem:$0x3FFE];
	[sflag:s23] =	ssyncadd.s32 $0xFFFFFFFF  }
0xa5: {  	s26 =	simm.s32 $execute0_lowered;
	[smem:$0x3FD2] =	sst s25  }
0xa6: {  	s5 =	sshll.u32 s26, $0x1;
	_ =	strace $0x80000046;
	[dreg:$0x1] =	wrdreg $0xFFFFFFFF  }
0xa7: {  	s28 =	simm.s32 $_size_execute0_lowered;
	s3 =	sadd.s32 s3, s5;
	[dreg:$0x0] =	wrdreg $0x0  }
0xa8: {  	s5 =	sshll.u32 s28, $0x1;
	[dreg:$0x2] =	wrdreg s3  }
0xa9: {  	[dreg:$0x3] =	wrdreg s5  }
0xaa: {  	[dreg:$0x4] =	wrdreg $0xC0  }
0xab: {  	_ =	task [dreg:s7], $0x5FFFF  }
0xac: {  	[dreg:$0x1] =	wrdreg $0xFFFFFFFF  }
0xad: {  	[dreg:$0x0] =	wrdreg $0x60  }
0xae: {  	[dreg:$0x2] =	wrdreg s24  }
0xaf: {  	[dreg:$0x3] =	wrdreg s2  }
0xb0: {  	[dreg:$0x4] =	wrdreg $0x0  }
0xb1: {  	[dreg:$0x5] =	wrdreg $0x9  }
0xb2: {  	_ =	task.clear_ibuf [dreg:s7], $0x6FFFF;
	_ =	strace $0x90000046  }
0xb3: {  	s29 =	simm.s32 $0x9;
	_ =	strace $0x80000048  }
0xb4: {  	_ =	swait.ge [sflag:s29], $0x1  }
0xb5: {  	[sflag:s29] =	ssyncadd.s32 $0xFFFFFFFF  }
0xb6: {  	_ =	strace $0x90000048  }
0xb7: {  	_ =	sfence  }
0xb8: {  	s30 =	sld [smem:$0x0];
	_ =	sdelay $0x2  }
0xb9: {  	s31 =	sshll.u32 s1, $0xD;
	s1 =	sshrl.u32 s1, $0x2  }
0xba: {  	s3 =	sand.u32 $0x4000, s31;
	s1 =	sadd.s32 s1, s30  }
0xbb: {  	s0 =	sor.u32 s3, s0;
	s1 =	sshll.u32 s1, $0x11  }
0xbc: {  	s0 =	sor.u32 s1, s0  }
0xbd: {  	s0 =	sadd.s32 $0x8F2B, s0  }
0xbe: {  	[sflag:s0] =	ssyncadd.remote.s32 $0x1  }
0xbf: {  	_ =	sfence.sel $0xFFFF  }
0xc0: {  	[dreg:$0x0] =	wrdreg $0xFFFFFFFF;
	(pc) =	sbr.abs _section_cstart, $3  }
0xc1: {  	[dreg:$0x1] =	wrdreg $0xFFFFFFFF  }
0xc2: {  	_ =	task.clear_ibuf [dreg:s7], $0x2FFFF;
	_ =	strace $0x9FFFFFFF  }
0xc3: {  	(tm) =	ssettm $0x7FFFFFFF  }
tec
execute0_lowered:
.L_overlay_start_1:
0x0: {  	(tag) =	ssettag $0x1  }
0x1: {  	s1 =	rddreg [dreg:$0x0];
	s0 =	simm.s32 $0x0;
	s2 =	srdreg.scid  }
0x2: {  	s9 =	stileid.u32;
	s23 =	rddreg [dreg:$0x2];
	s31 =	simm.s32 $0x6000  }
0x3: {  	s21 =	simm.s32 $0x1;
	[smem:$0x7FF] =	sst s0;
	s3 =	sadd.s32 $0x1800, s1  }
0x4: {  	s2 =	sand.u32 $0x1, s2;
	s6 =	sadd.s32 $0x41800, s1;
	s7 =	sshll.u32 s9, $0xE  }
0x5: {  	s1 =	sadd.s32 $0x81800, s1;
	s4 =	ssub.s32 $0x2, s2;
	s2 =	sshll.u32 s2, $0xD  }
0x6: {  	p0 =	sne.s32 s9, $0x0;
	s5 =	sshrl.u32 s4, $0x1;
	s15 =	sor.u32 s2, s7  }
0x7: {  	s9 =	simm.s32 $0x0;
	s12 =	ssub.s32 s4, s5;
	s2 =	sadd.s32 s3, s15  }
0x8: {  	s8 =	sor.u32 $0x400, s15;
	s11 =	sor.u32 $0x800, s15;
	s5 =	sadd.s32 s1, s15  }
0x9: {  	s14 =	sor.u32 $0xC00, s15;
	s17 =	sor.u32 $0x1000, s15;
	s18 =	sor.u32 $0x1400, s15  }
0xa: {  	s19 =	sor.u32 $0x1800, s15;
	[dreg:$0x4] =	wrdreg s2;
	s2 =	sadd.s32 s6, s15  }
0xb: {  	s26 =	sadd.s32 s3, s8;
	s4 =	sadd.s32 s6, s8;
	s29 =	sadd.s32 s3, s11  }
0xc: {  	s7 =	sadd.s32 s6, s11;
	s8 =	sadd.s32 s1, s8;
	s10 =	sadd.s32 s3, s14  }
0xd: {  	s11 =	sadd.s32 s1, s11;
	s13 =	sadd.s32 s3, s17;
	[dreg:$0x5] =	wrdreg s26  }
0xe: {  	s16 =	sadd.s32 s3, s18;
	s15 =	sor.u32 $0x1C00, s15;
	[dreg:$0x6] =	wrdreg s29  }
0xf: {  	s20 =	sadd.s32 s3, s19;
	s24 =	sadd.s32 s6, s19;
	[dreg:$0x7] =	wrdreg s10  }
0x10: {  	s30 =	smax.u32 s12, $0x1;
	s10 =	sadd.s32 s6, s14;
	[dreg:$0x8] =	wrdreg s13  }
0x11: {  	s13 =	sadd.s32 s6, s17;
	s14 =	sadd.s32 s1, s14;
	[dreg:$0x9] =	wrdreg s16  }
0x12: {  	s16 =	sadd.s32 s6, s18;
	s17 =	sadd.s32 s1, s17;
	s18 =	sadd.s32 s1, s18  }
0x13: {  	[dreg:$0xa] =	wrdreg s20;
	s3 =	sadd.s32 s3, s15;
	s25 =	sadd.s32 s6, s15  }
0x14: {  	s26 =	sadd.s32 s1, s19;
	s28 =	sadd.s32 s1, s15;
	s19 =	simm.s32 $0x2000  }
0x15: {  	s1 =	simm.s32 $0xC000;
	s6 =	simm.s32 $0x3;
	[dreg:$0xb] =	wrdreg s3  }
0x16: {  	v0 =	vimm.s32 $0x0;
	s3 =	simm.s32 $0x2;
	_ =	strace $0x80000047;
	[dreg:$0xc] =	wrdreg s30  }
.LBB2_1:
0x17: {  	s12 =	sshrl.u32 @!p0 s23, $0x3;
	s15 =	simm.s32 @!p0 $0x1C04;
	s20 =	rddreg [dreg:$0x1]  }
0x18: {  	[spmem:s12], [sflag:s15] =	dma.local @!p0 [hbm:s20], $0x8000  }
0x19: {  	s12 =	simm.s32 @!p0 $0x4  }
0x1a: {  	_ =	swait.ge @!p0 [sflag:s12], $0x8000  }
0x1b: {  	[sflag:s12] =	ssyncset.done @!p0 $0x0  }
0x1c: {  	s30 =	simm.s32 $0x4000;
	[sflag:s12] =	ssyncadd.s32 @!p0 $0xFFFF8000  }
0x1d: {  	s22 =	sadd.s32 $0x0, s2;
	s15 =	simm.s32 $0x10;
	[bflag:$0x0] =	sbarrier.arrive $0xFFFF  }
0x1e: {  	s20 =	simm.s32 $0x8100;
	s12 =	simm.s32 $0x8000;
	s29 =	rddreg [dreg:$0x4]  }
0x1f: {  	[tilespmem:s30], [sflag:$0x1] =	stream.linear.gather [hbm4b:s29+s0], $0x2000, $0x38;
	[tilespmem:$0x12000] =	vst v63  }
.LBB2_2:
0x20: {  	[tilespmem:s12], [sflag:$0x1] =	stream.linear.gather [hbm4b:s22+s0], $0x80, $0x38;
	[tilespmem:$0x12000] =	vst v63  }
0x21: {  	s22 =	smov.u32 s15;
	s12 =	smov.u32 s20;
	p1 =	sne.s32 s15, $0x3F0  }
.Ltmp0:
0x22: {  	s15 =	sadd.s32 $0x10, s15;
	(pc) =	sbr.rel @p1 .LBB2_2-.Ltmp0, $2  }
0x23: {  	_ =	sdelay $0x2  }
0x24: {  	s20 =	sadd.s32 $0x100, s20;
	s22 =	sadd.s32 s22, s2  }
0x25: {  	[tilespmem:s12], [sflag:$0x1] =	stream.linear.gather [hbm4b:s22+s0], $0x80, $0x38;
	[tilespmem:$0x12000] =	vst v63  }
0x26: {  	s30 =	simm.s32 $0x0;
	s15 =	rddreg [dreg:$0x5];
	s12 =	simm.s32 $0x8080  }
0x27: {  	[tilespmem:s31], [sflag:$0x1] =	stream.linear.gather [hbm4b:s15+s30], $0x2000, $0x38;
	[tilespmem:$0x12000] =	vst v63  }
0x28: {  	s22 =	sadd.s32 $0x0, s4;
	s20 =	simm.s32 $0x8180;
	s15 =	simm.s32 $0x10  }
.LBB2_4:
0x29: {  	[tilespmem:s12], [sflag:$0x1] =	stream.linear.gather [hbm4b:s22+s0], $0x80, $0x38;
	[tilespmem:$0x12000] =	vst v63  }
0x2a: {  	s22 =	smov.u32 s15;
	s12 =	smov.u32 s20;
	p1 =	sne.s32 s15, $0x3F0  }
.Ltmp1:
0x2b: {  	s15 =	sadd.s32 $0x10, s15;
	(pc) =	sbr.rel @p1 .LBB2_4-.Ltmp1, $2  }
0x2c: {  	_ =	sdelay $0x2  }
0x2d: {  	s20 =	sadd.s32 $0x100, s20;
	s22 =	sadd.s32 s22, s4  }
0x2e: {  	[tilespmem:s12], [sflag:$0x1] =	stream.linear.gather [hbm4b:s22+s0], $0x80, $0x38;
	[tilespmem:$0x12000] =	vst v63  }
0x2f: {  	_ =	swait.ge [sflag:s21], $0x2000  }
0x30: {  	[sflag:s21] =	ssyncset.done $0x0  }
0x31: {  	[sflag:s21] =	ssyncadd.s32 $0xFFFFE000  }
0x32: {  	_ =	swait.ge [sflag:s21], $0x2000  }
0x33: {  	[sflag:s21] =	ssyncset.done $0x0  }
0x34: {  	s22 =	simm.s32 $0x4000;
	[sflag:s21] =	ssyncadd.s32 $0xFFFFE000  }
0x35: {  	[tilespmem:s1], [sflag:$0x2] =	stream.indirect.gather [spmem:s23], $0x1, s22, s19, $0xb8;
	[tilespmem:$0x12000] =	vst v63  }
0x36: {  	_ =	swait.ge [sflag:s3], $0x2000  }
0x37: {  	[sflag:s3] =	ssyncset.done $0x0  }
0x38: {  	s12 =	simm.s32 $0x8040;
	[sflag:s3] =	ssyncadd.s32 $0xFFFFE000  }
0x39: {  	s15 =	simm.s32 $0xC040;
	v1 =	vld [tilespmem:s12+$0xFFFFFFC0]  }
0x3a: {  	v2 =	vld [tilespmem:s15+$0xFFFFFFC0];
	_ =	sdelay $0x4  }
0x3b: {  	vm0 =	vgt.f32 v1, v2  }
0x3c: {  	s20 =	simm.s32 $0xE040;
	v1 =	vsel vm0, $0x1, v0  }
0x3d: {  	[tilespmem:s20+$0xFFFFFFC0] =	vst v1  }
0x3e: {  	v1 =	vld [tilespmem:s12+$0xFFFFFFD0]  }
0x3f: {  	v2 =	vld [tilespmem:s15+$0xFFFFFFD0];
	_ =	sdelay $0x4  }
0x40: {  	vm10 =	vgt.f32 v1, v2  }
0x41: {  	v1 =	vsel vm10, $0x1, v0  }
0x42: {  	[tilespmem:s20+$0xFFFFFFD0] =	vst v1  }
0x43: {  	v1 =	vld [tilespmem:s12+$0xFFFFFFE0]  }
0x44: {  	v2 =	vld [tilespmem:s15+$0xFFFFFFE0];
	_ =	sdelay $0x4  }
0x45: {  	vm11 =	vgt.f32 v1, v2  }
0x46: {  	v1 =	vsel vm11, $0x1, v0  }
0x47: {  	[tilespmem:s20+$0xFFFFFFE0] =	vst v1  }
0x48: {  	v1 =	vld [tilespmem:s12+$0xFFFFFFF0]  }
0x49: {  	v2 =	vld [tilespmem:s15+$0xFFFFFFF0];
	_ =	sdelay $0x4  }
0x4a: {  	vm12 =	vgt.f32 v1, v2  }
0x4b: {  	v1 =	vsel vm12, $0x1, v0  }
0x4c: {  	[tilespmem:s20+$0xFFFFFFF0] =	vst v1  }
0x4d: {  	v1 =	vld [tilespmem:s12+$0x0]  }
0x4e: {  	v2 =	vld [tilespmem:s15+$0x0];
	_ =	sdelay $0x4  }
0x4f: {  	vm13 =	vgt.f32 v1, v2  }
0x50: {  	v1 =	vsel vm13, $0x1, v0  }
0x51: {  	[tilespmem:s20+$0x0] =	vst v1  }
0x52: {  	v1 =	vld [tilespmem:s12+$0x10]  }
0x53: {  	v2 =	vld [tilespmem:s15+$0x10];
	_ =	sdelay $0x4  }
0x54: {  	vm14 =	vgt.f32 v1, v2  }
0x55: {  	v1 =	vsel vm14, $0x1, v0  }
0x56: {  	[tilespmem:s20+$0x10] =	vst v1  }
0x57: {  	v1 =	vld [tilespmem:s12+$0x20]  }
0x58: {  	v2 =	vld [tilespmem:s15+$0x20];
	_ =	sdelay $0x4  }
0x59: {  	vm15 =	vgt.f32 v1, v2  }
0x5a: {  	v1 =	vsel vm15, $0x1, v0  }
0x5b: {  	[tilespmem:s20+$0x20] =	vst v1  }
0x5c: {  	s29 =	simm.s32 $0x0;
	s30 =	simm.s32 $0xC0C0;
	s22 =	simm.s32 $0xE040;
	v1 =	vld [tilespmem:s12+$0x30]  }
.LBB2_6:
0x5d: {  	s29 =	sadd.s32 $0x8, s29;
	v2 =	vld [tilespmem:s15+$0x30];
	s20 =	sadd.s32 $0x100, s20;
	s12 =	sadd.s32 $0x100, s12  }
0x5e: {  	s15 =	smov.u32 s30;
	p1 =	slt.u32 s29, $0x1F8;
	_ =	sdelay $0x3  }
0x5f: {  	vm0 =	vgt.f32 v1, v2  }
0x60: {  	v1 =	vsel vm0, $0x1, v0  }
0x61: {  	[tilespmem:s22+$0x30] =	vst v1;
	s22 =	smov.u32 s20  }
0x62: {  	v1 =	vld [tilespmem:s12+$0xFFFFFFC0]  }
0x63: {  	v2 =	vld [tilespmem:s30+$0xFFFFFFC0];
	_ =	sdelay $0x4  }
0x64: {  	vm0 =	vgt.f32 v1, v2  }
0x65: {  	v1 =	vsel vm0, $0x1, v0  }
0x66: {  	[tilespmem:s20+$0xFFFFFFC0] =	vst v1  }
0x67: {  	v1 =	vld [tilespmem:s12+$0xFFFFFFD0]  }
0x68: {  	v2 =	vld [tilespmem:s30+$0xFFFFFFD0];
	_ =	sdelay $0x4  }
0x69: {  	vm0 =	vgt.f32 v1, v2  }
0x6a: {  	v1 =	vsel vm0, $0x1, v0  }
0x6b: {  	[tilespmem:s20+$0xFFFFFFD0] =	vst v1  }
0x6c: {  	v1 =	vld [tilespmem:s12+$0xFFFFFFE0]  }
0x6d: {  	v2 =	vld [tilespmem:s30+$0xFFFFFFE0];
	_ =	sdelay $0x4  }
0x6e: {  	vm0 =	vgt.f32 v1, v2  }
0x6f: {  	v1 =	vsel vm0, $0x1, v0  }
0x70: {  	[tilespmem:s20+$0xFFFFFFE0] =	vst v1  }
0x71: {  	v1 =	vld [tilespmem:s12+$0xFFFFFFF0]  }
0x72: {  	v2 =	vld [tilespmem:s30+$0xFFFFFFF0];
	_ =	sdelay $0x4  }
0x73: {  	vm0 =	vgt.f32 v1, v2  }
0x74: {  	v1 =	vsel vm0, $0x1, v0  }
0x75: {  	[tilespmem:s20+$0xFFFFFFF0] =	vst v1  }
0x76: {  	v1 =	vld [tilespmem:s12+$0x0]  }
0x77: {  	v2 =	vld [tilespmem:s30+$0x0];
	_ =	sdelay $0x4  }
0x78: {  	vm0 =	vgt.f32 v1, v2  }
0x79: {  	v1 =	vsel vm0, $0x1, v0  }
0x7a: {  	[tilespmem:s20+$0x0] =	vst v1  }
0x7b: {  	v1 =	vld [tilespmem:s12+$0x10]  }
0x7c: {  	v2 =	vld [tilespmem:s30+$0x10];
	_ =	sdelay $0x4  }
0x7d: {  	vm0 =	vgt.f32 v1, v2  }
0x7e: {  	v1 =	vsel vm0, $0x1, v0  }
0x7f: {  	[tilespmem:s20+$0x10] =	vst v1  }
0x80: {  	v1 =	vld [tilespmem:s12+$0x20]  }
0x81: {  	v2 =	vld [tilespmem:s30+$0x20];
	_ =	sdelay $0x3  }
.Ltmp2:
0x82: {  	(pc) =	sbr.rel @p1 .LBB2_6-.Ltmp2, $4  }
0x83: {  	vm0 =	vgt.f32 v1, v2  }
0x84: {  	v1 =	vsel vm0, $0x1, v0  }
0x85: {  	[tilespmem:s20+$0x20] =	vst v1  }
0x86: {  	s30 =	sadd.s32 $0x80, s30;
	v1 =	vld [tilespmem:s12+$0x30]  }
0x87: {  	v2 =	vld [tilespmem:s15+$0x30];
	_ =	sdelay $0x4  }
0x88: {  	vm0 =	vgt.f32 v1, v2  }
0x89: {  	s12 =	simm.s32 $0xE000;
	v1 =	vsel vm0, $0x1, v0  }
0x8a: {  	s15 =	simm.s32 $0x10;
	s20 =	simm.s32 $0xE100;
	[tilespmem:s22+$0x30] =	vst v1;
	s22 =	sadd.s32 $0x0, s5  }
.LBB2_8:
0x8b: {  	[hbm4b:s22+s0] =	stream.linear.scatter [tilespmem:s12], [sflag:$0x3], $0x80, $0x38;
	[tilespmem:$0x12000] =	vst v63  }
0x8c: {  	s22 =	smov.u32 s15;
	s12 =	smov.u32 s20;
	p1 =	sne.s32 s15, $0x3F0  }
.Ltmp3:
0x8d: {  	s15 =	sadd.s32 $0x10, s15;
	(pc) =	sbr.rel @p1 .LBB2_8-.Ltmp3, $2  }
0x8e: {  	_ =	sdelay $0x2  }
0x8f: {  	s20 =	sadd.s32 $0x100, s20;
	s22 =	sadd.s32 s22, s5  }
0x90: {  	[hbm4b:s22+s0] =	stream.linear.scatter [tilespmem:s12], [sflag:$0x3], $0x80, $0x38;
	[tilespmem:$0x12000] =	vst v63  }
0x91: {  	s30 =	simm.s32 $0x0  }
0x92: {  	s15 =	rddreg [dreg:$0x6];
	s20 =	simm.s32 $0x4000;
	s12 =	simm.s32 $0x8000  }
0x93: {  	[tilespmem:s20], [sflag:$0x1] =	stream.linear.gather [hbm4b:s15+s30], $0x2000, $0x38;
	[tilespmem:$0x12000] =	vst v63  }
0x94: {  	s22 =	sadd.s32 $0x0, s7;
	s15 =	simm.s32 $0x10;
	s20 =	simm.s32 $0x8100  }
.LBB2_10:
0x95: {  	[tilespmem:s12], [sflag:$0x1] =	stream.linear.gather [hbm4b:s22+s0], $0x80, $0x38;
	[tilespmem:$0x12000] =	vst v63  }
0x96: {  	s22 =	smov.u32 s15;
	s12 =	smov.u32 s20;
	p1 =	sne.s32 s15, $0x3F0  }
.Ltmp4:
0x97: {  	s15 =	sadd.s32 $0x10, s15;
	(pc) =	sbr.rel @p1 .LBB2_10-.Ltmp4, $2  }
0x98: {  	_ =	sdelay $0x2  }
0x99: {  	s20 =	sadd.s32 $0x100, s20;
	s22 =	sadd.s32 s22, s7  }
0x9a: {  	[tilespmem:s12], [sflag:$0x1] =	stream.linear.gather [hbm4b:s22+s0], $0x80, $0x38;
	[tilespmem:$0x12000] =	vst v63  }
0x9b: {  	_ =	swait.ge [sflag:s21], $0x2000  }
0x9c: {  	[sflag:s21] =	ssyncset.done $0x0  }
0x9d: {  	[sflag:s21] =	ssyncadd.s32 $0xFFFFE000  }
0x9e: {  	_ =	swait.ge [sflag:s21], $0x2000  }
0x9f: {  	[sflag:s21] =	ssyncset.done $0x0  }
0xa0: {  	[sflag:s21] =	ssyncadd.s32 $0xFFFFE000  }
0xa1: {  	[tilespmem:s1], [sflag:$0x2] =	stream.indirect.gather [spmem:s23], $0x1, s31, s19, $0xb8;
	[tilespmem:$0x12000] =	vst v63  }
0xa2: {  	_ =	swait.ge [sflag:s3], $0x2000  }
0xa3: {  	[sflag:s3] =	ssyncset.done $0x0  }
0xa4: {  	s12 =	simm.s32 $0x80F0;
	[sflag:s3] =	ssyncadd.s32 $0xFFFFE000  }
0xa5: {  	s15 =	simm.s32 $0xC040;
	v1 =	vld [tilespmem:s12+$0xFFFFFF90]  }
0xa6: {  	v2 =	vld [tilespmem:s15+$0xFFFFFFC0];
	_ =	sdelay $0x4  }
0xa7: {  	vm0 =	vgt.f32 v1, v2  }
0xa8: {  	s20 =	simm.s32 $0xE0F0;
	v1 =	vsel vm0, $0x1, v0  }
0xa9: {  	[tilespmem:s20+$0xFFFFFF90] =	vst v1  }
0xaa: {  	v1 =	vld [tilespmem:s12+$0xFFFFFFA0]  }
0xab: {  	v2 =	vld [tilespmem:s15+$0xFFFFFFD0];
	_ =	sdelay $0x4  }
0xac: {  	vm10 =	vgt.f32 v1, v2  }
0xad: {  	v1 =	vsel vm10, $0x1, v0  }
0xae: {  	[tilespmem:s20+$0xFFFFFFA0] =	vst v1  }
0xaf: {  	v1 =	vld [tilespmem:s12+$0xFFFFFFB0]  }
0xb0: {  	v2 =	vld [tilespmem:s15+$0xFFFFFFE0];
	_ =	sdelay $0x4  }
0xb1: {  	vm11 =	vgt.f32 v1, v2  }
0xb2: {  	v1 =	vsel vm11, $0x1, v0  }
0xb3: {  	[tilespmem:s20+$0xFFFFFFB0] =	vst v1  }
0xb4: {  	v1 =	vld [tilespmem:s12+$0xFFFFFFC0]  }
0xb5: {  	v2 =	vld [tilespmem:s15+$0xFFFFFFF0];
	_ =	sdelay $0x4  }
0xb6: {  	vm12 =	vgt.f32 v1, v2  }
0xb7: {  	v1 =	vsel vm12, $0x1, v0  }
0xb8: {  	[tilespmem:s20+$0xFFFFFFC0] =	vst v1  }
0xb9: {  	v1 =	vld [tilespmem:s12+$0xFFFFFFD0]  }
0xba: {  	v2 =	vld [tilespmem:s15+$0x0];
	_ =	sdelay $0x4  }
0xbb: {  	vm13 =	vgt.f32 v1, v2  }
0xbc: {  	v1 =	vsel vm13, $0x1, v0  }
0xbd: {  	[tilespmem:s20+$0xFFFFFFD0] =	vst v1  }
0xbe: {  	v1 =	vld [tilespmem:s12+$0xFFFFFFE0]  }
0xbf: {  	v2 =	vld [tilespmem:s15+$0x10];
	_ =	sdelay $0x4  }
0xc0: {  	vm14 =	vgt.f32 v1, v2  }
0xc1: {  	v1 =	vsel vm14, $0x1, v0  }
0xc2: {  	[tilespmem:s20+$0xFFFFFFE0] =	vst v1  }
0xc3: {  	v1 =	vld [tilespmem:s12+$0xFFFFFFF0]  }
0xc4: {  	v2 =	vld [tilespmem:s15+$0x20];
	_ =	sdelay $0x4  }
0xc5: {  	vm15 =	vgt.f32 v1, v2  }
0xc6: {  	v1 =	vsel vm15, $0x1, v0  }
0xc7: {  	[tilespmem:s20+$0xFFFFFFF0] =	vst v1  }
0xc8: {  	s29 =	simm.s32 $0x0;
	s30 =	simm.s32 $0xC0C0;
	s22 =	simm.s32 $0xE0F0;
	v1 =	vld [tilespmem:s12+$0x0]  }
.LBB2_12:
0xc9: {  	s29 =	sadd.s32 $0x8, s29;
	v2 =	vld [tilespmem:s15+$0x30];
	s12 =	sadd.s32 $0x100, s12;
	s20 =	sadd.s32 $0x100, s20  }
0xca: {  	s15 =	smov.u32 s30;
	p1 =	slt.u32 s29, $0x1F8;
	_ =	sdelay $0x3  }
0xcb: {  	vm0 =	vgt.f32 v1, v2  }
0xcc: {  	v1 =	vsel vm0, $0x1, v0  }
0xcd: {  	[tilespmem:s22+$0x0] =	vst v1;
	s22 =	smov.u32 s20  }
0xce: {  	v1 =	vld [tilespmem:s12+$0xFFFFFF90]  }
0xcf: {  	v2 =	vld [tilespmem:s30+$0xFFFFFFC0];
	_ =	sdelay $0x4  }
0xd0: {  	vm0 =	vgt.f32 v1, v2  }
0xd1: {  	v1 =	vsel vm0, $0x1, v0  }
0xd2: {  	[tilespmem:s20+$0xFFFFFF90] =	vst v1  }
0xd3: {  	v1 =	vld [tilespmem:s12+$0xFFFFFFA0]  }
0xd4: {  	v2 =	vld [tilespmem:s30+$0xFFFFFFD0];
	_ =	sdelay $0x4  }
0xd5: {  	vm0 =	vgt.f32 v1, v2  }
0xd6: {  	v1 =	vsel vm0, $0x1, v0  }
0xd7: {  	[tilespmem:s20+$0xFFFFFFA0] =	vst v1  }
0xd8: {  	v1 =	vld [tilespmem:s12+$0xFFFFFFB0]  }
0xd9: {  	v2 =	vld [tilespmem:s30+$0xFFFFFFE0];
	_ =	sdelay $0x4  }
0xda: {  	vm0 =	vgt.f32 v1, v2  }
0xdb: {  	v1 =	vsel vm0, $0x1, v0  }
0xdc: {  	[tilespmem:s20+$0xFFFFFFB0] =	vst v1  }
0xdd: {  	v1 =	vld [tilespmem:s12+$0xFFFFFFC0]  }
0xde: {  	v2 =	vld [tilespmem:s30+$0xFFFFFFF0];
	_ =	sdelay $0x4  }
0xdf: {  	vm0 =	vgt.f32 v1, v2  }
0xe0: {  	v1 =	vsel vm0, $0x1, v0  }
0xe1: {  	[tilespmem:s20+$0xFFFFFFC0] =	vst v1  }
0xe2: {  	v1 =	vld [tilespmem:s12+$0xFFFFFFD0]  }
0xe3: {  	v2 =	vld [tilespmem:s30+$0x0];
	_ =	sdelay $0x4  }
0xe4: {  	vm0 =	vgt.f32 v1, v2  }
0xe5: {  	v1 =	vsel vm0, $0x1, v0  }
0xe6: {  	[tilespmem:s20+$0xFFFFFFD0] =	vst v1  }
0xe7: {  	v1 =	vld [tilespmem:s12+$0xFFFFFFE0]  }
0xe8: {  	v2 =	vld [tilespmem:s30+$0x10];
	_ =	sdelay $0x4  }
0xe9: {  	vm0 =	vgt.f32 v1, v2  }
0xea: {  	v1 =	vsel vm0, $0x1, v0  }
0xeb: {  	[tilespmem:s20+$0xFFFFFFE0] =	vst v1  }
0xec: {  	v1 =	vld [tilespmem:s12+$0xFFFFFFF0]  }
0xed: {  	v2 =	vld [tilespmem:s30+$0x20];
	_ =	sdelay $0x3  }
.Ltmp5:
0xee: {  	(pc) =	sbr.rel @p1 .LBB2_12-.Ltmp5, $4  }
0xef: {  	vm0 =	vgt.f32 v1, v2  }
0xf0: {  	v1 =	vsel vm0, $0x1, v0  }
0xf1: {  	[tilespmem:s20+$0xFFFFFFF0] =	vst v1  }
0xf2: {  	s30 =	sadd.s32 $0x80, s30;
	v1 =	vld [tilespmem:s12+$0x0]  }
0xf3: {  	v2 =	vld [tilespmem:s15+$0x30];
	_ =	sdelay $0x4  }
0xf4: {  	vm0 =	vgt.f32 v1, v2  }
0xf5: {  	s12 =	simm.s32 $0xE080;
	v1 =	vsel vm0, $0x1, v0  }
0xf6: {  	s15 =	simm.s32 $0x10;
	s20 =	simm.s32 $0xE180;
	[tilespmem:s22+$0x0] =	vst v1;
	s22 =	sadd.s32 $0x0, s8  }
.LBB2_14:
0xf7: {  	[hbm4b:s22+s0] =	stream.linear.scatter [tilespmem:s12], [sflag:$0x3], $0x80, $0x38;
	[tilespmem:$0x12000] =	vst v63  }
0xf8: {  	s22 =	smov.u32 s15;
	s12 =	smov.u32 s20;
	p1 =	sne.s32 s15, $0x3F0  }
.Ltmp6:
0xf9: {  	s15 =	sadd.s32 $0x10, s15;
	(pc) =	sbr.rel @p1 .LBB2_14-.Ltmp6, $2  }
0xfa: {  	_ =	sdelay $0x2  }
0xfb: {  	s20 =	sadd.s32 $0x100, s20;
	s22 =	sadd.s32 s22, s8  }
0xfc: {  	[hbm4b:s22+s0] =	stream.linear.scatter [tilespmem:s12], [sflag:$0x3], $0x80, $0x38;
	[tilespmem:$0x12000] =	vst v63  }
0xfd: {  	s30 =	simm.s32 $0x0;
	s15 =	rddreg [dreg:$0x7];
	s12 =	simm.s32 $0x8080  }
0xfe: {  	[tilespmem:s31], [sflag:$0x1] =	stream.linear.gather [hbm4b:s15+s30], $0x2000, $0x38;
	[tilespmem:$0x12000] =	vst v63  }
0xff: {  	s22 =	sadd.s32 $0x0, s10;
	s20 =	simm.s32 $0x8180;
	s15 =	simm.s32 $0x10  }
.LBB2_16:
0x100: {  	[tilespmem:s12], [sflag:$0x1] =	stream.linear.gather [hbm4b:s22+s0], $0x80, $0x38;
	[tilespmem:$0x12000] =	vst v63  }
0x101: {  	s22 =	smov.u32 s15;
	s12 =	smov.u32 s20;
	p1 =	sne.s32 s15, $0x3F0  }
.Ltmp7:
0x102: {  	s15 =	sadd.s32 $0x10, s15;
	(pc) =	sbr.rel @p1 .LBB2_16-.Ltmp7, $2  }
0x103: {  	_ =	sdelay $0x2  }
0x104: {  	s20 =	sadd.s32 $0x100, s20;
	s22 =	sadd.s32 s22, s10  }
0x105: {  	[tilespmem:s12], [sflag:$0x1] =	stream.linear.gather [hbm4b:s22+s0], $0x80, $0x38;
	[tilespmem:$0x12000] =	vst v63  }
0x106: {  	_ =	swait.ge [sflag:s21], $0x2000  }
0x107: {  	[sflag:s21] =	ssyncset.done $0x0  }
0x108: {  	[sflag:s21] =	ssyncadd.s32 $0xFFFFE000  }
0x109: {  	_ =	swait.ge [sflag:s21], $0x2000  }
0x10a: {  	[sflag:s21] =	ssyncset.done $0x0  }
0x10b: {  	s22 =	simm.s32 $0x4000;
	[sflag:s21] =	ssyncadd.s32 $0xFFFFE000  }
0x10c: {  	[tilespmem:s1], [sflag:$0x2] =	stream.indirect.gather [spmem:s23], $0x1, s22, s19, $0xb8;
	[tilespmem:$0x12000] =	vst v63  }
0x10d: {  	_ =	swait.ge [sflag:s3], $0x2000  }
0x10e: {  	[sflag:s3] =	ssyncset.done $0x0  }
0x10f: {  	[sflag:s3] =	ssyncadd.s32 $0xFFFFE000  }
0x110: {  	_ =	swait.ge [sflag:s6], $0x2000  }
0x111: {  	[sflag:s6] =	ssyncset.done $0x0  }
0x112: {  	s12 =	simm.s32 $0x8040;
	[sflag:s6] =	ssyncadd.s32 $0xFFFFE000  }
0x113: {  	s15 =	simm.s32 $0xC040;
	v1 =	vld [tilespmem:s12+$0xFFFFFFC0]  }
0x114: {  	v2 =	vld [tilespmem:s15+$0xFFFFFFC0];
	_ =	sdelay $0x4  }
0x115: {  	vm0 =	vgt.f32 v1, v2  }
0x116: {  	s20 =	simm.s32 $0xE040;
	v1 =	vsel vm0, $0x1, v0  }
0x117: {  	[tilespmem:s20+$0xFFFFFFC0] =	vst v1  }
0x118: {  	v1 =	vld [tilespmem:s12+$0xFFFFFFD0]  }
0x119: {  	v2 =	vld [tilespmem:s15+$0xFFFFFFD0];
	_ =	sdelay $0x4  }
0x11a: {  	vm10 =	vgt.f32 v1, v2  }
0x11b: {  	v1 =	vsel vm10, $0x1, v0  }
0x11c: {  	[tilespmem:s20+$0xFFFFFFD0] =	vst v1  }
0x11d: {  	v1 =	vld [tilespmem:s12+$0xFFFFFFE0]  }
0x11e: {  	v2 =	vld [tilespmem:s15+$0xFFFFFFE0];
	_ =	sdelay $0x4  }
0x11f: {  	vm11 =	vgt.f32 v1, v2  }
0x120: {  	v1 =	vsel vm11, $0x1, v0  }
0x121: {  	[tilespmem:s20+$0xFFFFFFE0] =	vst v1  }
0x122: {  	v1 =	vld [tilespmem:s12+$0xFFFFFFF0]  }
0x123: {  	v2 =	vld [tilespmem:s15+$0xFFFFFFF0];
	_ =	sdelay $0x4  }
0x124: {  	vm12 =	vgt.f32 v1, v2  }
0x125: {  	v1 =	vsel vm12, $0x1, v0  }
0x126: {  	[tilespmem:s20+$0xFFFFFFF0] =	vst v1  }
0x127: {  	v1 =	vld [tilespmem:s12+$0x0]  }
0x128: {  	v2 =	vld [tilespmem:s15+$0x0];
	_ =	sdelay $0x4  }
0x129: {  	vm13 =	vgt.f32 v1, v2  }
0x12a: {  	v1 =	vsel vm13, $0x1, v0  }
0x12b: {  	[tilespmem:s20+$0x0] =	vst v1  }
0x12c: {  	v1 =	vld [tilespmem:s12+$0x10]  }
0x12d: {  	v2 =	vld [tilespmem:s15+$0x10];
	_ =	sdelay $0x4  }
0x12e: {  	vm14 =	vgt.f32 v1, v2  }
0x12f: {  	v1 =	vsel vm14, $0x1, v0  }
0x130: {  	[tilespmem:s20+$0x10] =	vst v1  }
0x131: {  	v1 =	vld [tilespmem:s12+$0x20]  }
0x132: {  	v2 =	vld [tilespmem:s15+$0x20];
	_ =	sdelay $0x4  }
0x133: {  	vm15 =	vgt.f32 v1, v2  }
0x134: {  	v1 =	vsel vm15, $0x1, v0  }
0x135: {  	[tilespmem:s20+$0x20] =	vst v1  }
0x136: {  	s29 =	simm.s32 $0x0;
	s30 =	simm.s32 $0xC0C0;
	s22 =	simm.s32 $0xE040;
	v1 =	vld [tilespmem:s12+$0x30]  }
.LBB2_18:
0x137: {  	s29 =	sadd.s32 $0x8, s29;
	v2 =	vld [tilespmem:s15+$0x30];
	s20 =	sadd.s32 $0x100, s20;
	s12 =	sadd.s32 $0x100, s12  }
0x138: {  	s15 =	smov.u32 s30;
	p1 =	slt.u32 s29, $0x1F8;
	_ =	sdelay $0x3  }
0x139: {  	vm0 =	vgt.f32 v1, v2  }
0x13a: {  	v1 =	vsel vm0, $0x1, v0  }
0x13b: {  	[tilespmem:s22+$0x30] =	vst v1;
	s22 =	smov.u32 s20  }
0x13c: {  	v1 =	vld [tilespmem:s12+$0xFFFFFFC0]  }
0x13d: {  	v2 =	vld [tilespmem:s30+$0xFFFFFFC0];
	_ =	sdelay $0x4  }
0x13e: {  	vm0 =	vgt.f32 v1, v2  }
0x13f: {  	v1 =	vsel vm0, $0x1, v0  }
0x140: {  	[tilespmem:s20+$0xFFFFFFC0] =	vst v1  }
0x141: {  	v1 =	vld [tilespmem:s12+$0xFFFFFFD0]  }
0x142: {  	v2 =	vld [tilespmem:s30+$0xFFFFFFD0];
	_ =	sdelay $0x4  }
0x143: {  	vm0 =	vgt.f32 v1, v2  }
0x144: {  	v1 =	vsel vm0, $0x1, v0  }
0x145: {  	[tilespmem:s20+$0xFFFFFFD0] =	vst v1  }
0x146: {  	v1 =	vld [tilespmem:s12+$0xFFFFFFE0]  }
0x147: {  	v2 =	vld [tilespmem:s30+$0xFFFFFFE0];
	_ =	sdelay $0x4  }
0x148: {  	vm0 =	vgt.f32 v1, v2  }
0x149: {  	v1 =	vsel vm0, $0x1, v0  }
0x14a: {  	[tilespmem:s20+$0xFFFFFFE0] =	vst v1  }
0x14b: {  	v1 =	vld [tilespmem:s12+$0xFFFFFFF0]  }
0x14c: {  	v2 =	vld [tilespmem:s30+$0xFFFFFFF0];
	_ =	sdelay $0x4  }
0x14d: {  	vm0 =	vgt.f32 v1, v2  }
0x14e: {  	v1 =	vsel vm0, $0x1, v0  }
0x14f: {  	[tilespmem:s20+$0xFFFFFFF0] =	vst v1  }
0x150: {  	v1 =	vld [tilespmem:s12+$0x0]  }
0x151: {  	v2 =	vld [tilespmem:s30+$0x0];
	_ =	sdelay $0x4  }
0x152: {  	vm0 =	vgt.f32 v1, v2  }
0x153: {  	v1 =	vsel vm0, $0x1, v0  }
0x154: {  	[tilespmem:s20+$0x0] =	vst v1  }
0x155: {  	v1 =	vld [tilespmem:s12+$0x10]  }
0x156: {  	v2 =	vld [tilespmem:s30+$0x10];
	_ =	sdelay $0x4  }
0x157: {  	vm0 =	vgt.f32 v1, v2  }
0x158: {  	v1 =	vsel vm0, $0x1, v0  }
0x159: {  	[tilespmem:s20+$0x10] =	vst v1  }
0x15a: {  	v1 =	vld [tilespmem:s12+$0x20]  }
0x15b: {  	v2 =	vld [tilespmem:s30+$0x20];
	_ =	sdelay $0x3  }
.Ltmp8:
0x15c: {  	(pc) =	sbr.rel @p1 .LBB2_18-.Ltmp8, $4  }
0x15d: {  	vm0 =	vgt.f32 v1, v2  }
0x15e: {  	v1 =	vsel vm0, $0x1, v0  }
0x15f: {  	[tilespmem:s20+$0x20] =	vst v1  }
0x160: {  	s30 =	sadd.s32 $0x80, s30;
	v1 =	vld [tilespmem:s12+$0x30]  }
0x161: {  	v2 =	vld [tilespmem:s15+$0x30];
	_ =	sdelay $0x4  }
0x162: {  	vm0 =	vgt.f32 v1, v2  }
0x163: {  	s12 =	simm.s32 $0xE000;
	v1 =	vsel vm0, $0x1, v0  }
0x164: {  	s15 =	simm.s32 $0x10;
	s20 =	simm.s32 $0xE100;
	[tilespmem:s22+$0x30] =	vst v1;
	s22 =	sadd.s32 $0x0, s11  }
.LBB2_20:
0x165: {  	[hbm4b:s22+s0] =	stream.linear.scatter [tilespmem:s12], [sflag:$0x3], $0x80, $0x38;
	[tilespmem:$0x12000] =	vst v63  }
0x166: {  	s22 =	smov.u32 s15;
	s12 =	smov.u32 s20;
	p1 =	sne.s32 s15, $0x3F0  }
.Ltmp9:
0x167: {  	s15 =	sadd.s32 $0x10, s15;
	(pc) =	sbr.rel @p1 .LBB2_20-.Ltmp9, $2  }
0x168: {  	_ =	sdelay $0x2  }
0x169: {  	s20 =	sadd.s32 $0x100, s20;
	s22 =	sadd.s32 s22, s11  }
0x16a: {  	[hbm4b:s22+s0] =	stream.linear.scatter [tilespmem:s12], [sflag:$0x3], $0x80, $0x38;
	[tilespmem:$0x12000] =	vst v63  }
0x16b: {  	s30 =	simm.s32 $0x0  }
0x16c: {  	s15 =	rddreg [dreg:$0x8];
	s20 =	simm.s32 $0x4000;
	s12 =	simm.s32 $0x8000  }
0x16d: {  	[tilespmem:s20], [sflag:$0x1] =	stream.linear.gather [hbm4b:s15+s30], $0x2000, $0x38;
	[tilespmem:$0x12000] =	vst v63  }
0x16e: {  	s22 =	sadd.s32 $0x0, s13;
	s15 =	simm.s32 $0x10;
	s20 =	simm.s32 $0x8100  }
.LBB2_22:
0x16f: {  	[tilespmem:s12], [sflag:$0x1] =	stream.linear.gather [hbm4b:s22+s0], $0x80, $0x38;
	[tilespmem:$0x12000] =	vst v63  }
0x170: {  	s22 =	smov.u32 s15;
	s12 =	smov.u32 s20;
	p1 =	sne.s32 s15, $0x3F0  }
.Ltmp10:
0x171: {  	s15 =	sadd.s32 $0x10, s15;
	(pc) =	sbr.rel @p1 .LBB2_22-.Ltmp10, $2  }
0x172: {  	_ =	sdelay $0x2  }
0x173: {  	s20 =	sadd.s32 $0x100, s20;
	s22 =	sadd.s32 s22, s13  }
0x174: {  	[tilespmem:s12], [sflag:$0x1] =	stream.linear.gather [hbm4b:s22+s0], $0x80, $0x38;
	[tilespmem:$0x12000] =	vst v63  }
0x175: {  	_ =	swait.ge [sflag:s21], $0x2000  }
0x176: {  	[sflag:s21] =	ssyncset.done $0x0  }
0x177: {  	[sflag:s21] =	ssyncadd.s32 $0xFFFFE000  }
0x178: {  	_ =	swait.ge [sflag:s21], $0x2000  }
0x179: {  	[sflag:s21] =	ssyncset.done $0x0  }
0x17a: {  	[sflag:s21] =	ssyncadd.s32 $0xFFFFE000  }
0x17b: {  	[tilespmem:s1], [sflag:$0x2] =	stream.indirect.gather [spmem:s23], $0x1, s31, s19, $0xb8;
	[tilespmem:$0x12000] =	vst v63  }
0x17c: {  	_ =	swait.ge [sflag:s3], $0x2000  }
0x17d: {  	[sflag:s3] =	ssyncset.done $0x0  }
0x17e: {  	[sflag:s3] =	ssyncadd.s32 $0xFFFFE000  }
0x17f: {  	_ =	swait.ge [sflag:s6], $0x2000  }
0x180: {  	[sflag:s6] =	ssyncset.done $0x0  }
0x181: {  	s12 =	simm.s32 $0x80F0;
	[sflag:s6] =	ssyncadd.s32 $0xFFFFE000  }
0x182: {  	s15 =	simm.s32 $0xC040;
	v1 =	vld [tilespmem:s12+$0xFFFFFF90]  }
0x183: {  	v2 =	vld [tilespmem:s15+$0xFFFFFFC0];
	_ =	sdelay $0x4  }
0x184: {  	vm0 =	vgt.f32 v1, v2  }
0x185: {  	s20 =	simm.s32 $0xE0F0;
	v1 =	vsel vm0, $0x1, v0  }
0x186: {  	[tilespmem:s20+$0xFFFFFF90] =	vst v1  }
0x187: {  	v1 =	vld [tilespmem:s12+$0xFFFFFFA0]  }
0x188: {  	v2 =	vld [tilespmem:s15+$0xFFFFFFD0];
	_ =	sdelay $0x4  }
0x189: {  	vm10 =	vgt.f32 v1, v2  }
0x18a: {  	v1 =	vsel vm10, $0x1, v0  }
0x18b: {  	[tilespmem:s20+$0xFFFFFFA0] =	vst v1  }
0x18c: {  	v1 =	vld [tilespmem:s12+$0xFFFFFFB0]  }
0x18d: {  	v2 =	vld [tilespmem:s15+$0xFFFFFFE0];
	_ =	sdelay $0x4  }
0x18e: {  	vm11 =	vgt.f32 v1, v2  }
0x18f: {  	v1 =	vsel vm11, $0x1, v0  }
0x190: {  	[tilespmem:s20+$0xFFFFFFB0] =	vst v1  }
0x191: {  	v1 =	vld [tilespmem:s12+$0xFFFFFFC0]  }
0x192: {  	v2 =	vld [tilespmem:s15+$0xFFFFFFF0];
	_ =	sdelay $0x4  }
0x193: {  	vm12 =	vgt.f32 v1, v2  }
0x194: {  	v1 =	vsel vm12, $0x1, v0  }
0x195: {  	[tilespmem:s20+$0xFFFFFFC0] =	vst v1  }
0x196: {  	v1 =	vld [tilespmem:s12+$0xFFFFFFD0]  }
0x197: {  	v2 =	vld [tilespmem:s15+$0x0];
	_ =	sdelay $0x4  }
0x198: {  	vm13 =	vgt.f32 v1, v2  }
0x199: {  	v1 =	vsel vm13, $0x1, v0  }
0x19a: {  	[tilespmem:s20+$0xFFFFFFD0] =	vst v1  }
0x19b: {  	v1 =	vld [tilespmem:s12+$0xFFFFFFE0]  }
0x19c: {  	v2 =	vld [tilespmem:s15+$0x10];
	_ =	sdelay $0x4  }
0x19d: {  	vm14 =	vgt.f32 v1, v2  }
0x19e: {  	v1 =	vsel vm14, $0x1, v0  }
0x19f: {  	[tilespmem:s20+$0xFFFFFFE0] =	vst v1  }
0x1a0: {  	v1 =	vld [tilespmem:s12+$0xFFFFFFF0]  }
0x1a1: {  	v2 =	vld [tilespmem:s15+$0x20];
	_ =	sdelay $0x4  }
0x1a2: {  	vm15 =	vgt.f32 v1, v2  }
0x1a3: {  	v1 =	vsel vm15, $0x1, v0  }
0x1a4: {  	[tilespmem:s20+$0xFFFFFFF0] =	vst v1  }
0x1a5: {  	s29 =	simm.s32 $0x0;
	s30 =	simm.s32 $0xC0C0;
	s22 =	simm.s32 $0xE0F0;
	v1 =	vld [tilespmem:s12+$0x0]  }
.LBB2_24:
0x1a6: {  	s29 =	sadd.s32 $0x8, s29;
	v2 =	vld [tilespmem:s15+$0x30];
	s12 =	sadd.s32 $0x100, s12;
	s20 =	sadd.s32 $0x100, s20  }
0x1a7: {  	s15 =	smov.u32 s30;
	p1 =	slt.u32 s29, $0x1F8;
	_ =	sdelay $0x3  }
0x1a8: {  	vm0 =	vgt.f32 v1, v2  }
0x1a9: {  	v1 =	vsel vm0, $0x1, v0  }
0x1aa: {  	[tilespmem:s22+$0x0] =	vst v1;
	s22 =	smov.u32 s20  }
0x1ab: {  	v1 =	vld [tilespmem:s12+$0xFFFFFF90]  }
0x1ac: {  	v2 =	vld [tilespmem:s30+$0xFFFFFFC0];
	_ =	sdelay $0x4  }
0x1ad: {  	vm0 =	vgt.f32 v1, v2  }
0x1ae: {  	v1 =	vsel vm0, $0x1, v0  }
0x1af: {  	[tilespmem:s20+$0xFFFFFF90] =	vst v1  }
0x1b0: {  	v1 =	vld [tilespmem:s12+$0xFFFFFFA0]  }
0x1b1: {  	v2 =	vld [tilespmem:s30+$0xFFFFFFD0];
	_ =	sdelay $0x4  }
0x1b2: {  	vm0 =	vgt.f32 v1, v2  }
0x1b3: {  	v1 =	vsel vm0, $0x1, v0  }
0x1b4: {  	[tilespmem:s20+$0xFFFFFFA0] =	vst v1  }
0x1b5: {  	v1 =	vld [tilespmem:s12+$0xFFFFFFB0]  }
0x1b6: {  	v2 =	vld [tilespmem:s30+$0xFFFFFFE0];
	_ =	sdelay $0x4  }
0x1b7: {  	vm0 =	vgt.f32 v1, v2  }
0x1b8: {  	v1 =	vsel vm0, $0x1, v0  }
0x1b9: {  	[tilespmem:s20+$0xFFFFFFB0] =	vst v1  }
0x1ba: {  	v1 =	vld [tilespmem:s12+$0xFFFFFFC0]  }
0x1bb: {  	v2 =	vld [tilespmem:s30+$0xFFFFFFF0];
	_ =	sdelay $0x4  }
0x1bc: {  	vm0 =	vgt.f32 v1, v2  }
0x1bd: {  	v1 =	vsel vm0, $0x1, v0  }
0x1be: {  	[tilespmem:s20+$0xFFFFFFC0] =	vst v1  }
0x1bf: {  	v1 =	vld [tilespmem:s12+$0xFFFFFFD0]  }
0x1c0: {  	v2 =	vld [tilespmem:s30+$0x0];
	_ =	sdelay $0x4  }
0x1c1: {  	vm0 =	vgt.f32 v1, v2  }
0x1c2: {  	v1 =	vsel vm0, $0x1, v0  }
0x1c3: {  	[tilespmem:s20+$0xFFFFFFD0] =	vst v1  }
0x1c4: {  	v1 =	vld [tilespmem:s12+$0xFFFFFFE0]  }
0x1c5: {  	v2 =	vld [tilespmem:s30+$0x10];
	_ =	sdelay $0x4  }
0x1c6: {  	vm0 =	vgt.f32 v1, v2  }
0x1c7: {  	v1 =	vsel vm0, $0x1, v0  }
0x1c8: {  	[tilespmem:s20+$0xFFFFFFE0] =	vst v1  }
0x1c9: {  	v1 =	vld [tilespmem:s12+$0xFFFFFFF0]  }
0x1ca: {  	v2 =	vld [tilespmem:s30+$0x20];
	_ =	sdelay $0x3  }
.Ltmp11:
0x1cb: {  	(pc) =	sbr.rel @p1 .LBB2_24-.Ltmp11, $4  }
0x1cc: {  	vm0 =	vgt.f32 v1, v2  }
0x1cd: {  	v1 =	vsel vm0, $0x1, v0  }
0x1ce: {  	[tilespmem:s20+$0xFFFFFFF0] =	vst v1  }
0x1cf: {  	s30 =	sadd.s32 $0x80, s30;
	v1 =	vld [tilespmem:s12+$0x0]  }
0x1d0: {  	v2 =	vld [tilespmem:s15+$0x30];
	_ =	sdelay $0x4  }
0x1d1: {  	vm0 =	vgt.f32 v1, v2  }
0x1d2: {  	s12 =	simm.s32 $0xE080;
	v1 =	vsel vm0, $0x1, v0  }
0x1d3: {  	s15 =	simm.s32 $0x10;
	s20 =	simm.s32 $0xE180;
	[tilespmem:s22+$0x0] =	vst v1;
	s22 =	sadd.s32 $0x0, s14  }
.LBB2_26:
0x1d4: {  	[hbm4b:s22+s0] =	stream.linear.scatter [tilespmem:s12], [sflag:$0x3], $0x80, $0x38;
	[tilespmem:$0x12000] =	vst v63  }
0x1d5: {  	s22 =	smov.u32 s15;
	s12 =	smov.u32 s20;
	p1 =	sne.s32 s15, $0x3F0  }
.Ltmp12:
0x1d6: {  	s15 =	sadd.s32 $0x10, s15;
	(pc) =	sbr.rel @p1 .LBB2_26-.Ltmp12, $2  }
0x1d7: {  	_ =	sdelay $0x2  }
0x1d8: {  	s20 =	sadd.s32 $0x100, s20;
	s22 =	sadd.s32 s22, s14  }
0x1d9: {  	[hbm4b:s22+s0] =	stream.linear.scatter [tilespmem:s12], [sflag:$0x3], $0x80, $0x38;
	[tilespmem:$0x12000] =	vst v63  }
0x1da: {  	s30 =	simm.s32 $0x0;
	s15 =	rddreg [dreg:$0x9];
	s12 =	simm.s32 $0x8080  }
0x1db: {  	[tilespmem:s31], [sflag:$0x1] =	stream.linear.gather [hbm4b:s15+s30], $0x2000, $0x38;
	[tilespmem:$0x12000] =	vst v63  }
0x1dc: {  	s22 =	sadd.s32 $0x0, s16;
	s20 =	simm.s32 $0x8180;
	s15 =	simm.s32 $0x10  }
.LBB2_28:
0x1dd: {  	[tilespmem:s12], [sflag:$0x1] =	stream.linear.gather [hbm4b:s22+s0], $0x80, $0x38;
	[tilespmem:$0x12000] =	vst v63  }
0x1de: {  	s22 =	smov.u32 s15;
	s12 =	smov.u32 s20;
	p1 =	sne.s32 s15, $0x3F0  }
.Ltmp13:
0x1df: {  	s15 =	sadd.s32 $0x10, s15;
	(pc) =	sbr.rel @p1 .LBB2_28-.Ltmp13, $2  }
0x1e0: {  	_ =	sdelay $0x2  }
0x1e1: {  	s20 =	sadd.s32 $0x100, s20;
	s22 =	sadd.s32 s22, s16  }
0x1e2: {  	[tilespmem:s12], [sflag:$0x1] =	stream.linear.gather [hbm4b:s22+s0], $0x80, $0x38;
	[tilespmem:$0x12000] =	vst v63  }
0x1e3: {  	_ =	swait.ge [sflag:s21], $0x2000  }
0x1e4: {  	[sflag:s21] =	ssyncset.done $0x0  }
0x1e5: {  	[sflag:s21] =	ssyncadd.s32 $0xFFFFE000  }
0x1e6: {  	_ =	swait.ge [sflag:s21], $0x2000  }
0x1e7: {  	[sflag:s21] =	ssyncset.done $0x0  }
0x1e8: {  	s22 =	simm.s32 $0x4000;
	[sflag:s21] =	ssyncadd.s32 $0xFFFFE000  }
0x1e9: {  	[tilespmem:s1], [sflag:$0x2] =	stream.indirect.gather [spmem:s23], $0x1, s22, s19, $0xb8;
	[tilespmem:$0x12000] =	vst v63  }
0x1ea: {  	_ =	swait.ge [sflag:s3], $0x2000  }
0x1eb: {  	[sflag:s3] =	ssyncset.done $0x0  }
0x1ec: {  	[sflag:s3] =	ssyncadd.s32 $0xFFFFE000  }
0x1ed: {  	_ =	swait.ge [sflag:s6], $0x2000  }
0x1ee: {  	[sflag:s6] =	ssyncset.done $0x0  }
0x1ef: {  	s12 =	simm.s32 $0x8040;
	[sflag:s6] =	ssyncadd.s32 $0xFFFFE000  }
0x1f0: {  	s15 =	simm.s32 $0xC040;
	v1 =	vld [tilespmem:s12+$0xFFFFFFC0]  }
0x1f1: {  	v2 =	vld [tilespmem:s15+$0xFFFFFFC0];
	_ =	sdelay $0x4  }
0x1f2: {  	vm0 =	vgt.f32 v1, v2  }
0x1f3: {  	s20 =	simm.s32 $0xE040;
	v1 =	vsel vm0, $0x1, v0  }
0x1f4: {  	[tilespmem:s20+$0xFFFFFFC0] =	vst v1  }
0x1f5: {  	v1 =	vld [tilespmem:s12+$0xFFFFFFD0]  }
0x1f6: {  	v2 =	vld [tilespmem:s15+$0xFFFFFFD0];
	_ =	sdelay $0x4  }
0x1f7: {  	vm10 =	vgt.f32 v1, v2  }
0x1f8: {  	v1 =	vsel vm10, $0x1, v0  }
0x1f9: {  	[tilespmem:s20+$0xFFFFFFD0] =	vst v1  }
0x1fa: {  	v1 =	vld [tilespmem:s12+$0xFFFFFFE0]  }
0x1fb: {  	v2 =	vld [tilespmem:s15+$0xFFFFFFE0];
	_ =	sdelay $0x4  }
0x1fc: {  	vm11 =	vgt.f32 v1, v2  }
0x1fd: {  	v1 =	vsel vm11, $0x1, v0  }
0x1fe: {  	[tilespmem:s20+$0xFFFFFFE0] =	vst v1  }
0x1ff: {  	v1 =	vld [tilespmem:s12+$0xFFFFFFF0]  }
0x200: {  	v2 =	vld [tilespmem:s15+$0xFFFFFFF0];
	_ =	sdelay $0x4  }
0x201: {  	vm12 =	vgt.f32 v1, v2  }
0x202: {  	v1 =	vsel vm12, $0x1, v0  }
0x203: {  	[tilespmem:s20+$0xFFFFFFF0] =	vst v1  }
0x204: {  	v1 =	vld [tilespmem:s12+$0x0]  }
0x205: {  	v2 =	vld [tilespmem:s15+$0x0];
	_ =	sdelay $0x4  }
0x206: {  	vm13 =	vgt.f32 v1, v2  }
0x207: {  	v1 =	vsel vm13, $0x1, v0  }
0x208: {  	[tilespmem:s20+$0x0] =	vst v1  }
0x209: {  	v1 =	vld [tilespmem:s12+$0x10]  }
0x20a: {  	v2 =	vld [tilespmem:s15+$0x10];
	_ =	sdelay $0x4  }
0x20b: {  	vm14 =	vgt.f32 v1, v2  }
0x20c: {  	v1 =	vsel vm14, $0x1, v0  }
0x20d: {  	[tilespmem:s20+$0x10] =	vst v1  }
0x20e: {  	v1 =	vld [tilespmem:s12+$0x20]  }
0x20f: {  	v2 =	vld [tilespmem:s15+$0x20];
	_ =	sdelay $0x4  }
0x210: {  	vm15 =	vgt.f32 v1, v2  }
0x211: {  	v1 =	vsel vm15, $0x1, v0  }
0x212: {  	[tilespmem:s20+$0x20] =	vst v1  }
0x213: {  	s29 =	simm.s32 $0x0;
	s30 =	simm.s32 $0xC0C0;
	s22 =	simm.s32 $0xE040;
	v1 =	vld [tilespmem:s12+$0x30]  }
.LBB2_30:
0x214: {  	s29 =	sadd.s32 $0x8, s29;
	v2 =	vld [tilespmem:s15+$0x30];
	s20 =	sadd.s32 $0x100, s20;
	s12 =	sadd.s32 $0x100, s12  }
0x215: {  	s15 =	smov.u32 s30;
	p1 =	slt.u32 s29, $0x1F8;
	_ =	sdelay $0x3  }
0x216: {  	vm0 =	vgt.f32 v1, v2  }
0x217: {  	v1 =	vsel vm0, $0x1, v0  }
0x218: {  	[tilespmem:s22+$0x30] =	vst v1;
	s22 =	smov.u32 s20  }
0x219: {  	v1 =	vld [tilespmem:s12+$0xFFFFFFC0]  }
0x21a: {  	v2 =	vld [tilespmem:s30+$0xFFFFFFC0];
	_ =	sdelay $0x4  }
0x21b: {  	vm0 =	vgt.f32 v1, v2  }
0x21c: {  	v1 =	vsel vm0, $0x1, v0  }
0x21d: {  	[tilespmem:s20+$0xFFFFFFC0] =	vst v1  }
0x21e: {  	v1 =	vld [tilespmem:s12+$0xFFFFFFD0]  }
0x21f: {  	v2 =	vld [tilespmem:s30+$0xFFFFFFD0];
	_ =	sdelay $0x4  }
0x220: {  	vm0 =	vgt.f32 v1, v2  }
0x221: {  	v1 =	vsel vm0, $0x1, v0  }
0x222: {  	[tilespmem:s20+$0xFFFFFFD0] =	vst v1  }
0x223: {  	v1 =	vld [tilespmem:s12+$0xFFFFFFE0]  }
0x224: {  	v2 =	vld [tilespmem:s30+$0xFFFFFFE0];
	_ =	sdelay $0x4  }
0x225: {  	vm0 =	vgt.f32 v1, v2  }
0x226: {  	v1 =	vsel vm0, $0x1, v0  }
0x227: {  	[tilespmem:s20+$0xFFFFFFE0] =	vst v1  }
0x228: {  	v1 =	vld [tilespmem:s12+$0xFFFFFFF0]  }
0x229: {  	v2 =	vld [tilespmem:s30+$0xFFFFFFF0];
	_ =	sdelay $0x4  }
0x22a: {  	vm0 =	vgt.f32 v1, v2  }
0x22b: {  	v1 =	vsel vm0, $0x1, v0  }
0x22c: {  	[tilespmem:s20+$0xFFFFFFF0] =	vst v1  }
0x22d: {  	v1 =	vld [tilespmem:s12+$0x0]  }
0x22e: {  	v2 =	vld [tilespmem:s30+$0x0];
	_ =	sdelay $0x4  }
0x22f: {  	vm0 =	vgt.f32 v1, v2  }
0x230: {  	v1 =	vsel vm0, $0x1, v0  }
0x231: {  	[tilespmem:s20+$0x0] =	vst v1  }
0x232: {  	v1 =	vld [tilespmem:s12+$0x10]  }
0x233: {  	v2 =	vld [tilespmem:s30+$0x10];
	_ =	sdelay $0x4  }
0x234: {  	vm0 =	vgt.f32 v1, v2  }
0x235: {  	v1 =	vsel vm0, $0x1, v0  }
0x236: {  	[tilespmem:s20+$0x10] =	vst v1  }
0x237: {  	v1 =	vld [tilespmem:s12+$0x20]  }
0x238: {  	v2 =	vld [tilespmem:s30+$0x20];
	_ =	sdelay $0x3  }
.Ltmp14:
0x239: {  	(pc) =	sbr.rel @p1 .LBB2_30-.Ltmp14, $4  }
0x23a: {  	vm0 =	vgt.f32 v1, v2  }
0x23b: {  	v1 =	vsel vm0, $0x1, v0  }
0x23c: {  	[tilespmem:s20+$0x20] =	vst v1  }
0x23d: {  	s30 =	sadd.s32 $0x80, s30;
	v1 =	vld [tilespmem:s12+$0x30]  }
0x23e: {  	v2 =	vld [tilespmem:s15+$0x30];
	_ =	sdelay $0x4  }
0x23f: {  	vm0 =	vgt.f32 v1, v2  }
0x240: {  	s12 =	simm.s32 $0xE000;
	v1 =	vsel vm0, $0x1, v0  }
0x241: {  	s15 =	simm.s32 $0x10;
	s20 =	simm.s32 $0xE100;
	[tilespmem:s22+$0x30] =	vst v1;
	s22 =	sadd.s32 $0x0, s17  }
.LBB2_32:
0x242: {  	[hbm4b:s22+s0] =	stream.linear.scatter [tilespmem:s12], [sflag:$0x3], $0x80, $0x38;
	[tilespmem:$0x12000] =	vst v63  }
0x243: {  	s22 =	smov.u32 s15;
	s12 =	smov.u32 s20;
	p1 =	sne.s32 s15, $0x3F0  }
.Ltmp15:
0x244: {  	s15 =	sadd.s32 $0x10, s15;
	(pc) =	sbr.rel @p1 .LBB2_32-.Ltmp15, $2  }
0x245: {  	_ =	sdelay $0x2  }
0x246: {  	s20 =	sadd.s32 $0x100, s20;
	s22 =	sadd.s32 s22, s17  }
0x247: {  	[hbm4b:s22+s0] =	stream.linear.scatter [tilespmem:s12], [sflag:$0x3], $0x80, $0x38;
	[tilespmem:$0x12000] =	vst v63  }
0x248: {  	s30 =	simm.s32 $0x0  }
0x249: {  	s15 =	rddreg [dreg:$0xa];
	s20 =	simm.s32 $0x4000;
	s12 =	simm.s32 $0x8000  }
0x24a: {  	[tilespmem:s20], [sflag:$0x1] =	stream.linear.gather [hbm4b:s15+s30], $0x2000, $0x38;
	[tilespmem:$0x12000] =	vst v63  }
0x24b: {  	s22 =	sadd.s32 $0x0, s24;
	s15 =	simm.s32 $0x10;
	s20 =	simm.s32 $0x8100  }
.LBB2_34:
0x24c: {  	[tilespmem:s12], [sflag:$0x1] =	stream.linear.gather [hbm4b:s22+s0], $0x80, $0x38;
	[tilespmem:$0x12000] =	vst v63  }
0x24d: {  	s22 =	smov.u32 s15;
	s12 =	smov.u32 s20;
	p1 =	sne.s32 s15, $0x3F0  }
.Ltmp16:
0x24e: {  	s15 =	sadd.s32 $0x10, s15;
	(pc) =	sbr.rel @p1 .LBB2_34-.Ltmp16, $2  }
0x24f: {  	_ =	sdelay $0x2  }
0x250: {  	s20 =	sadd.s32 $0x100, s20;
	s22 =	sadd.s32 s22, s24  }
0x251: {  	[tilespmem:s12], [sflag:$0x1] =	stream.linear.gather [hbm4b:s22+s0], $0x80, $0x38;
	[tilespmem:$0x12000] =	vst v63  }
0x252: {  	_ =	swait.ge [sflag:s21], $0x2000  }
0x253: {  	[sflag:s21] =	ssyncset.done $0x0  }
0x254: {  	[sflag:s21] =	ssyncadd.s32 $0xFFFFE000  }
0x255: {  	_ =	swait.ge [sflag:s21], $0x2000  }
0x256: {  	[sflag:s21] =	ssyncset.done $0x0  }
0x257: {  	[sflag:s21] =	ssyncadd.s32 $0xFFFFE000  }
0x258: {  	[tilespmem:s1], [sflag:$0x2] =	stream.indirect.gather [spmem:s23], $0x1, s31, s19, $0xb8;
	[tilespmem:$0x12000] =	vst v63  }
0x259: {  	_ =	swait.ge [sflag:s3], $0x2000  }
0x25a: {  	[sflag:s3] =	ssyncset.done $0x0  }
0x25b: {  	[sflag:s3] =	ssyncadd.s32 $0xFFFFE000  }
0x25c: {  	_ =	swait.ge [sflag:s6], $0x2000  }
0x25d: {  	[sflag:s6] =	ssyncset.done $0x0  }
0x25e: {  	s12 =	simm.s32 $0x80F0;
	[sflag:s6] =	ssyncadd.s32 $0xFFFFE000  }
0x25f: {  	s15 =	simm.s32 $0xC040;
	v1 =	vld [tilespmem:s12+$0xFFFFFF90]  }
0x260: {  	v2 =	vld [tilespmem:s15+$0xFFFFFFC0];
	_ =	sdelay $0x4  }
0x261: {  	vm0 =	vgt.f32 v1, v2  }
0x262: {  	s20 =	simm.s32 $0xE0F0;
	v1 =	vsel vm0, $0x1, v0  }
0x263: {  	[tilespmem:s20+$0xFFFFFF90] =	vst v1  }
0x264: {  	v1 =	vld [tilespmem:s12+$0xFFFFFFA0]  }
0x265: {  	v2 =	vld [tilespmem:s15+$0xFFFFFFD0];
	_ =	sdelay $0x4  }
0x266: {  	vm10 =	vgt.f32 v1, v2  }
0x267: {  	v1 =	vsel vm10, $0x1, v0  }
0x268: {  	[tilespmem:s20+$0xFFFFFFA0] =	vst v1  }
0x269: {  	v1 =	vld [tilespmem:s12+$0xFFFFFFB0]  }
0x26a: {  	v2 =	vld [tilespmem:s15+$0xFFFFFFE0];
	_ =	sdelay $0x4  }
0x26b: {  	vm11 =	vgt.f32 v1, v2  }
0x26c: {  	v1 =	vsel vm11, $0x1, v0  }
0x26d: {  	[tilespmem:s20+$0xFFFFFFB0] =	vst v1  }
0x26e: {  	v1 =	vld [tilespmem:s12+$0xFFFFFFC0]  }
0x26f: {  	v2 =	vld [tilespmem:s15+$0xFFFFFFF0];
	_ =	sdelay $0x4  }
0x270: {  	vm12 =	vgt.f32 v1, v2  }
0x271: {  	v1 =	vsel vm12, $0x1, v0  }
0x272: {  	[tilespmem:s20+$0xFFFFFFC0] =	vst v1  }
0x273: {  	v1 =	vld [tilespmem:s12+$0xFFFFFFD0]  }
0x274: {  	v2 =	vld [tilespmem:s15+$0x0];
	_ =	sdelay $0x4  }
0x275: {  	vm13 =	vgt.f32 v1, v2  }
0x276: {  	v1 =	vsel vm13, $0x1, v0  }
0x277: {  	[tilespmem:s20+$0xFFFFFFD0] =	vst v1  }
0x278: {  	v1 =	vld [tilespmem:s12+$0xFFFFFFE0]  }
0x279: {  	v2 =	vld [tilespmem:s15+$0x10];
	_ =	sdelay $0x4  }
0x27a: {  	vm14 =	vgt.f32 v1, v2  }
0x27b: {  	v1 =	vsel vm14, $0x1, v0  }
0x27c: {  	[tilespmem:s20+$0xFFFFFFE0] =	vst v1  }
0x27d: {  	v1 =	vld [tilespmem:s12+$0xFFFFFFF0]  }
0x27e: {  	v2 =	vld [tilespmem:s15+$0x20];
	_ =	sdelay $0x4  }
0x27f: {  	vm15 =	vgt.f32 v1, v2  }
0x280: {  	v1 =	vsel vm15, $0x1, v0  }
0x281: {  	[tilespmem:s20+$0xFFFFFFF0] =	vst v1  }
0x282: {  	s29 =	simm.s32 $0x0;
	s30 =	simm.s32 $0xC0C0;
	s22 =	simm.s32 $0xE0F0;
	v1 =	vld [tilespmem:s12+$0x0]  }
.LBB2_36:
0x283: {  	s29 =	sadd.s32 $0x8, s29;
	v2 =	vld [tilespmem:s15+$0x30];
	s12 =	sadd.s32 $0x100, s12;
	s20 =	sadd.s32 $0x100, s20  }
0x284: {  	s15 =	smov.u32 s30;
	p1 =	slt.u32 s29, $0x1F8;
	_ =	sdelay $0x3  }
0x285: {  	vm0 =	vgt.f32 v1, v2  }
0x286: {  	v1 =	vsel vm0, $0x1, v0  }
0x287: {  	[tilespmem:s22+$0x0] =	vst v1;
	s22 =	smov.u32 s20  }
0x288: {  	v1 =	vld [tilespmem:s12+$0xFFFFFF90]  }
0x289: {  	v2 =	vld [tilespmem:s30+$0xFFFFFFC0];
	_ =	sdelay $0x4  }
0x28a: {  	vm0 =	vgt.f32 v1, v2  }
0x28b: {  	v1 =	vsel vm0, $0x1, v0  }
0x28c: {  	[tilespmem:s20+$0xFFFFFF90] =	vst v1  }
0x28d: {  	v1 =	vld [tilespmem:s12+$0xFFFFFFA0]  }
0x28e: {  	v2 =	vld [tilespmem:s30+$0xFFFFFFD0];
	_ =	sdelay $0x4  }
0x28f: {  	vm0 =	vgt.f32 v1, v2  }
0x290: {  	v1 =	vsel vm0, $0x1, v0  }
0x291: {  	[tilespmem:s20+$0xFFFFFFA0] =	vst v1  }
0x292: {  	v1 =	vld [tilespmem:s12+$0xFFFFFFB0]  }
0x293: {  	v2 =	vld [tilespmem:s30+$0xFFFFFFE0];
	_ =	sdelay $0x4  }
0x294: {  	vm0 =	vgt.f32 v1, v2  }
0x295: {  	v1 =	vsel vm0, $0x1, v0  }
0x296: {  	[tilespmem:s20+$0xFFFFFFB0] =	vst v1  }
0x297: {  	v1 =	vld [tilespmem:s12+$0xFFFFFFC0]  }
0x298: {  	v2 =	vld [tilespmem:s30+$0xFFFFFFF0];
	_ =	sdelay $0x4  }
0x299: {  	vm0 =	vgt.f32 v1, v2  }
0x29a: {  	v1 =	vsel vm0, $0x1, v0  }
0x29b: {  	[tilespmem:s20+$0xFFFFFFC0] =	vst v1  }
0x29c: {  	v1 =	vld [tilespmem:s12+$0xFFFFFFD0]  }
0x29d: {  	v2 =	vld [tilespmem:s30+$0x0];
	_ =	sdelay $0x4  }
0x29e: {  	vm0 =	vgt.f32 v1, v2  }
0x29f: {  	v1 =	vsel vm0, $0x1, v0  }
0x2a0: {  	[tilespmem:s20+$0xFFFFFFD0] =	vst v1  }
0x2a1: {  	v1 =	vld [tilespmem:s12+$0xFFFFFFE0]  }
0x2a2: {  	v2 =	vld [tilespmem:s30+$0x10];
	_ =	sdelay $0x4  }
0x2a3: {  	vm0 =	vgt.f32 v1, v2  }
0x2a4: {  	v1 =	vsel vm0, $0x1, v0  }
0x2a5: {  	[tilespmem:s20+$0xFFFFFFE0] =	vst v1  }
0x2a6: {  	v1 =	vld [tilespmem:s12+$0xFFFFFFF0]  }
0x2a7: {  	v2 =	vld [tilespmem:s30+$0x20];
	_ =	sdelay $0x3  }
.Ltmp17:
0x2a8: {  	(pc) =	sbr.rel @p1 .LBB2_36-.Ltmp17, $4  }
0x2a9: {  	vm0 =	vgt.f32 v1, v2  }
0x2aa: {  	v1 =	vsel vm0, $0x1, v0  }
0x2ab: {  	[tilespmem:s20+$0xFFFFFFF0] =	vst v1  }
0x2ac: {  	s30 =	sadd.s32 $0x80, s30;
	v1 =	vld [tilespmem:s12+$0x0]  }
0x2ad: {  	v2 =	vld [tilespmem:s15+$0x30];
	_ =	sdelay $0x4  }
0x2ae: {  	vm0 =	vgt.f32 v1, v2  }
0x2af: {  	s12 =	simm.s32 $0xE080;
	v1 =	vsel vm0, $0x1, v0  }
0x2b0: {  	s15 =	simm.s32 $0x10;
	s20 =	simm.s32 $0xE180;
	[tilespmem:s22+$0x0] =	vst v1;
	s22 =	sadd.s32 $0x0, s18  }
.LBB2_38:
0x2b1: {  	[hbm4b:s22+s0] =	stream.linear.scatter [tilespmem:s12], [sflag:$0x3], $0x80, $0x38;
	[tilespmem:$0x12000] =	vst v63  }
0x2b2: {  	s22 =	smov.u32 s15;
	s12 =	smov.u32 s20;
	p1 =	sne.s32 s15, $0x3F0  }
.Ltmp18:
0x2b3: {  	s15 =	sadd.s32 $0x10, s15;
	(pc) =	sbr.rel @p1 .LBB2_38-.Ltmp18, $2  }
0x2b4: {  	_ =	sdelay $0x2  }
0x2b5: {  	s20 =	sadd.s32 $0x100, s20;
	s22 =	sadd.s32 s22, s18  }
0x2b6: {  	[hbm4b:s22+s0] =	stream.linear.scatter [tilespmem:s12], [sflag:$0x3], $0x80, $0x38;
	[tilespmem:$0x12000] =	vst v63  }
0x2b7: {  	s30 =	simm.s32 $0x0;
	s15 =	rddreg [dreg:$0xb];
	s12 =	simm.s32 $0x8080  }
0x2b8: {  	[tilespmem:s31], [sflag:$0x1] =	stream.linear.gather [hbm4b:s15+s30], $0x2000, $0x38;
	[tilespmem:$0x12000] =	vst v63  }
0x2b9: {  	s22 =	sadd.s32 $0x0, s25;
	s20 =	simm.s32 $0x8180;
	s15 =	simm.s32 $0x10  }
.LBB2_40:
0x2ba: {  	[tilespmem:s12], [sflag:$0x1] =	stream.linear.gather [hbm4b:s22+s0], $0x80, $0x38;
	[tilespmem:$0x12000] =	vst v63  }
0x2bb: {  	s22 =	smov.u32 s15;
	s12 =	smov.u32 s20;
	p1 =	sne.s32 s15, $0x3F0  }
.Ltmp19:
0x2bc: {  	s15 =	sadd.s32 $0x10, s15;
	(pc) =	sbr.rel @p1 .LBB2_40-.Ltmp19, $2  }
0x2bd: {  	_ =	sdelay $0x2  }
0x2be: {  	s20 =	sadd.s32 $0x100, s20;
	s22 =	sadd.s32 s22, s25  }
0x2bf: {  	[tilespmem:s12], [sflag:$0x1] =	stream.linear.gather [hbm4b:s22+s0], $0x80, $0x38;
	[tilespmem:$0x12000] =	vst v63  }
0x2c0: {  	_ =	swait.ge [sflag:s21], $0x2000  }
0x2c1: {  	[sflag:s21] =	ssyncset.done $0x0  }
0x2c2: {  	[sflag:s21] =	ssyncadd.s32 $0xFFFFE000  }
0x2c3: {  	_ =	swait.ge [sflag:s21], $0x2000  }
0x2c4: {  	[sflag:s21] =	ssyncset.done $0x0  }
0x2c5: {  	s22 =	simm.s32 $0x4000;
	[sflag:s21] =	ssyncadd.s32 $0xFFFFE000  }
0x2c6: {  	[tilespmem:s1], [sflag:$0x2] =	stream.indirect.gather [spmem:s23], $0x1, s22, s19, $0xb8;
	[tilespmem:$0x12000] =	vst v63  }
0x2c7: {  	_ =	swait.ge [sflag:s3], $0x2000  }
0x2c8: {  	[sflag:s3] =	ssyncset.done $0x0  }
0x2c9: {  	[sflag:s3] =	ssyncadd.s32 $0xFFFFE000  }
0x2ca: {  	_ =	swait.ge [sflag:s6], $0x2000  }
0x2cb: {  	[sflag:s6] =	ssyncset.done $0x0  }
0x2cc: {  	s12 =	simm.s32 $0x8040;
	[sflag:s6] =	ssyncadd.s32 $0xFFFFE000  }
0x2cd: {  	s15 =	simm.s32 $0xC040;
	v1 =	vld [tilespmem:s12+$0xFFFFFFC0]  }
0x2ce: {  	v2 =	vld [tilespmem:s15+$0xFFFFFFC0];
	_ =	sdelay $0x4  }
0x2cf: {  	vm0 =	vgt.f32 v1, v2  }
0x2d0: {  	s20 =	simm.s32 $0xE040;
	v1 =	vsel vm0, $0x1, v0  }
0x2d1: {  	[tilespmem:s20+$0xFFFFFFC0] =	vst v1  }
0x2d2: {  	v1 =	vld [tilespmem:s12+$0xFFFFFFD0]  }
0x2d3: {  	v2 =	vld [tilespmem:s15+$0xFFFFFFD0];
	_ =	sdelay $0x4  }
0x2d4: {  	vm10 =	vgt.f32 v1, v2  }
0x2d5: {  	v1 =	vsel vm10, $0x1, v0  }
0x2d6: {  	[tilespmem:s20+$0xFFFFFFD0] =	vst v1  }
0x2d7: {  	v1 =	vld [tilespmem:s12+$0xFFFFFFE0]  }
0x2d8: {  	v2 =	vld [tilespmem:s15+$0xFFFFFFE0];
	_ =	sdelay $0x4  }
0x2d9: {  	vm11 =	vgt.f32 v1, v2  }
0x2da: {  	v1 =	vsel vm11, $0x1, v0  }
0x2db: {  	[tilespmem:s20+$0xFFFFFFE0] =	vst v1  }
0x2dc: {  	v1 =	vld [tilespmem:s12+$0xFFFFFFF0]  }
0x2dd: {  	v2 =	vld [tilespmem:s15+$0xFFFFFFF0];
	_ =	sdelay $0x4  }
0x2de: {  	vm12 =	vgt.f32 v1, v2  }
0x2df: {  	v1 =	vsel vm12, $0x1, v0  }
0x2e0: {  	[tilespmem:s20+$0xFFFFFFF0] =	vst v1  }
0x2e1: {  	v1 =	vld [tilespmem:s12+$0x0]  }
0x2e2: {  	v2 =	vld [tilespmem:s15+$0x0];
	_ =	sdelay $0x4  }
0x2e3: {  	vm13 =	vgt.f32 v1, v2  }
0x2e4: {  	v1 =	vsel vm13, $0x1, v0  }
0x2e5: {  	[tilespmem:s20+$0x0] =	vst v1  }
0x2e6: {  	v1 =	vld [tilespmem:s12+$0x10]  }
0x2e7: {  	v2 =	vld [tilespmem:s15+$0x10];
	_ =	sdelay $0x4  }
0x2e8: {  	vm14 =	vgt.f32 v1, v2  }
0x2e9: {  	v1 =	vsel vm14, $0x1, v0  }
0x2ea: {  	[tilespmem:s20+$0x10] =	vst v1  }
0x2eb: {  	v1 =	vld [tilespmem:s12+$0x20]  }
0x2ec: {  	v2 =	vld [tilespmem:s15+$0x20];
	_ =	sdelay $0x4  }
0x2ed: {  	vm15 =	vgt.f32 v1, v2  }
0x2ee: {  	v1 =	vsel vm15, $0x1, v0  }
0x2ef: {  	[tilespmem:s20+$0x20] =	vst v1  }
0x2f0: {  	s29 =	simm.s32 $0x0;
	s30 =	simm.s32 $0xC0C0;
	s22 =	simm.s32 $0xE040;
	v1 =	vld [tilespmem:s12+$0x30]  }
.LBB2_42:
0x2f1: {  	s29 =	sadd.s32 $0x8, s29;
	v2 =	vld [tilespmem:s15+$0x30];
	s20 =	sadd.s32 $0x100, s20;
	s12 =	sadd.s32 $0x100, s12  }
0x2f2: {  	s15 =	smov.u32 s30;
	p1 =	slt.u32 s29, $0x1F8;
	_ =	sdelay $0x3  }
0x2f3: {  	vm0 =	vgt.f32 v1, v2  }
0x2f4: {  	v1 =	vsel vm0, $0x1, v0  }
0x2f5: {  	[tilespmem:s22+$0x30] =	vst v1;
	s22 =	smov.u32 s20  }
0x2f6: {  	v1 =	vld [tilespmem:s12+$0xFFFFFFC0]  }
0x2f7: {  	v2 =	vld [tilespmem:s30+$0xFFFFFFC0];
	_ =	sdelay $0x4  }
0x2f8: {  	vm0 =	vgt.f32 v1, v2  }
0x2f9: {  	v1 =	vsel vm0, $0x1, v0  }
0x2fa: {  	[tilespmem:s20+$0xFFFFFFC0] =	vst v1  }
0x2fb: {  	v1 =	vld [tilespmem:s12+$0xFFFFFFD0]  }
0x2fc: {  	v2 =	vld [tilespmem:s30+$0xFFFFFFD0];
	_ =	sdelay $0x4  }
0x2fd: {  	vm0 =	vgt.f32 v1, v2  }
0x2fe: {  	v1 =	vsel vm0, $0x1, v0  }
0x2ff: {  	[tilespmem:s20+$0xFFFFFFD0] =	vst v1  }
0x300: {  	v1 =	vld [tilespmem:s12+$0xFFFFFFE0]  }
0x301: {  	v2 =	vld [tilespmem:s30+$0xFFFFFFE0];
	_ =	sdelay $0x4  }
0x302: {  	vm0 =	vgt.f32 v1, v2  }
0x303: {  	v1 =	vsel vm0, $0x1, v0  }
0x304: {  	[tilespmem:s20+$0xFFFFFFE0] =	vst v1  }
0x305: {  	v1 =	vld [tilespmem:s12+$0xFFFFFFF0]  }
0x306: {  	v2 =	vld [tilespmem:s30+$0xFFFFFFF0];
	_ =	sdelay $0x4  }
0x307: {  	vm0 =	vgt.f32 v1, v2  }
0x308: {  	v1 =	vsel vm0, $0x1, v0  }
0x309: {  	[tilespmem:s20+$0xFFFFFFF0] =	vst v1  }
0x30a: {  	v1 =	vld [tilespmem:s12+$0x0]  }
0x30b: {  	v2 =	vld [tilespmem:s30+$0x0];
	_ =	sdelay $0x4  }
0x30c: {  	vm0 =	vgt.f32 v1, v2  }
0x30d: {  	v1 =	vsel vm0, $0x1, v0  }
0x30e: {  	[tilespmem:s20+$0x0] =	vst v1  }
0x30f: {  	v1 =	vld [tilespmem:s12+$0x10]  }
0x310: {  	v2 =	vld [tilespmem:s30+$0x10];
	_ =	sdelay $0x4  }
0x311: {  	vm0 =	vgt.f32 v1, v2  }
0x312: {  	v1 =	vsel vm0, $0x1, v0  }
0x313: {  	[tilespmem:s20+$0x10] =	vst v1  }
0x314: {  	v1 =	vld [tilespmem:s12+$0x20]  }
0x315: {  	v2 =	vld [tilespmem:s30+$0x20];
	_ =	sdelay $0x3  }
.Ltmp20:
0x316: {  	(pc) =	sbr.rel @p1 .LBB2_42-.Ltmp20, $4  }
0x317: {  	vm0 =	vgt.f32 v1, v2  }
0x318: {  	v1 =	vsel vm0, $0x1, v0  }
0x319: {  	[tilespmem:s20+$0x20] =	vst v1  }
0x31a: {  	s30 =	sadd.s32 $0x80, s30;
	v1 =	vld [tilespmem:s12+$0x30]  }
0x31b: {  	v2 =	vld [tilespmem:s15+$0x30];
	_ =	sdelay $0x4  }
0x31c: {  	vm0 =	vgt.f32 v1, v2  }
0x31d: {  	s12 =	simm.s32 $0xE000;
	v1 =	vsel vm0, $0x1, v0  }
0x31e: {  	s15 =	simm.s32 $0x10;
	s20 =	simm.s32 $0xE100;
	[tilespmem:s22+$0x30] =	vst v1;
	s22 =	sadd.s32 $0x0, s26  }
.LBB2_44:
0x31f: {  	[hbm4b:s22+s0] =	stream.linear.scatter [tilespmem:s12], [sflag:$0x3], $0x80, $0x38;
	[tilespmem:$0x12000] =	vst v63  }
0x320: {  	s22 =	smov.u32 s15;
	s12 =	smov.u32 s20;
	p1 =	sne.s32 s15, $0x3F0  }
.Ltmp21:
0x321: {  	s15 =	sadd.s32 $0x10, s15;
	(pc) =	sbr.rel @p1 .LBB2_44-.Ltmp21, $2  }
0x322: {  	_ =	sdelay $0x2  }
0x323: {  	s20 =	sadd.s32 $0x100, s20;
	s22 =	sadd.s32 s22, s26  }
0x324: {  	[hbm4b:s22+s0] =	stream.linear.scatter [tilespmem:s12], [sflag:$0x3], $0x80, $0x38;
	[tilespmem:$0x12000] =	vst v63  }
0x325: {  	_ =	swait.ge [sflag:s21], $0x2000  }
0x326: {  	[sflag:s21] =	ssyncset.done $0x0  }
0x327: {  	[sflag:s21] =	ssyncadd.s32 $0xFFFFE000  }
0x328: {  	_ =	swait.ge [sflag:s21], $0x2000  }
0x329: {  	[sflag:s21] =	ssyncset.done $0x0  }
0x32a: {  	[sflag:s21] =	ssyncadd.s32 $0xFFFFE000  }
0x32b: {  	[tilespmem:s1], [sflag:$0x2] =	stream.indirect.gather [spmem:s23], $0x1, s31, s19, $0xb8;
	[tilespmem:$0x12000] =	vst v63  }
0x32c: {  	_ =	swait.ge [sflag:s3], $0x2000  }
0x32d: {  	[sflag:s3] =	ssyncset.done $0x0  }
0x32e: {  	[sflag:s3] =	ssyncadd.s32 $0xFFFFE000  }
0x32f: {  	_ =	swait.ge [sflag:s6], $0x2000  }
0x330: {  	[sflag:s6] =	ssyncset.done $0x0  }
0x331: {  	s12 =	simm.s32 $0x80F0;
	[sflag:s6] =	ssyncadd.s32 $0xFFFFE000  }
0x332: {  	s15 =	simm.s32 $0xC040;
	v1 =	vld [tilespmem:s12+$0xFFFFFF90]  }
0x333: {  	v2 =	vld [tilespmem:s15+$0xFFFFFFC0];
	_ =	sdelay $0x4  }
0x334: {  	vm0 =	vgt.f32 v1, v2  }
0x335: {  	s20 =	simm.s32 $0xE0F0;
	v1 =	vsel vm0, $0x1, v0  }
0x336: {  	[tilespmem:s20+$0xFFFFFF90] =	vst v1  }
0x337: {  	v1 =	vld [tilespmem:s12+$0xFFFFFFA0]  }
0x338: {  	v2 =	vld [tilespmem:s15+$0xFFFFFFD0];
	_ =	sdelay $0x4  }
0x339: {  	vm10 =	vgt.f32 v1, v2  }
0x33a: {  	v1 =	vsel vm10, $0x1, v0  }
0x33b: {  	[tilespmem:s20+$0xFFFFFFA0] =	vst v1  }
0x33c: {  	v1 =	vld [tilespmem:s12+$0xFFFFFFB0]  }
0x33d: {  	v2 =	vld [tilespmem:s15+$0xFFFFFFE0];
	_ =	sdelay $0x4  }
0x33e: {  	vm11 =	vgt.f32 v1, v2  }
0x33f: {  	v1 =	vsel vm11, $0x1, v0  }
0x340: {  	[tilespmem:s20+$0xFFFFFFB0] =	vst v1  }
0x341: {  	v1 =	vld [tilespmem:s12+$0xFFFFFFC0]  }
0x342: {  	v2 =	vld [tilespmem:s15+$0xFFFFFFF0];
	_ =	sdelay $0x4  }
0x343: {  	vm12 =	vgt.f32 v1, v2  }
0x344: {  	v1 =	vsel vm12, $0x1, v0  }
0x345: {  	[tilespmem:s20+$0xFFFFFFC0] =	vst v1  }
0x346: {  	v1 =	vld [tilespmem:s12+$0xFFFFFFD0]  }
0x347: {  	v2 =	vld [tilespmem:s15+$0x0];
	_ =	sdelay $0x4  }
0x348: {  	vm13 =	vgt.f32 v1, v2  }
0x349: {  	v1 =	vsel vm13, $0x1, v0  }
0x34a: {  	[tilespmem:s20+$0xFFFFFFD0] =	vst v1  }
0x34b: {  	v1 =	vld [tilespmem:s12+$0xFFFFFFE0]  }
0x34c: {  	v2 =	vld [tilespmem:s15+$0x10];
	_ =	sdelay $0x4  }
0x34d: {  	vm14 =	vgt.f32 v1, v2  }
0x34e: {  	v1 =	vsel vm14, $0x1, v0  }
0x34f: {  	[tilespmem:s20+$0xFFFFFFE0] =	vst v1  }
0x350: {  	v1 =	vld [tilespmem:s12+$0xFFFFFFF0]  }
0x351: {  	v2 =	vld [tilespmem:s15+$0x20];
	_ =	sdelay $0x4  }
0x352: {  	vm15 =	vgt.f32 v1, v2  }
0x353: {  	v1 =	vsel vm15, $0x1, v0  }
0x354: {  	[tilespmem:s20+$0xFFFFFFF0] =	vst v1  }
0x355: {  	s29 =	simm.s32 $0x0;
	s30 =	simm.s32 $0xC0C0;
	s22 =	simm.s32 $0xE0F0;
	v1 =	vld [tilespmem:s12+$0x0]  }
.LBB2_46:
0x356: {  	s29 =	sadd.s32 $0x8, s29;
	v2 =	vld [tilespmem:s15+$0x30];
	s12 =	sadd.s32 $0x100, s12;
	s20 =	sadd.s32 $0x100, s20  }
0x357: {  	s15 =	smov.u32 s30;
	p1 =	slt.u32 s29, $0x1F8;
	_ =	sdelay $0x3  }
0x358: {  	vm0 =	vgt.f32 v1, v2  }
0x359: {  	v1 =	vsel vm0, $0x1, v0  }
0x35a: {  	[tilespmem:s22+$0x0] =	vst v1;
	s22 =	smov.u32 s20  }
0x35b: {  	v1 =	vld [tilespmem:s12+$0xFFFFFF90]  }
0x35c: {  	v2 =	vld [tilespmem:s30+$0xFFFFFFC0];
	_ =	sdelay $0x4  }
0x35d: {  	vm0 =	vgt.f32 v1, v2  }
0x35e: {  	v1 =	vsel vm0, $0x1, v0  }
0x35f: {  	[tilespmem:s20+$0xFFFFFF90] =	vst v1  }
0x360: {  	v1 =	vld [tilespmem:s12+$0xFFFFFFA0]  }
0x361: {  	v2 =	vld [tilespmem:s30+$0xFFFFFFD0];
	_ =	sdelay $0x4  }
0x362: {  	vm0 =	vgt.f32 v1, v2  }
0x363: {  	v1 =	vsel vm0, $0x1, v0  }
0x364: {  	[tilespmem:s20+$0xFFFFFFA0] =	vst v1  }
0x365: {  	v1 =	vld [tilespmem:s12+$0xFFFFFFB0]  }
0x366: {  	v2 =	vld [tilespmem:s30+$0xFFFFFFE0];
	_ =	sdelay $0x4  }
0x367: {  	vm0 =	vgt.f32 v1, v2  }
0x368: {  	v1 =	vsel vm0, $0x1, v0  }
0x369: {  	[tilespmem:s20+$0xFFFFFFB0] =	vst v1  }
0x36a: {  	v1 =	vld [tilespmem:s12+$0xFFFFFFC0]  }
0x36b: {  	v2 =	vld [tilespmem:s30+$0xFFFFFFF0];
	_ =	sdelay $0x4  }
0x36c: {  	vm0 =	vgt.f32 v1, v2  }
0x36d: {  	v1 =	vsel vm0, $0x1, v0  }
0x36e: {  	[tilespmem:s20+$0xFFFFFFC0] =	vst v1  }
0x36f: {  	v1 =	vld [tilespmem:s12+$0xFFFFFFD0]  }
0x370: {  	v2 =	vld [tilespmem:s30+$0x0];
	_ =	sdelay $0x4  }
0x371: {  	vm0 =	vgt.f32 v1, v2  }
0x372: {  	v1 =	vsel vm0, $0x1, v0  }
0x373: {  	[tilespmem:s20+$0xFFFFFFD0] =	vst v1  }
0x374: {  	v1 =	vld [tilespmem:s12+$0xFFFFFFE0]  }
0x375: {  	v2 =	vld [tilespmem:s30+$0x10];
	_ =	sdelay $0x4  }
0x376: {  	vm0 =	vgt.f32 v1, v2  }
0x377: {  	v1 =	vsel vm0, $0x1, v0  }
0x378: {  	[tilespmem:s20+$0xFFFFFFE0] =	vst v1  }
0x379: {  	v1 =	vld [tilespmem:s12+$0xFFFFFFF0]  }
0x37a: {  	v2 =	vld [tilespmem:s30+$0x20];
	_ =	sdelay $0x3  }
.Ltmp22:
0x37b: {  	(pc) =	sbr.rel @p1 .LBB2_46-.Ltmp22, $4  }
0x37c: {  	vm0 =	vgt.f32 v1, v2  }
0x37d: {  	v1 =	vsel vm0, $0x1, v0  }
0x37e: {  	[tilespmem:s20+$0xFFFFFFF0] =	vst v1  }
0x37f: {  	s30 =	sadd.s32 $0x80, s30;
	v1 =	vld [tilespmem:s12+$0x0]  }
0x380: {  	v2 =	vld [tilespmem:s15+$0x30];
	_ =	sdelay $0x4  }
0x381: {  	vm0 =	vgt.f32 v1, v2  }
0x382: {  	s12 =	simm.s32 $0xE080;
	v1 =	vsel vm0, $0x1, v0  }
0x383: {  	s15 =	simm.s32 $0x10;
	s20 =	simm.s32 $0xE180;
	[tilespmem:s22+$0x0] =	vst v1;
	s22 =	sadd.s32 $0x0, s28  }
.LBB2_48:
0x384: {  	[hbm4b:s22+s0] =	stream.linear.scatter [tilespmem:s12], [sflag:$0x3], $0x80, $0x38;
	[tilespmem:$0x12000] =	vst v63  }
0x385: {  	s22 =	smov.u32 s15;
	s12 =	smov.u32 s20;
	p1 =	sne.s32 s15, $0x3F0  }
.Ltmp23:
0x386: {  	s15 =	sadd.s32 $0x10, s15;
	(pc) =	sbr.rel @p1 .LBB2_48-.Ltmp23, $2  }
0x387: {  	_ =	sdelay $0x2  }
0x388: {  	s20 =	sadd.s32 $0x100, s20;
	s22 =	sadd.s32 s22, s28  }
0x389: {  	[hbm4b:s22+s0] =	stream.linear.scatter [tilespmem:s12], [sflag:$0x3], $0x80, $0x38;
	[tilespmem:$0x12000] =	vst v63  }
0x38a: {  	_ =	swait.ge [sflag:s6], $0x2000  }
0x38b: {  	[sflag:s6] =	ssyncset.done $0x0  }
0x38c: {  	[sflag:s6] =	ssyncadd.s32 $0xFFFFE000  }
0x38d: {  	_ =	swait.ge [sflag:s6], $0x2000  }
0x38e: {  	s9 =	sadd.s32 $0x1, s9;
	s30 =	rddreg [dreg:$0xc]  }
0x38f: {  	p1 =	sne.s32 s9, s30  }
.Ltmp24:
0x390: {  	_ = 	snop;
	(pc) =	sbr.rel @p1 .LBB2_1-.Ltmp24, $3  }
0x391: {  	_ =	sdelay $0x1  }
0x392: {  	[sflag:s6] =	ssyncset.done $0x0  }
0x393: {  	[sflag:s6] =	ssyncadd.s32 $0xFFFFE000  }
0x394: {  	_ =	sfence.sel $0x180000  }
0x395: {  	[bflag:$0x0] =	sbarrier.arrive $0xFFFF  }
0x396: {  	_ =	strace $0x90000047  }
0x397: {  	[bflag:$0x2] =	sbarrier.arrive $0xFFFF  }
0x398: {  	s0 =	rddreg [dreg:$0x3]  }
0x399: {  	s0 =	sadd.s32 @!p0 $0x100000, s0  }
0x39a: {  	[sflag:s0] =	ssyncadd.tile.s32 @!p0 $0x1;
	_ =	shalt  }
.Lfunc_end2:
_tile_overlayer_lowered:
.L_overlay_start_2:
0x39b: {  	(tag) =	ssettag $0x2  }
0x39c: {  	s0 =	rddreg [dreg:$0x0];
	s2 =	stileid.u32  }
0x39d: {  	s1 =	rddreg [dreg:$0x1];
	p0 =	sne.s32 s2, $0x0  }
0x39e: {  	s3 =	rddreg [dreg:$0x2];
	[bflag:$0x3] =	sbarrier.arrive $0xFFFF;
	s2 =	simm.s32 @!p0 $0x1C04  }
0x39f: {  	[timem:s3], [sflag:s2] =	dma.local @!p0 [hbm:s0], s1  }
0x3a0: {  	s0 =	simm.s32 @!p0 $0x4  }
0x3a1: {  	_ =	swait.ge @!p0 [sflag:s0], s1  }
0x3a2: {  	s1 =	ssub.s32 @!p0 $0x0, s1;
	[sflag:s0] =	ssyncset.done @!p0 $0x0  }
0x3a3: {  	[sflag:s0] =	ssyncadd.s32 @!p0 s1  }
0x3a4: {  	[bflag:$0x3] =	sbarrier.arrive $0xFFFF  }
0x3a5: {  	_ =	shalt  }

</sc_bundles>
